<compile_context>
chip_gen: v7x
topology: tpu7x:2x2x1
jax: 0.10.2.dev20260603
libtpu: 0.0.44.dev20260713+nightly
codegen_flags: <defaults>
</compile_context>

<pallas_src>
import functools

import jax
import jax.numpy as jnp
from jax import lax
from jax.experimental import pallas as pl
from jax.experimental.pallas import tpu as pltpu
from jax.experimental.pallas import tpu_sc as plsc

_N = 10000
_E = 320000
_D = 128
_NC = 2
_NS = 16
_CHUNK = 128
_CPT = 80
_NCHUNKS = _NC * _NS * _CPT
_EPAD = _NCHUNKS * _CHUNK
_RPT = 632
_NPAD = _NS * _RPT
_ZB = 40

_mesh = plsc.VectorSubcoreMesh(core_axis_name="c", subcore_axis_name="s")


@functools.partial(
    pl.kernel,
    out_type=jax.ShapeDtypeStruct((_NC * _NPAD, _D), jnp.float32),
    mesh=_mesh,
    scratch_types=[
        pltpu.VMEM((_CPT // 2, _CHUNK), jnp.int32),
        pltpu.VMEM((_CPT // 2, _CHUNK), jnp.int32),
        pltpu.VMEM((_CHUNK, _D), jnp.float32),
        pltpu.VMEM((_CHUNK, _D), jnp.float32),
        pltpu.VMEM((_ZB, _D), jnp.float32),
        pltpu.VMEM_SHARED((_NPAD, _D), jnp.float32),
        pltpu.SemaphoreType.DMA,
        pltpu.SemaphoreType.DMA,
    ],
)
def _sc_agg(h_hbm, src_hbm, dst_hbm, out_hbm, idx_s, idx_d,
            rows_a, rows_b, zbuf, acc, sem_a, sem_b):
    c = lax.axis_index("c")
    s = lax.axis_index("s")
    wid = c * _NS + s
    r0 = s * _RPT
    cbase = wid * _CPT

    _HC = _CPT // 2
    for hi in range(2):
        pltpu.sync_copy(src_hbm.at[pl.ds(cbase + hi * _HC, _HC)], idx_s)
        pltpu.sync_copy(dst_hbm.at[pl.ds(cbase + hi * _HC, _HC)], idx_d)
        pltpu.async_copy(h_hbm.at[idx_s.at[0]], rows_a, sem_a)
        pltpu.async_copy(h_hbm.at[idx_s.at[1]], rows_b, sem_b)
        if hi == 0:
            def zrow(i, carry):
                for k in range(_D // 16):
                    zbuf[i, pl.ds(16 * k, 16)] = jnp.zeros((16,), jnp.float32)
                return carry

            lax.fori_loop(0, _ZB, zrow, None)
            for k in range(_RPT // _ZB):
                pltpu.sync_copy(zbuf, acc.at[pl.ds(r0 + _ZB * k, _ZB)])
            pltpu.sync_copy(zbuf.at[pl.ds(0, _RPT % _ZB)],
                            acc.at[pl.ds(r0 + _RPT - _RPT % _ZB, _RPT % _ZB)])
            plsc.subcore_barrier()

        def body(i, carry):
            j = 2 * i
            pltpu.make_async_copy(h_hbm.at[idx_s.at[j]], rows_a, sem_a).wait()
            pltpu.sync_copy(rows_a, acc.at[idx_d.at[j]], add=True)

            @pl.when(i < _HC // 2 - 1)
            def _():
                pltpu.async_copy(h_hbm.at[idx_s.at[j + 2]], rows_a, sem_a)

            pltpu.make_async_copy(h_hbm.at[idx_s.at[j + 1]], rows_b, sem_b).wait()
            pltpu.sync_copy(rows_b, acc.at[idx_d.at[j + 1]], add=True)

            @pl.when(i < _HC // 2 - 1)
            def _():
                pltpu.async_copy(h_hbm.at[idx_s.at[j + 3]], rows_b, sem_b)

            return carry

        lax.fori_loop(0, _HC // 2, body, None)
    plsc.subcore_barrier()
    pltpu.sync_copy(acc.at[pl.ds(r0, _RPT)],
                    out_hbm.at[pl.ds(c * _NPAD + r0, _RPT)])


def _mlp_body(x_ref, p0_ref, p1_ref, w1_ref, b1_ref, w2_ref, b2_ref, o_ref):
    h = x_ref[...] + p0_ref[0] + p1_ref[0]
    h1 = jnp.maximum(
        jnp.dot(h, w1_ref[...], preferred_element_type=jnp.float32) + b1_ref[...],
        0.0)
    o_ref[...] = (
        jnp.dot(h1, w2_ref[...], preferred_element_type=jnp.float32) + b2_ref[...])


_BR = 5000


def _tc_mlp(x, parts, w1, b1, w2, b2):
    wspec = pl.BlockSpec((_D, _D), lambda i: (0, 0))
    bspec = pl.BlockSpec((1, _D), lambda i: (0, 0))
    return pl.pallas_call(
        _mlp_body,
        grid=(_N // _BR,),
        in_specs=[
            pl.BlockSpec((_BR, _D), lambda i: (i, 0)),
            pl.BlockSpec((1, _BR, _D), lambda i: (0, i, 0)),
            pl.BlockSpec((1, _BR, _D), lambda i: (1, i, 0)),
            wspec, bspec, wspec, bspec,
        ],
        out_specs=pl.BlockSpec((_BR, _D), lambda i: (i, 0)),
        out_shape=jax.ShapeDtypeStruct((_N, _D), jnp.float32),
    )(x, parts, parts, w1, b1.reshape(1, _D), w2, b2.reshape(1, _D))


def kernel(x, edge_index, W1_0, b1_0, W2_0, b2_0, W1_1, b1_1, W2_1, b2_1,
           W1_2, b1_2, W2_2, b2_2):
    pad = _EPAD - _E
    ar = jnp.arange(pad, dtype=jnp.int32)
    src = jnp.concatenate([edge_index[0], (ar * 37) % _N]).reshape(_NCHUNKS, _CHUNK)
    dst = jnp.concatenate(
        [edge_index[1], _N + ar % (_NPAD - _N)]).reshape(_NCHUNKS, _CHUNK)

    h = x
    for (w1, b1, w2, b2) in ((W1_0, b1_0, W2_0, b2_0),
                             (W1_1, b1_1, W2_1, b2_1),
                             (W1_2, b1_2, W2_2, b2_2)):
        parts = _sc_agg(h, src, dst).reshape(_NC, _NPAD, _D)
        h = _tc_mlp(h, parts, w1, b1, w2, b2)
    return h

# --- scband reference (transcript-rebuilt; emitter-appended) ---
"""Pipeline reference for scband-simple-gin-37572373906144 (READ-ONLY COPY).

The authoritative reference and input builder live on the scoring server;
editing this copy changes nothing except your own understanding.
"""

import jax, jax.numpy as jnp
import numpy as np

N = 10000
E = 320000
D_IN = 128
D_H = 128
D_OUT = 128


def setup_inputs(seed: int = 0) -> dict:
    key = jax.random.key(seed)
    ks = jax.random.split(key, 16)
    inp = {}
    inp["x"] = jax.random.normal(ks[0], (N, D_IN), dtype=jnp.float32)
    inp["edge_index"] = jax.random.randint(ks[1], (2, E), 0, N, dtype=jnp.int32)
    dims = [(D_IN, D_H, D_H), (D_H, D_H, D_H), (D_H, D_H, D_OUT)]
    k = 2
    for i, (di, dh, do) in enumerate(dims):
        inp[f"W1_{i}"] = jax.random.normal(ks[k], (di, dh), dtype=jnp.float32) * (1.0 / np.sqrt(di)); k += 1
        inp[f"b1_{i}"] = jnp.zeros((dh,), dtype=jnp.float32)
        inp[f"W2_{i}"] = jax.random.normal(ks[k], (dh, do), dtype=jnp.float32) * (1.0 / np.sqrt(dh)); k += 1
        inp[f"b2_{i}"] = jnp.zeros((do,), dtype=jnp.float32)
    return inp


def _gin_layer(x, src, dst, W1, b1, W2, b2):
    # GIN aggregation: sum of neighbor features via scatter-add, eps=0
    agg = jnp.zeros((x.shape[0], x.shape[1]), dtype=x.dtype).at[dst].add(x[src])
    h = x + agg  # (1 + eps) * x + sum_neighbors, eps = 0
    # update MLP: Linear -> ReLU -> Linear (normalization='none', dropout inactive in eval)
    h = jnp.maximum(jnp.dot(h, W1) + b1, 0.0)
    return jnp.dot(h, W2) + b2


def reference(x, edge_index, W1_0, b1_0, W2_0, b2_0, W1_1, b1_1, W2_1, b2_1, W1_2, b1_2, W2_2, b2_2):
    src, dst = edge_index[0], edge_index[1]
    h = _gin_layer(x, src, dst, W1_0, b1_0, W2_0, b2_0)
    h = _gin_layer(h, src, dst, W1_1, b1_1, W2_1, b2_1)
    h = _gin_layer(h, src, dst, W1_2, b1_2, W2_2, b2_2)
    return h

if __name__ == "__main__":
    import jax
    _d = setup_inputs()
    print(jax.jit(kernel)(*tuple(_d.values())))

</pallas_src>

<mosaic_0001>
#map = affine_map<(d0, d1) -> (0, 0)>
module attributes {stable_mosaic.version = 14 : i64} {
  func.func @_sc_agg(%arg0: i32, %arg1: i32, %arg2: memref<10000x128xf32, #tpu.memory_space<hbm>>, %arg3: memref<2560x128xi32, #tpu.memory_space<hbm>>, %arg4: memref<2560x128xi32, #tpu.memory_space<hbm>>, %arg5: memref<20224x128xf32, #tpu.memory_space<hbm>>, %arg6: memref<40x128xi32, #tpu.memory_space<vmem>>, %arg7: memref<40x128xi32, #tpu.memory_space<vmem>>, %arg8: memref<128x128xf32, #tpu.memory_space<vmem>>, %arg9: memref<128x128xf32, #tpu.memory_space<vmem>>, %arg10: memref<40x128xf32, #tpu.memory_space<vmem>>, %arg11: memref<10112x128xf32, #tpu.memory_space<vmem_shared>>, %arg12: memref<!tpu.dma_semaphore, #tpu.memory_space<semaphore_mem>>, %arg13: memref<!tpu.dma_semaphore, #tpu.memory_space<semaphore_mem>>) attributes {dimension_semantics = [#tpu.dimension_semantics<core_parallel>, #tpu.dimension_semantics<subcore_parallel>], iteration_bounds = array<i64: 2, 16>, scalar_prefetch = 0 : i64, scratch_operands = 8 : i64, tpu.core_type = #tpu.core_type<sc_vector_subcore>, window_params = [{transform_indices = #map}, {transform_indices = #map}, {transform_indices = #map}, {transform_indices = #map}]} {
    %mul3A = arith.constant 16 : i32
    %mul3A_0 = arith.muli %arg0, %mul3A : i32
    %add3A = arith.addi %mul3A_0, %arg1 : i32
    %mul3A_1 = arith.constant 632 : i32
    %mul3A_2 = arith.muli %arg1, %mul3A_1 : i32
    %mul3A_3 = arith.constant 80 : i32
    %mul3A_4 = arith.muli %add3A, %mul3A_3 : i32
    %add3A_5 = arith.constant 0 : i32
    %add3A_6 = arith.addi %mul3A_4, %add3A_5 : i32
    "tpu.region"() ({
      %run_scoped3A = tpu.sem_alloc : memref<!tpu.dma_semaphore, #tpu.memory_space<semaphore_mem>>
      %dma_start3A_91 = arith.constant 0 : i32
      %dma_start3A_92 = tpu.memref_slice %arg3[%add3A_6, %dma_start3A_91] : memref<2560x128xi32, #tpu.memory_space<hbm>> -> memref<40x128xi32, #tpu.memory_space<hbm>>
      %dma_start3A_93 = arith.constant 0 : i32
      %dma_start3A_94 = tpu.memref_slice %arg3[%add3A_6, %dma_start3A_93] : memref<2560x128xi32, #tpu.memory_space<hbm>> -> memref<40x128xi32, #tpu.memory_space<hbm>>
      tpu.enqueue_dma source(%dma_start3A_94 : memref<40x128xi32, #tpu.memory_space<hbm>>) target(%arg6 : memref<40x128xi32, #tpu.memory_space<vmem>>) target_semaphore(%run_scoped3A : memref<!tpu.dma_semaphore, #tpu.memory_space<semaphore_mem>>)
      %dma_wait3A = arith.constant 0 : i32
      %dma_wait3A_95 = tpu.memref_slice %arg3[%add3A_6, %dma_wait3A] : memref<2560x128xi32, #tpu.memory_space<hbm>> -> memref<40x128xi32, #tpu.memory_space<hbm>>
      %dma_wait3A_96 = arith.constant 0 : i32
      %dma_wait3A_97 = tpu.memref_slice %arg3[%add3A_6, %dma_wait3A_96] : memref<2560x128xi32, #tpu.memory_space<hbm>> -> memref<40x128xi32, #tpu.memory_space<hbm>>
      tpu.wait_dma2 semaphore(%run_scoped3A : memref<!tpu.dma_semaphore, #tpu.memory_space<semaphore_mem>>) src(%dma_wait3A_97 : memref<40x128xi32, #tpu.memory_space<hbm>>) dst(%arg6 : memref<40x128xi32, #tpu.memory_space<vmem>>)
      tpu.yield
    }) : () -> ()
    %add3A_7 = arith.constant 0 : i32
    %add3A_8 = arith.addi %mul3A_4, %add3A_7 : i32
    "tpu.region"() ({
      %run_scoped3A = tpu.sem_alloc : memref<!tpu.dma_semaphore, #tpu.memory_space<semaphore_mem>>
      %dma_start3A_91 = arith.constant 0 : i32
      %dma_start3A_92 = tpu.memref_slice %arg4[%add3A_8, %dma_start3A_91] : memref<2560x128xi32, #tpu.memory_space<hbm>> -> memref<40x128xi32, #tpu.memory_space<hbm>>
      %dma_start3A_93 = arith.constant 0 : i32
      %dma_start3A_94 = tpu.memref_slice %arg4[%add3A_8, %dma_start3A_93] : memref<2560x128xi32, #tpu.memory_space<hbm>> -> memref<40x128xi32, #tpu.memory_space<hbm>>
      tpu.enqueue_dma source(%dma_start3A_94 : memref<40x128xi32, #tpu.memory_space<hbm>>) target(%arg7 : memref<40x128xi32, #tpu.memory_space<vmem>>) target_semaphore(%run_scoped3A : memref<!tpu.dma_semaphore, #tpu.memory_space<semaphore_mem>>)
      %dma_wait3A = arith.constant 0 : i32
      %dma_wait3A_95 = tpu.memref_slice %arg4[%add3A_8, %dma_wait3A] : memref<2560x128xi32, #tpu.memory_space<hbm>> -> memref<40x128xi32, #tpu.memory_space<hbm>>
      %dma_wait3A_96 = arith.constant 0 : i32
      %dma_wait3A_97 = tpu.memref_slice %arg4[%add3A_8, %dma_wait3A_96] : memref<2560x128xi32, #tpu.memory_space<hbm>> -> memref<40x128xi32, #tpu.memory_space<hbm>>
      tpu.wait_dma2 semaphore(%run_scoped3A : memref<!tpu.dma_semaphore, #tpu.memory_space<semaphore_mem>>) src(%dma_wait3A_97 : memref<40x128xi32, #tpu.memory_space<hbm>>) dst(%arg7 : memref<40x128xi32, #tpu.memory_space<vmem>>)
      tpu.yield
    }) : () -> ()
    %dma_start3A = arith.constant 0 : i32
    %dma_start3A_9 = arith.constant 0 : i32
    %dma_start3A_10 = tpu.memref_slice %arg6[%dma_start3A, %dma_start3A_9] : memref<40x128xi32, #tpu.memory_space<vmem>> -> memref<1x128xi32, #tpu.memory_space<vmem>>
    %dma_start3A_11 = tpu.memref_squeeze %dma_start3A_10 : memref<1x128xi32, #tpu.memory_space<vmem>> -> memref<128xi32, #tpu.memory_space<vmem>>
    %dma_start3A_12 = arith.constant 0 : i32
    %dma_start3A_13 = arith.constant 0 : i32
    %dma_start3A_14 = tpu.memref_slice %arg2[%dma_start3A_12, %dma_start3A_13] : memref<10000x128xf32, #tpu.memory_space<hbm>> -> memref<10000x128xf32, #tpu.memory_space<hbm>>
    tpu.enqueue_indirect_dma source(%dma_start3A_14 : memref<10000x128xf32, #tpu.memory_space<hbm>>) target(%arg8 : memref<128x128xf32, #tpu.memory_space<vmem>>) offsets(%dma_start3A_11 : memref<128xi32, #tpu.memory_space<vmem>>) semaphore(%arg12 : memref<!tpu.dma_semaphore, #tpu.memory_space<semaphore_mem>>)
    %dma_start3A_15 = arith.constant 1 : i32
    %dma_start3A_16 = arith.constant 0 : i32
    %dma_start3A_17 = tpu.memref_slice %arg6[%dma_start3A_15, %dma_start3A_16] : memref<40x128xi32, #tpu.memory_space<vmem>> -> memref<1x128xi32, #tpu.memory_space<vmem>>
    %dma_start3A_18 = tpu.memref_squeeze %dma_start3A_17 : memref<1x128xi32, #tpu.memory_space<vmem>> -> memref<128xi32, #tpu.memory_space<vmem>>
    %dma_start3A_19 = arith.constant 0 : i32
    %dma_start3A_20 = arith.constant 0 : i32
    %dma_start3A_21 = tpu.memref_slice %arg2[%dma_start3A_19, %dma_start3A_20] : memref<10000x128xf32, #tpu.memory_space<hbm>> -> memref<10000x128xf32, #tpu.memory_space<hbm>>
    tpu.enqueue_indirect_dma source(%dma_start3A_21 : memref<10000x128xf32, #tpu.memory_space<hbm>>) target(%arg9 : memref<128x128xf32, #tpu.memory_space<vmem>>) offsets(%dma_start3A_18 : memref<128xi32, #tpu.memory_space<vmem>>) semaphore(%arg13 : memref<!tpu.dma_semaphore, #tpu.memory_space<semaphore_mem>>)
    %scan3A = arith.constant 0 : i32
    %scan3A_22 = arith.constant 40 : i32
    %scan3A_23 = arith.addi %scan3A, %scan3A_22 : i32
    %scan3A_24 = arith.constant 1 : i32
    scf.for %scan3A_91 = %scan3A to %scan3A_23 step %scan3A_24  : i32 {
      %broadcast_in_dim3A = arith.constant 0.000000e+00 : f32
      %broadcast_in_dim3A_92 = vector.broadcast %broadcast_in_dim3A : f32 to vector<16xf32>
      %swap3A = arith.index_cast %scan3A_91 : i32 to index
      %swap3A_93 = arith.constant 0 : index
      %swap3A_94 = tpu.vector_load %arg10[%swap3A, %swap3A_93] {strides = array<i32>} : memref<40x128xf32, #tpu.memory_space<vmem>>, vector<1x16xf32>,
      %swap3A_95 = vector.shape_cast %swap3A_94 : vector<1x16xf32> to vector<16xf32>
      %swap3A_96 = vector.shape_cast %broadcast_in_dim3A_92 : vector<16xf32> to vector<1x16xf32>
      tpu.vector_store %arg10[%swap3A, %swap3A_93], %swap3A_96 {strides = array<i32>} : memref<40x128xf32, #tpu.memory_space<vmem>>, vector<1x16xf32>,
      %broadcast_in_dim3A_97 = arith.constant 0.000000e+00 : f32
      %broadcast_in_dim3A_98 = vector.broadcast %broadcast_in_dim3A_97 : f32 to vector<16xf32>
      %swap3A_99 = arith.index_cast %scan3A_91 : i32 to index
      %swap3A_100 = arith.constant 16 : index
      %swap3A_101 = tpu.vector_load %arg10[%swap3A_99, %swap3A_100] {strides = array<i32>} : memref<40x128xf32, #tpu.memory_space<vmem>>, vector<1x16xf32>,
      %swap3A_102 = vector.shape_cast %swap3A_101 : vector<1x16xf32> to vector<16xf32>
      %swap3A_103 = vector.shape_cast %broadcast_in_dim3A_98 : vector<16xf32> to vector<1x16xf32>
      tpu.vector_store %arg10[%swap3A_99, %swap3A_100], %swap3A_103 {strides = array<i32>} : memref<40x128xf32, #tpu.memory_space<vmem>>, vector<1x16xf32>,
      %broadcast_in_dim3A_104 = arith.constant 0.000000e+00 : f32
      %broadcast_in_dim3A_105 = vector.broadcast %broadcast_in_dim3A_104 : f32 to vector<16xf32>
      %swap3A_106 = arith.index_cast %scan3A_91 : i32 to index
      %swap3A_107 = arith.constant 32 : index
      %swap3A_108 = tpu.vector_load %arg10[%swap3A_106, %swap3A_107] {strides = array<i32>} : memref<40x128xf32, #tpu.memory_space<vmem>>, vector<1x16xf32>,
      %swap3A_109 = vector.shape_cast %swap3A_108 : vector<1x16xf32> to vector<16xf32>
      %swap3A_110 = vector.shape_cast %broadcast_in_dim3A_105 : vector<16xf32> to vector<1x16xf32>
      tpu.vector_store %arg10[%swap3A_106, %swap3A_107], %swap3A_110 {strides = array<i32>} : memref<40x128xf32, #tpu.memory_space<vmem>>, vector<1x16xf32>,
      %broadcast_in_dim3A_111 = arith.constant 0.000000e+00 : f32
      %broadcast_in_dim3A_112 = vector.broadcast %broadcast_in_dim3A_111 : f32 to vector<16xf32>
      %swap3A_113 = arith.index_cast %scan3A_91 : i32 to index
      %swap3A_114 = arith.constant 48 : index
      %swap3A_115 = tpu.vector_load %arg10[%swap3A_113, %swap3A_114] {strides = array<i32>} : memref<40x128xf32, #tpu.memory_space<vmem>>, vector<1x16xf32>,
      %swap3A_116 = vector.shape_cast %swap3A_115 : vector<1x16xf32> to vector<16xf32>
      %swap3A_117 = vector.shape_cast %broadcast_in_dim3A_112 : vector<16xf32> to vector<1x16xf32>
      tpu.vector_store %arg10[%swap3A_113, %swap3A_114], %swap3A_117 {strides = array<i32>} : memref<40x128xf32, #tpu.memory_space<vmem>>, vector<1x16xf32>,
      %broadcast_in_dim3A_118 = arith.constant 0.000000e+00 : f32
      %broadcast_in_dim3A_119 = vector.broadcast %broadcast_in_dim3A_118 : f32 to vector<16xf32>
      %swap3A_120 = arith.index_cast %scan3A_91 : i32 to index
      %swap3A_121 = arith.constant 64 : index
      %swap3A_122 = tpu.vector_load %arg10[%swap3A_120, %swap3A_121] {strides = array<i32>} : memref<40x128xf32, #tpu.memory_space<vmem>>, vector<1x16xf32>,
      %swap3A_123 = vector.shape_cast %swap3A_122 : vector<1x16xf32> to vector<16xf32>
      %swap3A_124 = vector.shape_cast %broadcast_in_dim3A_119 : vector<16xf32> to vector<1x16xf32>
      tpu.vector_store %arg10[%swap3A_120, %swap3A_121], %swap3A_124 {strides = array<i32>} : memref<40x128xf32, #tpu.memory_space<vmem>>, vector<1x16xf32>,
      %broadcast_in_dim3A_125 = arith.constant 0.000000e+00 : f32
      %broadcast_in_dim3A_126 = vector.broadcast %broadcast_in_dim3A_125 : f32 to vector<16xf32>
      %swap3A_127 = arith.index_cast %scan3A_91 : i32 to index
      %swap3A_128 = arith.constant 80 : index
      %swap3A_129 = tpu.vector_load %arg10[%swap3A_127, %swap3A_128] {strides = array<i32>} : memref<40x128xf32, #tpu.memory_space<vmem>>, vector<1x16xf32>,
      %swap3A_130 = vector.shape_cast %swap3A_129 : vector<1x16xf32> to vector<16xf32>
      %swap3A_131 = vector.shape_cast %broadcast_in_dim3A_126 : vector<16xf32> to vector<1x16xf32>
      tpu.vector_store %arg10[%swap3A_127, %swap3A_128], %swap3A_131 {strides = array<i32>} : memref<40x128xf32, #tpu.memory_space<vmem>>, vector<1x16xf32>,
      %broadcast_in_dim3A_132 = arith.constant 0.000000e+00 : f32
      %broadcast_in_dim3A_133 = vector.broadcast %broadcast_in_dim3A_132 : f32 to vector<16xf32>
      %swap3A_134 = arith.index_cast %scan3A_91 : i32 to index
      %swap3A_135 = arith.constant 96 : index
      %swap3A_136 = tpu.vector_load %arg10[%swap3A_134, %swap3A_135] {strides = array<i32>} : memref<40x128xf32, #tpu.memory_space<vmem>>, vector<1x16xf32>,
      %swap3A_137 = vector.shape_cast %swap3A_136 : vector<1x16xf32> to vector<16xf32>
      %swap3A_138 = vector.shape_cast %broadcast_in_dim3A_133 : vector<16xf32> to vector<1x16xf32>
      tpu.vector_store %arg10[%swap3A_134, %swap3A_135], %swap3A_138 {strides = array<i32>} : memref<40x128xf32, #tpu.memory_space<vmem>>, vector<1x16xf32>,
      %broadcast_in_dim3A_139 = arith.constant 0.000000e+00 : f32
      %broadcast_in_dim3A_140 = vector.broadcast %broadcast_in_dim3A_139 : f32 to vector<16xf32>
      %swap3A_141 = arith.index_cast %scan3A_91 : i32 to index
      %swap3A_142 = arith.constant 112 : index
      %swap3A_143 = tpu.vector_load %arg10[%swap3A_141, %swap3A_142] {strides = array<i32>} : memref<40x128xf32, #tpu.memory_space<vmem>>, vector<1x16xf32>,
      %swap3A_144 = vector.shape_cast %swap3A_143 : vector<1x16xf32> to vector<16xf32>
      %swap3A_145 = vector.shape_cast %broadcast_in_dim3A_140 : vector<16xf32> to vector<1x16xf32>
      tpu.vector_store %arg10[%swap3A_141, %swap3A_142], %swap3A_145 {strides = array<i32>} : memref<40x128xf32, #tpu.memory_space<vmem>>, vector<1x16xf32>,
    }
    %scan3A_25 = arith.constant 40 : i32
    %add3A_26 = arith.constant 0 : i32
    %add3A_27 = arith.addi %mul3A_2, %add3A_26 : i32
    "tpu.region"() ({
      %run_scoped3A = tpu.sem_alloc : memref<!tpu.dma_semaphore, #tpu.memory_space<semaphore_mem>>
      %dma_start3A_91 = arith.constant 0 : i32
      %dma_start3A_92 = tpu.memref_slice %arg11[%add3A_27, %dma_start3A_91] : memref<10112x128xf32, #tpu.memory_space<vmem_shared>> -> memref<40x128xf32, #tpu.memory_space<vmem_shared>>
      %dma_start3A_93 = arith.constant 0 : i32
      %dma_start3A_94 = tpu.memref_slice %arg11[%add3A_27, %dma_start3A_93] : memref<10112x128xf32, #tpu.memory_space<vmem_shared>> -> memref<40x128xf32, #tpu.memory_space<vmem_shared>>
      tpu.enqueue_dma source(%arg10 : memref<40x128xf32, #tpu.memory_space<vmem>>) target(%dma_start3A_94 : memref<40x128xf32, #tpu.memory_space<vmem_shared>>) target_semaphore(%run_scoped3A : memref<!tpu.dma_semaphore, #tpu.memory_space<semaphore_mem>>)
      %dma_wait3A = arith.constant 0 : i32
      %dma_wait3A_95 = tpu.memref_slice %arg11[%add3A_27, %dma_wait3A] : memref<10112x128xf32, #tpu.memory_space<vmem_shared>> -> memref<40x128xf32, #tpu.memory_space<vmem_shared>>
      %dma_wait3A_96 = arith.constant 0 : i32
      %dma_wait3A_97 = tpu.memref_slice %arg11[%add3A_27, %dma_wait3A_96] : memref<10112x128xf32, #tpu.memory_space<vmem_shared>> -> memref<40x128xf32, #tpu.memory_space<vmem_shared>>
      tpu.wait_dma2 semaphore(%run_scoped3A : memref<!tpu.dma_semaphore, #tpu.memory_space<semaphore_mem>>) src(%arg10 : memref<40x128xf32, #tpu.memory_space<vmem>>) dst(%dma_wait3A_97 : memref<40x128xf32, #tpu.memory_space<vmem_shared>>)
      tpu.yield
    }) : () -> ()
    %add3A_28 = arith.constant 40 : i32
    %add3A_29 = arith.addi %mul3A_2, %add3A_28 : i32
    "tpu.region"() ({
      %run_scoped3A = tpu.sem_alloc : memref<!tpu.dma_semaphore, #tpu.memory_space<semaphore_mem>>
      %dma_start3A_91 = arith.constant 0 : i32
      %dma_start3A_92 = tpu.memref_slice %arg11[%add3A_29, %dma_start3A_91] : memref<10112x128xf32, #tpu.memory_space<vmem_shared>> -> memref<40x128xf32, #tpu.memory_space<vmem_shared>>
      %dma_start3A_93 = arith.constant 0 : i32
      %dma_start3A_94 = tpu.memref_slice %arg11[%add3A_29, %dma_start3A_93] : memref<10112x128xf32, #tpu.memory_space<vmem_shared>> -> memref<40x128xf32, #tpu.memory_space<vmem_shared>>
      tpu.enqueue_dma source(%arg10 : memref<40x128xf32, #tpu.memory_space<vmem>>) target(%dma_start3A_94 : memref<40x128xf32, #tpu.memory_space<vmem_shared>>) target_semaphore(%run_scoped3A : memref<!tpu.dma_semaphore, #tpu.memory_space<semaphore_mem>>)
      %dma_wait3A = arith.constant 0 : i32
      %dma_wait3A_95 = tpu.memref_slice %arg11[%add3A_29, %dma_wait3A] : memref<10112x128xf32, #tpu.memory_space<vmem_shared>> -> memref<40x128xf32, #tpu.memory_space<vmem_shared>>
      %dma_wait3A_96 = arith.constant 0 : i32
      %dma_wait3A_97 = tpu.memref_slice %arg11[%add3A_29, %dma_wait3A_96] : memref<10112x128xf32, #tpu.memory_space<vmem_shared>> -> memref<40x128xf32, #tpu.memory_space<vmem_shared>>
      tpu.wait_dma2 semaphore(%run_scoped3A : memref<!tpu.dma_semaphore, #tpu.memory_space<semaphore_mem>>) src(%arg10 : memref<40x128xf32, #tpu.memory_space<vmem>>) dst(%dma_wait3A_97 : memref<40x128xf32, #tpu.memory_space<vmem_shared>>)
      tpu.yield
    }) : () -> ()
    %add3A_30 = arith.constant 80 : i32
    %add3A_31 = arith.addi %mul3A_2, %add3A_30 : i32
    "tpu.region"() ({
      %run_scoped3A = tpu.sem_alloc : memref<!tpu.dma_semaphore, #tpu.memory_space<semaphore_mem>>
      %dma_start3A_91 = arith.constant 0 : i32
      %dma_start3A_92 = tpu.memref_slice %arg11[%add3A_31, %dma_start3A_91] : memref<10112x128xf32, #tpu.memory_space<vmem_shared>> -> memref<40x128xf32, #tpu.memory_space<vmem_shared>>
      %dma_start3A_93 = arith.constant 0 : i32
      %dma_start3A_94 = tpu.memref_slice %arg11[%add3A_31, %dma_start3A_93] : memref<10112x128xf32, #tpu.memory_space<vmem_shared>> -> memref<40x128xf32, #tpu.memory_space<vmem_shared>>
      tpu.enqueue_dma source(%arg10 : memref<40x128xf32, #tpu.memory_space<vmem>>) target(%dma_start3A_94 : memref<40x128xf32, #tpu.memory_space<vmem_shared>>) target_semaphore(%run_scoped3A : memref<!tpu.dma_semaphore, #tpu.memory_space<semaphore_mem>>)
      %dma_wait3A = arith.constant 0 : i32
      %dma_wait3A_95 = tpu.memref_slice %arg11[%add3A_31, %dma_wait3A] : memref<10112x128xf32, #tpu.memory_space<vmem_shared>> -> memref<40x128xf32, #tpu.memory_space<vmem_shared>>
      %dma_wait3A_96 = arith.constant 0 : i32
      %dma_wait3A_97 = tpu.memref_slice %arg11[%add3A_31, %dma_wait3A_96] : memref<10112x128xf32, #tpu.memory_space<vmem_shared>> -> memref<40x128xf32, #tpu.memory_space<vmem_shared>>
      tpu.wait_dma2 semaphore(%run_scoped3A : memref<!tpu.dma_semaphore, #tpu.memory_space<semaphore_mem>>) src(%arg10 : memref<40x128xf32, #tpu.memory_space<vmem>>) dst(%dma_wait3A_97 : memref<40x128xf32, #tpu.memory_space<vmem_shared>>)
      tpu.yield
    }) : () -> ()
    %add3A_32 = arith.constant 120 : i32
    %add3A_33 = arith.addi %mul3A_2, %add3A_32 : i32
    "tpu.region"() ({
      %run_scoped3A = tpu.sem_alloc : memref<!tpu.dma_semaphore, #tpu.memory_space<semaphore_mem>>
      %dma_start3A_91 = arith.constant 0 : i32
      %dma_start3A_92 = tpu.memref_slice %arg11[%add3A_33, %dma_start3A_91] : memref<10112x128xf32, #tpu.memory_space<vmem_shared>> -> memref<40x128xf32, #tpu.memory_space<vmem_shared>>
      %dma_start3A_93 = arith.constant 0 : i32
      %dma_start3A_94 = tpu.memref_slice %arg11[%add3A_33, %dma_start3A_93] : memref<10112x128xf32, #tpu.memory_space<vmem_shared>> -> memref<40x128xf32, #tpu.memory_space<vmem_shared>>
      tpu.enqueue_dma source(%arg10 : memref<40x128xf32, #tpu.memory_space<vmem>>) target(%dma_start3A_94 : memref<40x128xf32, #tpu.memory_space<vmem_shared>>) target_semaphore(%run_scoped3A : memref<!tpu.dma_semaphore, #tpu.memory_space<semaphore_mem>>)
      %dma_wait3A = arith.constant 0 : i32
      %dma_wait3A_95 = tpu.memref_slice %arg11[%add3A_33, %dma_wait3A] : memref<10112x128xf32, #tpu.memory_space<vmem_shared>> -> memref<40x128xf32, #tpu.memory_space<vmem_shared>>
      %dma_wait3A_96 = arith.constant 0 : i32
      %dma_wait3A_97 = tpu.memref_slice %arg11[%add3A_33, %dma_wait3A_96] : memref<10112x128xf32, #tpu.memory_space<vmem_shared>> -> memref<40x128xf32, #tpu.memory_space<vmem_shared>>
      tpu.wait_dma2 semaphore(%run_scoped3A : memref<!tpu.dma_semaphore, #tpu.memory_space<semaphore_mem>>) src(%arg10 : memref<40x128xf32, #tpu.memory_space<vmem>>) dst(%dma_wait3A_97 : memref<40x128xf32, #tpu.memory_space<vmem_shared>>)
      tpu.yield
    }) : () -> ()
    %add3A_34 = arith.constant 160 : i32
    %add3A_35 = arith.addi %mul3A_2, %add3A_34 : i32
    "tpu.region"() ({
      %run_scoped3A = tpu.sem_alloc : memref<!tpu.dma_semaphore, #tpu.memory_space<semaphore_mem>>
      %dma_start3A_91 = arith.constant 0 : i32
      %dma_start3A_92 = tpu.memref_slice %arg11[%add3A_35, %dma_start3A_91] : memref<10112x128xf32, #tpu.memory_space<vmem_shared>> -> memref<40x128xf32, #tpu.memory_space<vmem_shared>>
      %dma_start3A_93 = arith.constant 0 : i32
      %dma_start3A_94 = tpu.memref_slice %arg11[%add3A_35, %dma_start3A_93] : memref<10112x128xf32, #tpu.memory_space<vmem_shared>> -> memref<40x128xf32, #tpu.memory_space<vmem_shared>>
      tpu.enqueue_dma source(%arg10 : memref<40x128xf32, #tpu.memory_space<vmem>>) target(%dma_start3A_94 : memref<40x128xf32, #tpu.memory_space<vmem_shared>>) target_semaphore(%run_scoped3A : memref<!tpu.dma_semaphore, #tpu.memory_space<semaphore_mem>>)
      %dma_wait3A = arith.constant 0 : i32
      %dma_wait3A_95 = tpu.memref_slice %arg11[%add3A_35, %dma_wait3A] : memref<10112x128xf32, #tpu.memory_space<vmem_shared>> -> memref<40x128xf32, #tpu.memory_space<vmem_shared>>
      %dma_wait3A_96 = arith.constant 0 : i32
      %dma_wait3A_97 = tpu.memref_slice %arg11[%add3A_35, %dma_wait3A_96] : memref<10112x128xf32, #tpu.memory_space<vmem_shared>> -> memref<40x128xf32, #tpu.memory_space<vmem_shared>>
      tpu.wait_dma2 semaphore(%run_scoped3A : memref<!tpu.dma_semaphore, #tpu.memory_space<semaphore_mem>>) src(%arg10 : memref<40x128xf32, #tpu.memory_space<vmem>>) dst(%dma_wait3A_97 : memref<40x128xf32, #tpu.memory_space<vmem_shared>>)
      tpu.yield
    }) : () -> ()
    %add3A_36 = arith.constant 200 : i32
    %add3A_37 = arith.addi %mul3A_2, %add3A_36 : i32
    "tpu.region"() ({
      %run_scoped3A = tpu.sem_alloc : memref<!tpu.dma_semaphore, #tpu.memory_space<semaphore_mem>>
      %dma_start3A_91 = arith.constant 0 : i32
      %dma_start3A_92 = tpu.memref_slice %arg11[%add3A_37, %dma_start3A_91] : memref<10112x128xf32, #tpu.memory_space<vmem_shared>> -> memref<40x128xf32, #tpu.memory_space<vmem_shared>>
      %dma_start3A_93 = arith.constant 0 : i32
      %dma_start3A_94 = tpu.memref_slice %arg11[%add3A_37, %dma_start3A_93] : memref<10112x128xf32, #tpu.memory_space<vmem_shared>> -> memref<40x128xf32, #tpu.memory_space<vmem_shared>>
      tpu.enqueue_dma source(%arg10 : memref<40x128xf32, #tpu.memory_space<vmem>>) target(%dma_start3A_94 : memref<40x128xf32, #tpu.memory_space<vmem_shared>>) target_semaphore(%run_scoped3A : memref<!tpu.dma_semaphore, #tpu.memory_space<semaphore_mem>>)
      %dma_wait3A = arith.constant 0 : i32
      %dma_wait3A_95 = tpu.memref_slice %arg11[%add3A_37, %dma_wait3A] : memref<10112x128xf32, #tpu.memory_space<vmem_shared>> -> memref<40x128xf32, #tpu.memory_space<vmem_shared>>
      %dma_wait3A_96 = arith.constant 0 : i32
      %dma_wait3A_97 = tpu.memref_slice %arg11[%add3A_37, %dma_wait3A_96] : memref<10112x128xf32, #tpu.memory_space<vmem_shared>> -> memref<40x128xf32, #tpu.memory_space<vmem_shared>>
      tpu.wait_dma2 semaphore(%run_scoped3A : memref<!tpu.dma_semaphore, #tpu.memory_space<semaphore_mem>>) src(%arg10 : memref<40x128xf32, #tpu.memory_space<vmem>>) dst(%dma_wait3A_97 : memref<40x128xf32, #tpu.memory_space<vmem_shared>>)
      tpu.yield
    }) : () -> ()
    %add3A_38 = arith.constant 240 : i32
    %add3A_39 = arith.addi %mul3A_2, %add3A_38 : i32
    "tpu.region"() ({
      %run_scoped3A = tpu.sem_alloc : memref<!tpu.dma_semaphore, #tpu.memory_space<semaphore_mem>>
      %dma_start3A_91 = arith.constant 0 : i32
      %dma_start3A_92 = tpu.memref_slice %arg11[%add3A_39, %dma_start3A_91] : memref<10112x128xf32, #tpu.memory_space<vmem_shared>> -> memref<40x128xf32, #tpu.memory_space<vmem_shared>>
      %dma_start3A_93 = arith.constant 0 : i32
      %dma_start3A_94 = tpu.memref_slice %arg11[%add3A_39, %dma_start3A_93] : memref<10112x128xf32, #tpu.memory_space<vmem_shared>> -> memref<40x128xf32, #tpu.memory_space<vmem_shared>>
      tpu.enqueue_dma source(%arg10 : memref<40x128xf32, #tpu.memory_space<vmem>>) target(%dma_start3A_94 : memref<40x128xf32, #tpu.memory_space<vmem_shared>>) target_semaphore(%run_scoped3A : memref<!tpu.dma_semaphore, #tpu.memory_space<semaphore_mem>>)
      %dma_wait3A = arith.constant 0 : i32
      %dma_wait3A_95 = tpu.memref_slice %arg11[%add3A_39, %dma_wait3A] : memref<10112x128xf32, #tpu.memory_space<vmem_shared>> -> memref<40x128xf32, #tpu.memory_space<vmem_shared>>
      %dma_wait3A_96 = arith.constant 0 : i32
      %dma_wait3A_97 = tpu.memref_slice %arg11[%add3A_39, %dma_wait3A_96] : memref<10112x128xf32, #tpu.memory_space<vmem_shared>> -> memref<40x128xf32, #tpu.memory_space<vmem_shared>>
      tpu.wait_dma2 semaphore(%run_scoped3A : memref<!tpu.dma_semaphore, #tpu.memory_space<semaphore_mem>>) src(%arg10 : memref<40x128xf32, #tpu.memory_space<vmem>>) dst(%dma_wait3A_97 : memref<40x128xf32, #tpu.memory_space<vmem_shared>>)
      tpu.yield
    }) : () -> ()
    %add3A_40 = arith.constant 280 : i32
    %add3A_41 = arith.addi %mul3A_2, %add3A_40 : i32
    "tpu.region"() ({
      %run_scoped3A = tpu.sem_alloc : memref<!tpu.dma_semaphore, #tpu.memory_space<semaphore_mem>>
      %dma_start3A_91 = arith.constant 0 : i32
      %dma_start3A_92 = tpu.memref_slice %arg11[%add3A_41, %dma_start3A_91] : memref<10112x128xf32, #tpu.memory_space<vmem_shared>> -> memref<40x128xf32, #tpu.memory_space<vmem_shared>>
      %dma_start3A_93 = arith.constant 0 : i32
      %dma_start3A_94 = tpu.memref_slice %arg11[%add3A_41, %dma_start3A_93] : memref<10112x128xf32, #tpu.memory_space<vmem_shared>> -> memref<40x128xf32, #tpu.memory_space<vmem_shared>>
      tpu.enqueue_dma source(%arg10 : memref<40x128xf32, #tpu.memory_space<vmem>>) target(%dma_start3A_94 : memref<40x128xf32, #tpu.memory_space<vmem_shared>>) target_semaphore(%run_scoped3A : memref<!tpu.dma_semaphore, #tpu.memory_space<semaphore_mem>>)
      %dma_wait3A = arith.constant 0 : i32
      %dma_wait3A_95 = tpu.memref_slice %arg11[%add3A_41, %dma_wait3A] : memref<10112x128xf32, #tpu.memory_space<vmem_shared>> -> memref<40x128xf32, #tpu.memory_space<vmem_shared>>
      %dma_wait3A_96 = arith.constant 0 : i32
      %dma_wait3A_97 = tpu.memref_slice %arg11[%add3A_41, %dma_wait3A_96] : memref<10112x128xf32, #tpu.memory_space<vmem_shared>> -> memref<40x128xf32, #tpu.memory_space<vmem_shared>>
      tpu.wait_dma2 semaphore(%run_scoped3A : memref<!tpu.dma_semaphore, #tpu.memory_space<semaphore_mem>>) src(%arg10 : memref<40x128xf32, #tpu.memory_space<vmem>>) dst(%dma_wait3A_97 : memref<40x128xf32, #tpu.memory_space<vmem_shared>>)
      tpu.yield
    }) : () -> ()
    %add3A_42 = arith.constant 320 : i32
    %add3A_43 = arith.addi %mul3A_2, %add3A_42 : i32
    "tpu.region"() ({
      %run_scoped3A = tpu.sem_alloc : memref<!tpu.dma_semaphore, #tpu.memory_space<semaphore_mem>>
      %dma_start3A_91 = arith.constant 0 : i32
      %dma_start3A_92 = tpu.memref_slice %arg11[%add3A_43, %dma_start3A_91] : memref<10112x128xf32, #tpu.memory_space<vmem_shared>> -> memref<40x128xf32, #tpu.memory_space<vmem_shared>>
      %dma_start3A_93 = arith.constant 0 : i32
      %dma_start3A_94 = tpu.memref_slice %arg11[%add3A_43, %dma_start3A_93] : memref<10112x128xf32, #tpu.memory_space<vmem_shared>> -> memref<40x128xf32, #tpu.memory_space<vmem_shared>>
      tpu.enqueue_dma source(%arg10 : memref<40x128xf32, #tpu.memory_space<vmem>>) target(%dma_start3A_94 : memref<40x128xf32, #tpu.memory_space<vmem_shared>>) target_semaphore(%run_scoped3A : memref<!tpu.dma_semaphore, #tpu.memory_space<semaphore_mem>>)
      %dma_wait3A = arith.constant 0 : i32
      %dma_wait3A_95 = tpu.memref_slice %arg11[%add3A_43, %dma_wait3A] : memref<10112x128xf32, #tpu.memory_space<vmem_shared>> -> memref<40x128xf32, #tpu.memory_space<vmem_shared>>
      %dma_wait3A_96 = arith.constant 0 : i32
      %dma_wait3A_97 = tpu.memref_slice %arg11[%add3A_43, %dma_wait3A_96] : memref<10112x128xf32, #tpu.memory_space<vmem_shared>> -> memref<40x128xf32, #tpu.memory_space<vmem_shared>>
      tpu.wait_dma2 semaphore(%run_scoped3A : memref<!tpu.dma_semaphore, #tpu.memory_space<semaphore_mem>>) src(%arg10 : memref<40x128xf32, #tpu.memory_space<vmem>>) dst(%dma_wait3A_97 : memref<40x128xf32, #tpu.memory_space<vmem_shared>>)
      tpu.yield
    }) : () -> ()
    %add3A_44 = arith.constant 360 : i32
    %add3A_45 = arith.addi %mul3A_2, %add3A_44 : i32
    "tpu.region"() ({
      %run_scoped3A = tpu.sem_alloc : memref<!tpu.dma_semaphore, #tpu.memory_space<semaphore_mem>>
      %dma_start3A_91 = arith.constant 0 : i32
      %dma_start3A_92 = tpu.memref_slice %arg11[%add3A_45, %dma_start3A_91] : memref<10112x128xf32, #tpu.memory_space<vmem_shared>> -> memref<40x128xf32, #tpu.memory_space<vmem_shared>>
      %dma_start3A_93 = arith.constant 0 : i32
      %dma_start3A_94 = tpu.memref_slice %arg11[%add3A_45, %dma_start3A_93] : memref<10112x128xf32, #tpu.memory_space<vmem_shared>> -> memref<40x128xf32, #tpu.memory_space<vmem_shared>>
      tpu.enqueue_dma source(%arg10 : memref<40x128xf32, #tpu.memory_space<vmem>>) target(%dma_start3A_94 : memref<40x128xf32, #tpu.memory_space<vmem_shared>>) target_semaphore(%run_scoped3A : memref<!tpu.dma_semaphore, #tpu.memory_space<semaphore_mem>>)
      %dma_wait3A = arith.constant 0 : i32
      %dma_wait3A_95 = tpu.memref_slice %arg11[%add3A_45, %dma_wait3A] : memref<10112x128xf32, #tpu.memory_space<vmem_shared>> -> memref<40x128xf32, #tpu.memory_space<vmem_shared>>
      %dma_wait3A_96 = arith.constant 0 : i32
      %dma_wait3A_97 = tpu.memref_slice %arg11[%add3A_45, %dma_wait3A_96] : memref<10112x128xf32, #tpu.memory_space<vmem_shared>> -> memref<40x128xf32, #tpu.memory_space<vmem_shared>>
      tpu.wait_dma2 semaphore(%run_scoped3A : memref<!tpu.dma_semaphore, #tpu.memory_space<semaphore_mem>>) src(%arg10 : memref<40x128xf32, #tpu.memory_space<vmem>>) dst(%dma_wait3A_97 : memref<40x128xf32, #tpu.memory_space<vmem_shared>>)
      tpu.yield
    }) : () -> ()
    %add3A_46 = arith.constant 400 : i32
    %add3A_47 = arith.addi %mul3A_2, %add3A_46 : i32
    "tpu.region"() ({
      %run_scoped3A = tpu.sem_alloc : memref<!tpu.dma_semaphore, #tpu.memory_space<semaphore_mem>>
      %dma_start3A_91 = arith.constant 0 : i32
      %dma_start3A_92 = tpu.memref_slice %arg11[%add3A_47, %dma_start3A_91] : memref<10112x128xf32, #tpu.memory_space<vmem_shared>> -> memref<40x128xf32, #tpu.memory_space<vmem_shared>>
      %dma_start3A_93 = arith.constant 0 : i32
      %dma_start3A_94 = tpu.memref_slice %arg11[%add3A_47, %dma_start3A_93] : memref<10112x128xf32, #tpu.memory_space<vmem_shared>> -> memref<40x128xf32, #tpu.memory_space<vmem_shared>>
      tpu.enqueue_dma source(%arg10 : memref<40x128xf32, #tpu.memory_space<vmem>>) target(%dma_start3A_94 : memref<40x128xf32, #tpu.memory_space<vmem_shared>>) target_semaphore(%run_scoped3A : memref<!tpu.dma_semaphore, #tpu.memory_space<semaphore_mem>>)
      %dma_wait3A = arith.constant 0 : i32
      %dma_wait3A_95 = tpu.memref_slice %arg11[%add3A_47, %dma_wait3A] : memref<10112x128xf32, #tpu.memory_space<vmem_shared>> -> memref<40x128xf32, #tpu.memory_space<vmem_shared>>
      %dma_wait3A_96 = arith.constant 0 : i32
      %dma_wait3A_97 = tpu.memref_slice %arg11[%add3A_47, %dma_wait3A_96] : memref<10112x128xf32, #tpu.memory_space<vmem_shared>> -> memref<40x128xf32, #tpu.memory_space<vmem_shared>>
      tpu.wait_dma2 semaphore(%run_scoped3A : memref<!tpu.dma_semaphore, #tpu.memory_space<semaphore_mem>>) src(%arg10 : memref<40x128xf32, #tpu.memory_space<vmem>>) dst(%dma_wait3A_97 : memref<40x128xf32, #tpu.memory_space<vmem_shared>>)
      tpu.yield
    }) : () -> ()
    %add3A_48 = arith.constant 440 : i32
    %add3A_49 = arith.addi %mul3A_2, %add3A_48 : i32
    "tpu.region"() ({
      %run_scoped3A = tpu.sem_alloc : memref<!tpu.dma_semaphore, #tpu.memory_space<semaphore_mem>>
      %dma_start3A_91 = arith.constant 0 : i32
      %dma_start3A_92 = tpu.memref_slice %arg11[%add3A_49, %dma_start3A_91] : memref<10112x128xf32, #tpu.memory_space<vmem_shared>> -> memref<40x128xf32, #tpu.memory_space<vmem_shared>>
      %dma_start3A_93 = arith.constant 0 : i32
      %dma_start3A_94 = tpu.memref_slice %arg11[%add3A_49, %dma_start3A_93] : memref<10112x128xf32, #tpu.memory_space<vmem_shared>> -> memref<40x128xf32, #tpu.memory_space<vmem_shared>>
      tpu.enqueue_dma source(%arg10 : memref<40x128xf32, #tpu.memory_space<vmem>>) target(%dma_start3A_94 : memref<40x128xf32, #tpu.memory_space<vmem_shared>>) target_semaphore(%run_scoped3A : memref<!tpu.dma_semaphore, #tpu.memory_space<semaphore_mem>>)
      %dma_wait3A = arith.constant 0 : i32
      %dma_wait3A_95 = tpu.memref_slice %arg11[%add3A_49, %dma_wait3A] : memref<10112x128xf32, #tpu.memory_space<vmem_shared>> -> memref<40x128xf32, #tpu.memory_space<vmem_shared>>
      %dma_wait3A_96 = arith.constant 0 : i32
      %dma_wait3A_97 = tpu.memref_slice %arg11[%add3A_49, %dma_wait3A_96] : memref<10112x128xf32, #tpu.memory_space<vmem_shared>> -> memref<40x128xf32, #tpu.memory_space<vmem_shared>>
      tpu.wait_dma2 semaphore(%run_scoped3A : memref<!tpu.dma_semaphore, #tpu.memory_space<semaphore_mem>>) src(%arg10 : memref<40x128xf32, #tpu.memory_space<vmem>>) dst(%dma_wait3A_97 : memref<40x128xf32, #tpu.memory_space<vmem_shared>>)
      tpu.yield
    }) : () -> ()
    %add3A_50 = arith.constant 480 : i32
    %add3A_51 = arith.addi %mul3A_2, %add3A_50 : i32
    "tpu.region"() ({
      %run_scoped3A = tpu.sem_alloc : memref<!tpu.dma_semaphore, #tpu.memory_space<semaphore_mem>>
      %dma_start3A_91 = arith.constant 0 : i32
      %dma_start3A_92 = tpu.memref_slice %arg11[%add3A_51, %dma_start3A_91] : memref<10112x128xf32, #tpu.memory_space<vmem_shared>> -> memref<40x128xf32, #tpu.memory_space<vmem_shared>>
      %dma_start3A_93 = arith.constant 0 : i32
      %dma_start3A_94 = tpu.memref_slice %arg11[%add3A_51, %dma_start3A_93] : memref<10112x128xf32, #tpu.memory_space<vmem_shared>> -> memref<40x128xf32, #tpu.memory_space<vmem_shared>>
      tpu.enqueue_dma source(%arg10 : memref<40x128xf32, #tpu.memory_space<vmem>>) target(%dma_start3A_94 : memref<40x128xf32, #tpu.memory_space<vmem_shared>>) target_semaphore(%run_scoped3A : memref<!tpu.dma_semaphore, #tpu.memory_space<semaphore_mem>>)
      %dma_wait3A = arith.constant 0 : i32
      %dma_wait3A_95 = tpu.memref_slice %arg11[%add3A_51, %dma_wait3A] : memref<10112x128xf32, #tpu.memory_space<vmem_shared>> -> memref<40x128xf32, #tpu.memory_space<vmem_shared>>
      %dma_wait3A_96 = arith.constant 0 : i32
      %dma_wait3A_97 = tpu.memref_slice %arg11[%add3A_51, %dma_wait3A_96] : memref<10112x128xf32, #tpu.memory_space<vmem_shared>> -> memref<40x128xf32, #tpu.memory_space<vmem_shared>>
      tpu.wait_dma2 semaphore(%run_scoped3A : memref<!tpu.dma_semaphore, #tpu.memory_space<semaphore_mem>>) src(%arg10 : memref<40x128xf32, #tpu.memory_space<vmem>>) dst(%dma_wait3A_97 : memref<40x128xf32, #tpu.memory_space<vmem_shared>>)
      tpu.yield
    }) : () -> ()
    %add3A_52 = arith.constant 520 : i32
    %add3A_53 = arith.addi %mul3A_2, %add3A_52 : i32
    "tpu.region"() ({
      %run_scoped3A = tpu.sem_alloc : memref<!tpu.dma_semaphore, #tpu.memory_space<semaphore_mem>>
      %dma_start3A_91 = arith.constant 0 : i32
      %dma_start3A_92 = tpu.memref_slice %arg11[%add3A_53, %dma_start3A_91] : memref<10112x128xf32, #tpu.memory_space<vmem_shared>> -> memref<40x128xf32, #tpu.memory_space<vmem_shared>>
      %dma_start3A_93 = arith.constant 0 : i32
      %dma_start3A_94 = tpu.memref_slice %arg11[%add3A_53, %dma_start3A_93] : memref<10112x128xf32, #tpu.memory_space<vmem_shared>> -> memref<40x128xf32, #tpu.memory_space<vmem_shared>>
      tpu.enqueue_dma source(%arg10 : memref<40x128xf32, #tpu.memory_space<vmem>>) target(%dma_start3A_94 : memref<40x128xf32, #tpu.memory_space<vmem_shared>>) target_semaphore(%run_scoped3A : memref<!tpu.dma_semaphore, #tpu.memory_space<semaphore_mem>>)
      %dma_wait3A = arith.constant 0 : i32
      %dma_wait3A_95 = tpu.memref_slice %arg11[%add3A_53, %dma_wait3A] : memref<10112x128xf32, #tpu.memory_space<vmem_shared>> -> memref<40x128xf32, #tpu.memory_space<vmem_shared>>
      %dma_wait3A_96 = arith.constant 0 : i32
      %dma_wait3A_97 = tpu.memref_slice %arg11[%add3A_53, %dma_wait3A_96] : memref<10112x128xf32, #tpu.memory_space<vmem_shared>> -> memref<40x128xf32, #tpu.memory_space<vmem_shared>>
      tpu.wait_dma2 semaphore(%run_scoped3A : memref<!tpu.dma_semaphore, #tpu.memory_space<semaphore_mem>>) src(%arg10 : memref<40x128xf32, #tpu.memory_space<vmem>>) dst(%dma_wait3A_97 : memref<40x128xf32, #tpu.memory_space<vmem_shared>>)
      tpu.yield
    }) : () -> ()
    %add3A_54 = arith.constant 560 : i32
    %add3A_55 = arith.addi %mul3A_2, %add3A_54 : i32
    "tpu.region"() ({
      %run_scoped3A = tpu.sem_alloc : memref<!tpu.dma_semaphore, #tpu.memory_space<semaphore_mem>>
      %dma_start3A_91 = arith.constant 0 : i32
      %dma_start3A_92 = tpu.memref_slice %arg11[%add3A_55, %dma_start3A_91] : memref<10112x128xf32, #tpu.memory_space<vmem_shared>> -> memref<40x128xf32, #tpu.memory_space<vmem_shared>>
      %dma_start3A_93 = arith.constant 0 : i32
      %dma_start3A_94 = tpu.memref_slice %arg11[%add3A_55, %dma_start3A_93] : memref<10112x128xf32, #tpu.memory_space<vmem_shared>> -> memref<40x128xf32, #tpu.memory_space<vmem_shared>>
      tpu.enqueue_dma source(%arg10 : memref<40x128xf32, #tpu.memory_space<vmem>>) target(%dma_start3A_94 : memref<40x128xf32, #tpu.memory_space<vmem_shared>>) target_semaphore(%run_scoped3A : memref<!tpu.dma_semaphore, #tpu.memory_space<semaphore_mem>>)
      %dma_wait3A = arith.constant 0 : i32
      %dma_wait3A_95 = tpu.memref_slice %arg11[%add3A_55, %dma_wait3A] : memref<10112x128xf32, #tpu.memory_space<vmem_shared>> -> memref<40x128xf32, #tpu.memory_space<vmem_shared>>
      %dma_wait3A_96 = arith.constant 0 : i32
      %dma_wait3A_97 = tpu.memref_slice %arg11[%add3A_55, %dma_wait3A_96] : memref<10112x128xf32, #tpu.memory_space<vmem_shared>> -> memref<40x128xf32, #tpu.memory_space<vmem_shared>>
      tpu.wait_dma2 semaphore(%run_scoped3A : memref<!tpu.dma_semaphore, #tpu.memory_space<semaphore_mem>>) src(%arg10 : memref<40x128xf32, #tpu.memory_space<vmem>>) dst(%dma_wait3A_97 : memref<40x128xf32, #tpu.memory_space<vmem_shared>>)
      tpu.yield
    }) : () -> ()
    %add3A_56 = arith.constant 632 : i32
    %add3A_57 = arith.addi %mul3A_2, %add3A_56 : i32
    %sub3A = arith.constant 32 : i32
    %sub3A_58 = arith.subi %add3A_57, %sub3A : i32
    "tpu.region"() ({
      %run_scoped3A = tpu.sem_alloc : memref<!tpu.dma_semaphore, #tpu.memory_space<semaphore_mem>>
      %dma_start3A_91 = arith.constant 0 : i32
      %dma_start3A_92 = arith.constant 0 : i32
      %dma_start3A_93 = tpu.memref_slice %arg10[%dma_start3A_91, %dma_start3A_92] : memref<40x128xf32, #tpu.memory_space<vmem>> -> memref<32x128xf32, #tpu.memory_space<vmem>>
      %dma_start3A_94 = arith.constant 0 : i32
      %dma_start3A_95 = tpu.memref_slice %arg11[%sub3A_58, %dma_start3A_94] : memref<10112x128xf32, #tpu.memory_space<vmem_shared>> -> memref<32x128xf32, #tpu.memory_space<vmem_shared>>
      %dma_start3A_96 = arith.constant 0 : i32
      %dma_start3A_97 = tpu.memref_slice %arg11[%sub3A_58, %dma_start3A_96] : memref<10112x128xf32, #tpu.memory_space<vmem_shared>> -> memref<32x128xf32, #tpu.memory_space<vmem_shared>>
      %dma_start3A_98 = arith.constant 0 : i32
      %dma_start3A_99 = arith.constant 0 : i32
      %dma_start3A_100 = tpu.memref_slice %arg10[%dma_start3A_98, %dma_start3A_99] : memref<40x128xf32, #tpu.memory_space<vmem>> -> memref<32x128xf32, #tpu.memory_space<vmem>>
      tpu.enqueue_dma source(%dma_start3A_100 : memref<32x128xf32, #tpu.memory_space<vmem>>) target(%dma_start3A_97 : memref<32x128xf32, #tpu.memory_space<vmem_shared>>) target_semaphore(%run_scoped3A : memref<!tpu.dma_semaphore, #tpu.memory_space<semaphore_mem>>)
      %dma_wait3A = arith.constant 0 : i32
      %dma_wait3A_101 = arith.constant 0 : i32
      %dma_wait3A_102 = tpu.memref_slice %arg10[%dma_wait3A, %dma_wait3A_101] : memref<40x128xf32, #tpu.memory_space<vmem>> -> memref<32x128xf32, #tpu.memory_space<vmem>>
      %dma_wait3A_103 = arith.constant 0 : i32
      %dma_wait3A_104 = tpu.memref_slice %arg11[%sub3A_58, %dma_wait3A_103] : memref<10112x128xf32, #tpu.memory_space<vmem_shared>> -> memref<32x128xf32, #tpu.memory_space<vmem_shared>>
      %dma_wait3A_105 = arith.constant 0 : i32
      %dma_wait3A_106 = tpu.memref_slice %arg11[%sub3A_58, %dma_wait3A_105] : memref<10112x128xf32, #tpu.memory_space<vmem_shared>> -> memref<32x128xf32, #tpu.memory_space<vmem_shared>>
      %dma_wait3A_107 = arith.constant 0 : i32
      %dma_wait3A_108 = arith.constant 0 : i32
      %dma_wait3A_109 = tpu.memref_slice %arg10[%dma_wait3A_107, %dma_wait3A_108] : memref<40x128xf32, #tpu.memory_space<vmem>> -> memref<32x128xf32, #tpu.memory_space<vmem>>
      tpu.wait_dma2 semaphore(%run_scoped3A : memref<!tpu.dma_semaphore, #tpu.memory_space<semaphore_mem>>) src(%dma_wait3A_109 : memref<32x128xf32, #tpu.memory_space<vmem>>) dst(%dma_wait3A_106 : memref<32x128xf32, #tpu.memory_space<vmem_shared>>)
      tpu.yield
    }) : () -> ()
    %barrier3A = arith.constant 0 : index
    tpu.barrier barrier_id(%barrier3A)
    %scan3A_59 = arith.constant 0 : i32
    %scan3A_60 = arith.constant 20 : i32
    %scan3A_61 = arith.addi %scan3A_59, %scan3A_60 : i32
    %scan3A_62 = arith.constant 1 : i32
    scf.for %scan3A_91 = %scan3A_59 to %scan3A_61 step %scan3A_62  : i32 {
      %mul3A_92 = arith.constant 2 : i32
      %mul3A_93 = arith.muli %mul3A_92, %scan3A_91 : i32
      %dma_wait3A = arith.constant 0 : i32
      %dma_wait3A_94 = tpu.memref_slice %arg6[%mul3A_93, %dma_wait3A] : memref<40x128xi32, #tpu.memory_space<vmem>> -> memref<1x128xi32, #tpu.memory_space<vmem>>
      %dma_wait3A_95 = tpu.memref_squeeze %dma_wait3A_94 : memref<1x128xi32, #tpu.memory_space<vmem>> -> memref<128xi32, #tpu.memory_space<vmem>>
      %dma_wait3A_96 = arith.constant 0 : i32
      %dma_wait3A_97 = arith.constant 0 : i32
      %dma_wait3A_98 = tpu.memref_slice %arg2[%dma_wait3A_96, %dma_wait3A_97] : memref<10000x128xf32, #tpu.memory_space<hbm>> -> memref<10000x128xf32, #tpu.memory_space<hbm>>
      tpu.wait_indirect_dma semaphore(%arg12 : memref<!tpu.dma_semaphore, #tpu.memory_space<semaphore_mem>>) src(%dma_wait3A_98 : memref<10000x128xf32, #tpu.memory_space<hbm>>) dst(%arg8 : memref<128x128xf32, #tpu.memory_space<vmem>>)
      "tpu.region"() ({
        %run_scoped3A = tpu.sem_alloc : memref<!tpu.dma_semaphore, #tpu.memory_space<semaphore_mem>>
        %dma_start3A_116 = arith.constant 0 : i32
        %dma_start3A_117 = tpu.memref_slice %arg7[%mul3A_93, %dma_start3A_116] : memref<40x128xi32, #tpu.memory_space<vmem>> -> memref<1x128xi32, #tpu.memory_space<vmem>>
        %dma_start3A_118 = tpu.memref_squeeze %dma_start3A_117 : memref<1x128xi32, #tpu.memory_space<vmem>> -> memref<128xi32, #tpu.memory_space<vmem>>
        %dma_start3A_119 = arith.constant 0 : i32
        %dma_start3A_120 = arith.constant 0 : i32
        %dma_start3A_121 = tpu.memref_slice %arg11[%dma_start3A_119, %dma_start3A_120] : memref<10112x128xf32, #tpu.memory_space<vmem_shared>> -> memref<10112x128xf32, #tpu.memory_space<vmem_shared>>
        tpu.enqueue_indirect_dma source(%arg8 : memref<128x128xf32, #tpu.memory_space<vmem>>) target(%dma_start3A_121 : memref<10112x128xf32, #tpu.memory_space<vmem_shared>>) offsets(%dma_start3A_118 : memref<128xi32, #tpu.memory_space<vmem>>) semaphore(%run_scoped3A : memref<!tpu.dma_semaphore, #tpu.memory_space<semaphore_mem>>) {add = true}
        %dma_wait3A_122 = arith.constant 0 : i32
        %dma_wait3A_123 = tpu.memref_slice %arg7[%mul3A_93, %dma_wait3A_122] : memref<40x128xi32, #tpu.memory_space<vmem>> -> memref<1x128xi32, #tpu.memory_space<vmem>>
        %dma_wait3A_124 = tpu.memref_squeeze %dma_wait3A_123 : memref<1x128xi32, #tpu.memory_space<vmem>> -> memref<128xi32, #tpu.memory_space<vmem>>
        %dma_wait3A_125 = arith.constant 0 : i32
        %dma_wait3A_126 = arith.constant 0 : i32
        %dma_wait3A_127 = tpu.memref_slice %arg11[%dma_wait3A_125, %dma_wait3A_126] : memref<10112x128xf32, #tpu.memory_space<vmem_shared>> -> memref<10112x128xf32, #tpu.memory_space<vmem_shared>>
        tpu.wait_indirect_dma semaphore(%run_scoped3A : memref<!tpu.dma_semaphore, #tpu.memory_space<semaphore_mem>>) src(%arg8 : memref<128x128xf32, #tpu.memory_space<vmem>>) dst(%dma_wait3A_127 : memref<10112x128xf32, #tpu.memory_space<vmem_shared>>)
        tpu.yield
      }) : () -> ()
      %lt3A = arith.constant 19 : i32
      %lt3A_99 = arith.cmpi slt, %scan3A_91, %lt3A : i32
      %convert_element_type3A = arith.extui %lt3A_99 : i1 to i32
      %cond3A = arith.constant 0 : i32
      %cond3A_100 = arith.cmpi ne, %convert_element_type3A, %cond3A : i32
      scf.if %cond3A_100 {
        %add3A_116 = arith.constant 2 : i32
        %add3A_117 = arith.addi %mul3A_93, %add3A_116 : i32
        %dma_start3A_118 = arith.constant 0 : i32
        %dma_start3A_119 = tpu.memref_slice %arg6[%add3A_117, %dma_start3A_118] : memref<40x128xi32, #tpu.memory_space<vmem>> -> memref<1x128xi32, #tpu.memory_space<vmem>>
        %dma_start3A_120 = tpu.memref_squeeze %dma_start3A_119 : memref<1x128xi32, #tpu.memory_space<vmem>> -> memref<128xi32, #tpu.memory_space<vmem>>
        %dma_start3A_121 = arith.constant 0 : i32
        %dma_start3A_122 = arith.constant 0 : i32
        %dma_start3A_123 = tpu.memref_slice %arg2[%dma_start3A_121, %dma_start3A_122] : memref<10000x128xf32, #tpu.memory_space<hbm>> -> memref<10000x128xf32, #tpu.memory_space<hbm>>
        tpu.enqueue_indirect_dma source(%dma_start3A_123 : memref<10000x128xf32, #tpu.memory_space<hbm>>) target(%arg8 : memref<128x128xf32, #tpu.memory_space<vmem>>) offsets(%dma_start3A_120 : memref<128xi32, #tpu.memory_space<vmem>>) semaphore(%arg12 : memref<!tpu.dma_semaphore, #tpu.memory_space<semaphore_mem>>)
      } else {
      }
      %add3A_101 = arith.constant 1 : i32
      %add3A_102 = arith.addi %mul3A_93, %add3A_101 : i32
      %dma_wait3A_103 = arith.constant 0 : i32
      %dma_wait3A_104 = tpu.memref_slice %arg6[%add3A_102, %dma_wait3A_103] : memref<40x128xi32, #tpu.memory_space<vmem>> -> memref<1x128xi32, #tpu.memory_space<vmem>>
      %dma_wait3A_105 = tpu.memref_squeeze %dma_wait3A_104 : memref<1x128xi32, #tpu.memory_space<vmem>> -> memref<128xi32, #tpu.memory_space<vmem>>
      %dma_wait3A_106 = arith.constant 0 : i32
      %dma_wait3A_107 = arith.constant 0 : i32
      %dma_wait3A_108 = tpu.memref_slice %arg2[%dma_wait3A_106, %dma_wait3A_107] : memref<10000x128xf32, #tpu.memory_space<hbm>> -> memref<10000x128xf32, #tpu.memory_space<hbm>>
      tpu.wait_indirect_dma semaphore(%arg13 : memref<!tpu.dma_semaphore, #tpu.memory_space<semaphore_mem>>) src(%dma_wait3A_108 : memref<10000x128xf32, #tpu.memory_space<hbm>>) dst(%arg9 : memref<128x128xf32, #tpu.memory_space<vmem>>)
      %add3A_109 = arith.constant 1 : i32
      %add3A_110 = arith.addi %mul3A_93, %add3A_109 : i32
      "tpu.region"() ({
        %run_scoped3A = tpu.sem_alloc : memref<!tpu.dma_semaphore, #tpu.memory_space<semaphore_mem>>
        %dma_start3A_116 = arith.constant 0 : i32
        %dma_start3A_117 = tpu.memref_slice %arg7[%add3A_110, %dma_start3A_116] : memref<40x128xi32, #tpu.memory_space<vmem>> -> memref<1x128xi32, #tpu.memory_space<vmem>>
        %dma_start3A_118 = tpu.memref_squeeze %dma_start3A_117 : memref<1x128xi32, #tpu.memory_space<vmem>> -> memref<128xi32, #tpu.memory_space<vmem>>
        %dma_start3A_119 = arith.constant 0 : i32
        %dma_start3A_120 = arith.constant 0 : i32
        %dma_start3A_121 = tpu.memref_slice %arg11[%dma_start3A_119, %dma_start3A_120] : memref<10112x128xf32, #tpu.memory_space<vmem_shared>> -> memref<10112x128xf32, #tpu.memory_space<vmem_shared>>
        tpu.enqueue_indirect_dma source(%arg9 : memref<128x128xf32, #tpu.memory_space<vmem>>) target(%dma_start3A_121 : memref<10112x128xf32, #tpu.memory_space<vmem_shared>>) offsets(%dma_start3A_118 : memref<128xi32, #tpu.memory_space<vmem>>) semaphore(%run_scoped3A : memref<!tpu.dma_semaphore, #tpu.memory_space<semaphore_mem>>) {add = true}
        %dma_wait3A_122 = arith.constant 0 : i32
        %dma_wait3A_123 = tpu.memref_slice %arg7[%add3A_110, %dma_wait3A_122] : memref<40x128xi32, #tpu.memory_space<vmem>> -> memref<1x128xi32, #tpu.memory_space<vmem>>
        %dma_wait3A_124 = tpu.memref_squeeze %dma_wait3A_123 : memref<1x128xi32, #tpu.memory_space<vmem>> -> memref<128xi32, #tpu.memory_space<vmem>>
        %dma_wait3A_125 = arith.constant 0 : i32
        %dma_wait3A_126 = arith.constant 0 : i32
        %dma_wait3A_127 = tpu.memref_slice %arg11[%dma_wait3A_125, %dma_wait3A_126] : memref<10112x128xf32, #tpu.memory_space<vmem_shared>> -> memref<10112x128xf32, #tpu.memory_space<vmem_shared>>
        tpu.wait_indirect_dma semaphore(%run_scoped3A : memref<!tpu.dma_semaphore, #tpu.memory_space<semaphore_mem>>) src(%arg9 : memref<128x128xf32, #tpu.memory_space<vmem>>) dst(%dma_wait3A_127 : memref<10112x128xf32, #tpu.memory_space<vmem_shared>>)
        tpu.yield
      }) : () -> ()
      %lt3A_111 = arith.constant 19 : i32
      %lt3A_112 = arith.cmpi slt, %scan3A_91, %lt3A_111 : i32
      %convert_element_type3A_113 = arith.extui %lt3A_112 : i1 to i32
      %cond3A_114 = arith.constant 0 : i32
      %cond3A_115 = arith.cmpi ne, %convert_element_type3A_113, %cond3A_114 : i32
      scf.if %cond3A_115 {
        %add3A_116 = arith.constant 3 : i32
        %add3A_117 = arith.addi %mul3A_93, %add3A_116 : i32
        %dma_start3A_118 = arith.constant 0 : i32
        %dma_start3A_119 = tpu.memref_slice %arg6[%add3A_117, %dma_start3A_118] : memref<40x128xi32, #tpu.memory_space<vmem>> -> memref<1x128xi32, #tpu.memory_space<vmem>>
        %dma_start3A_120 = tpu.memref_squeeze %dma_start3A_119 : memref<1x128xi32, #tpu.memory_space<vmem>> -> memref<128xi32, #tpu.memory_space<vmem>>
        %dma_start3A_121 = arith.constant 0 : i32
        %dma_start3A_122 = arith.constant 0 : i32
        %dma_start3A_123 = tpu.memref_slice %arg2[%dma_start3A_121, %dma_start3A_122] : memref<10000x128xf32, #tpu.memory_space<hbm>> -> memref<10000x128xf32, #tpu.memory_space<hbm>>
        tpu.enqueue_indirect_dma source(%dma_start3A_123 : memref<10000x128xf32, #tpu.memory_space<hbm>>) target(%arg9 : memref<128x128xf32, #tpu.memory_space<vmem>>) offsets(%dma_start3A_120 : memref<128xi32, #tpu.memory_space<vmem>>) semaphore(%arg13 : memref<!tpu.dma_semaphore, #tpu.memory_space<semaphore_mem>>)
      } else {
      }
    }
    %scan3A_63 = arith.constant 20 : i32
    %add3A_64 = arith.constant 40 : i32
    %add3A_65 = arith.addi %mul3A_4, %add3A_64 : i32
    "tpu.region"() ({
      %run_scoped3A = tpu.sem_alloc : memref<!tpu.dma_semaphore, #tpu.memory_space<semaphore_mem>>
      %dma_start3A_91 = arith.constant 0 : i32
      %dma_start3A_92 = tpu.memref_slice %arg3[%add3A_65, %dma_start3A_91] : memref<2560x128xi32, #tpu.memory_space<hbm>> -> memref<40x128xi32, #tpu.memory_space<hbm>>
      %dma_start3A_93 = arith.constant 0 : i32
      %dma_start3A_94 = tpu.memref_slice %arg3[%add3A_65, %dma_start3A_93] : memref<2560x128xi32, #tpu.memory_space<hbm>> -> memref<40x128xi32, #tpu.memory_space<hbm>>
      tpu.enqueue_dma source(%dma_start3A_94 : memref<40x128xi32, #tpu.memory_space<hbm>>) target(%arg6 : memref<40x128xi32, #tpu.memory_space<vmem>>) target_semaphore(%run_scoped3A : memref<!tpu.dma_semaphore, #tpu.memory_space<semaphore_mem>>)
      %dma_wait3A = arith.constant 0 : i32
      %dma_wait3A_95 = tpu.memref_slice %arg3[%add3A_65, %dma_wait3A] : memref<2560x128xi32, #tpu.memory_space<hbm>> -> memref<40x128xi32, #tpu.memory_space<hbm>>
      %dma_wait3A_96 = arith.constant 0 : i32
      %dma_wait3A_97 = tpu.memref_slice %arg3[%add3A_65, %dma_wait3A_96] : memref<2560x128xi32, #tpu.memory_space<hbm>> -> memref<40x128xi32, #tpu.memory_space<hbm>>
      tpu.wait_dma2 semaphore(%run_scoped3A : memref<!tpu.dma_semaphore, #tpu.memory_space<semaphore_mem>>) src(%dma_wait3A_97 : memref<40x128xi32, #tpu.memory_space<hbm>>) dst(%arg6 : memref<40x128xi32, #tpu.memory_space<vmem>>)
      tpu.yield
    }) : () -> ()
    %add3A_66 = arith.constant 40 : i32
    %add3A_67 = arith.addi %mul3A_4, %add3A_66 : i32
    "tpu.region"() ({
      %run_scoped3A = tpu.sem_alloc : memref<!tpu.dma_semaphore, #tpu.memory_space<semaphore_mem>>
      %dma_start3A_91 = arith.constant 0 : i32
      %dma_start3A_92 = tpu.memref_slice %arg4[%add3A_67, %dma_start3A_91] : memref<2560x128xi32, #tpu.memory_space<hbm>> -> memref<40x128xi32, #tpu.memory_space<hbm>>
      %dma_start3A_93 = arith.constant 0 : i32
      %dma_start3A_94 = tpu.memref_slice %arg4[%add3A_67, %dma_start3A_93] : memref<2560x128xi32, #tpu.memory_space<hbm>> -> memref<40x128xi32, #tpu.memory_space<hbm>>
      tpu.enqueue_dma source(%dma_start3A_94 : memref<40x128xi32, #tpu.memory_space<hbm>>) target(%arg7 : memref<40x128xi32, #tpu.memory_space<vmem>>) target_semaphore(%run_scoped3A : memref<!tpu.dma_semaphore, #tpu.memory_space<semaphore_mem>>)
      %dma_wait3A = arith.constant 0 : i32
      %dma_wait3A_95 = tpu.memref_slice %arg4[%add3A_67, %dma_wait3A] : memref<2560x128xi32, #tpu.memory_space<hbm>> -> memref<40x128xi32, #tpu.memory_space<hbm>>
      %dma_wait3A_96 = arith.constant 0 : i32
      %dma_wait3A_97 = tpu.memref_slice %arg4[%add3A_67, %dma_wait3A_96] : memref<2560x128xi32, #tpu.memory_space<hbm>> -> memref<40x128xi32, #tpu.memory_space<hbm>>
      tpu.wait_dma2 semaphore(%run_scoped3A : memref<!tpu.dma_semaphore, #tpu.memory_space<semaphore_mem>>) src(%dma_wait3A_97 : memref<40x128xi32, #tpu.memory_space<hbm>>) dst(%arg7 : memref<40x128xi32, #tpu.memory_space<vmem>>)
      tpu.yield
    }) : () -> ()
    %dma_start3A_68 = arith.constant 0 : i32
    %dma_start3A_69 = arith.constant 0 : i32
    %dma_start3A_70 = tpu.memref_slice %arg6[%dma_start3A_68, %dma_start3A_69] : memref<40x128xi32, #tpu.memory_space<vmem>> -> memref<1x128xi32, #tpu.memory_space<vmem>>
    %dma_start3A_71 = tpu.memref_squeeze %dma_start3A_70 : memref<1x128xi32, #tpu.memory_space<vmem>> -> memref<128xi32, #tpu.memory_space<vmem>>
    %dma_start3A_72 = arith.constant 0 : i32
    %dma_start3A_73 = arith.constant 0 : i32
    %dma_start3A_74 = tpu.memref_slice %arg2[%dma_start3A_72, %dma_start3A_73] : memref<10000x128xf32, #tpu.memory_space<hbm>> -> memref<10000x128xf32, #tpu.memory_space<hbm>>
    tpu.enqueue_indirect_dma source(%dma_start3A_74 : memref<10000x128xf32, #tpu.memory_space<hbm>>) target(%arg8 : memref<128x128xf32, #tpu.memory_space<vmem>>) offsets(%dma_start3A_71 : memref<128xi32, #tpu.memory_space<vmem>>) semaphore(%arg12 : memref<!tpu.dma_semaphore, #tpu.memory_space<semaphore_mem>>)
    %dma_start3A_75 = arith.constant 1 : i32
    %dma_start3A_76 = arith.constant 0 : i32
    %dma_start3A_77 = tpu.memref_slice %arg6[%dma_start3A_75, %dma_start3A_76] : memref<40x128xi32, #tpu.memory_space<vmem>> -> memref<1x128xi32, #tpu.memory_space<vmem>>
    %dma_start3A_78 = tpu.memref_squeeze %dma_start3A_77 : memref<1x128xi32, #tpu.memory_space<vmem>> -> memref<128xi32, #tpu.memory_space<vmem>>
    %dma_start3A_79 = arith.constant 0 : i32
    %dma_start3A_80 = arith.constant 0 : i32
    %dma_start3A_81 = tpu.memref_slice %arg2[%dma_start3A_79, %dma_start3A_80] : memref<10000x128xf32, #tpu.memory_space<hbm>> -> memref<10000x128xf32, #tpu.memory_space<hbm>>
    tpu.enqueue_indirect_dma source(%dma_start3A_81 : memref<10000x128xf32, #tpu.memory_space<hbm>>) target(%arg9 : memref<128x128xf32, #tpu.memory_space<vmem>>) offsets(%dma_start3A_78 : memref<128xi32, #tpu.memory_space<vmem>>) semaphore(%arg13 : memref<!tpu.dma_semaphore, #tpu.memory_space<semaphore_mem>>)
    %scan3A_82 = arith.constant 0 : i32
    %scan3A_83 = arith.constant 20 : i32
    %scan3A_84 = arith.addi %scan3A_82, %scan3A_83 : i32
    %scan3A_85 = arith.constant 1 : i32
    scf.for %scan3A_91 = %scan3A_82 to %scan3A_84 step %scan3A_85  : i32 {
      %mul3A_92 = arith.constant 2 : i32
      %mul3A_93 = arith.muli %mul3A_92, %scan3A_91 : i32
      %dma_wait3A = arith.constant 0 : i32
      %dma_wait3A_94 = tpu.memref_slice %arg6[%mul3A_93, %dma_wait3A] : memref<40x128xi32, #tpu.memory_space<vmem>> -> memref<1x128xi32, #tpu.memory_space<vmem>>
      %dma_wait3A_95 = tpu.memref_squeeze %dma_wait3A_94 : memref<1x128xi32, #tpu.memory_space<vmem>> -> memref<128xi32, #tpu.memory_space<vmem>>
      %dma_wait3A_96 = arith.constant 0 : i32
      %dma_wait3A_97 = arith.constant 0 : i32
      %dma_wait3A_98 = tpu.memref_slice %arg2[%dma_wait3A_96, %dma_wait3A_97] : memref<10000x128xf32, #tpu.memory_space<hbm>> -> memref<10000x128xf32, #tpu.memory_space<hbm>>
      tpu.wait_indirect_dma semaphore(%arg12 : memref<!tpu.dma_semaphore, #tpu.memory_space<semaphore_mem>>) src(%dma_wait3A_98 : memref<10000x128xf32, #tpu.memory_space<hbm>>) dst(%arg8 : memref<128x128xf32, #tpu.memory_space<vmem>>)
      "tpu.region"() ({
        %run_scoped3A = tpu.sem_alloc : memref<!tpu.dma_semaphore, #tpu.memory_space<semaphore_mem>>
        %dma_start3A_116 = arith.constant 0 : i32
        %dma_start3A_117 = tpu.memref_slice %arg7[%mul3A_93, %dma_start3A_116] : memref<40x128xi32, #tpu.memory_space<vmem>> -> memref<1x128xi32, #tpu.memory_space<vmem>>
        %dma_start3A_118 = tpu.memref_squeeze %dma_start3A_117 : memref<1x128xi32, #tpu.memory_space<vmem>> -> memref<128xi32, #tpu.memory_space<vmem>>
        %dma_start3A_119 = arith.constant 0 : i32
        %dma_start3A_120 = arith.constant 0 : i32
        %dma_start3A_121 = tpu.memref_slice %arg11[%dma_start3A_119, %dma_start3A_120] : memref<10112x128xf32, #tpu.memory_space<vmem_shared>> -> memref<10112x128xf32, #tpu.memory_space<vmem_shared>>
        tpu.enqueue_indirect_dma source(%arg8 : memref<128x128xf32, #tpu.memory_space<vmem>>) target(%dma_start3A_121 : memref<10112x128xf32, #tpu.memory_space<vmem_shared>>) offsets(%dma_start3A_118 : memref<128xi32, #tpu.memory_space<vmem>>) semaphore(%run_scoped3A : memref<!tpu.dma_semaphore, #tpu.memory_space<semaphore_mem>>) {add = true}
        %dma_wait3A_122 = arith.constant 0 : i32
        %dma_wait3A_123 = tpu.memref_slice %arg7[%mul3A_93, %dma_wait3A_122] : memref<40x128xi32, #tpu.memory_space<vmem>> -> memref<1x128xi32, #tpu.memory_space<vmem>>
        %dma_wait3A_124 = tpu.memref_squeeze %dma_wait3A_123 : memref<1x128xi32, #tpu.memory_space<vmem>> -> memref<128xi32, #tpu.memory_space<vmem>>
        %dma_wait3A_125 = arith.constant 0 : i32
        %dma_wait3A_126 = arith.constant 0 : i32
        %dma_wait3A_127 = tpu.memref_slice %arg11[%dma_wait3A_125, %dma_wait3A_126] : memref<10112x128xf32, #tpu.memory_space<vmem_shared>> -> memref<10112x128xf32, #tpu.memory_space<vmem_shared>>
        tpu.wait_indirect_dma semaphore(%run_scoped3A : memref<!tpu.dma_semaphore, #tpu.memory_space<semaphore_mem>>) src(%arg8 : memref<128x128xf32, #tpu.memory_space<vmem>>) dst(%dma_wait3A_127 : memref<10112x128xf32, #tpu.memory_space<vmem_shared>>)
        tpu.yield
      }) : () -> ()
      %lt3A = arith.constant 19 : i32
      %lt3A_99 = arith.cmpi slt, %scan3A_91, %lt3A : i32
      %convert_element_type3A = arith.extui %lt3A_99 : i1 to i32
      %cond3A = arith.constant 0 : i32
      %cond3A_100 = arith.cmpi ne, %convert_element_type3A, %cond3A : i32
      scf.if %cond3A_100 {
        %add3A_116 = arith.constant 2 : i32
        %add3A_117 = arith.addi %mul3A_93, %add3A_116 : i32
        %dma_start3A_118 = arith.constant 0 : i32
        %dma_start3A_119 = tpu.memref_slice %arg6[%add3A_117, %dma_start3A_118] : memref<40x128xi32, #tpu.memory_space<vmem>> -> memref<1x128xi32, #tpu.memory_space<vmem>>
        %dma_start3A_120 = tpu.memref_squeeze %dma_start3A_119 : memref<1x128xi32, #tpu.memory_space<vmem>> -> memref<128xi32, #tpu.memory_space<vmem>>
        %dma_start3A_121 = arith.constant 0 : i32
        %dma_start3A_122 = arith.constant 0 : i32
        %dma_start3A_123 = tpu.memref_slice %arg2[%dma_start3A_121, %dma_start3A_122] : memref<10000x128xf32, #tpu.memory_space<hbm>> -> memref<10000x128xf32, #tpu.memory_space<hbm>>
        tpu.enqueue_indirect_dma source(%dma_start3A_123 : memref<10000x128xf32, #tpu.memory_space<hbm>>) target(%arg8 : memref<128x128xf32, #tpu.memory_space<vmem>>) offsets(%dma_start3A_120 : memref<128xi32, #tpu.memory_space<vmem>>) semaphore(%arg12 : memref<!tpu.dma_semaphore, #tpu.memory_space<semaphore_mem>>)
      } else {
      }
      %add3A_101 = arith.constant 1 : i32
      %add3A_102 = arith.addi %mul3A_93, %add3A_101 : i32
      %dma_wait3A_103 = arith.constant 0 : i32
      %dma_wait3A_104 = tpu.memref_slice %arg6[%add3A_102, %dma_wait3A_103] : memref<40x128xi32, #tpu.memory_space<vmem>> -> memref<1x128xi32, #tpu.memory_space<vmem>>
      %dma_wait3A_105 = tpu.memref_squeeze %dma_wait3A_104 : memref<1x128xi32, #tpu.memory_space<vmem>> -> memref<128xi32, #tpu.memory_space<vmem>>
      %dma_wait3A_106 = arith.constant 0 : i32
      %dma_wait3A_107 = arith.constant 0 : i32
      %dma_wait3A_108 = tpu.memref_slice %arg2[%dma_wait3A_106, %dma_wait3A_107] : memref<10000x128xf32, #tpu.memory_space<hbm>> -> memref<10000x128xf32, #tpu.memory_space<hbm>>
      tpu.wait_indirect_dma semaphore(%arg13 : memref<!tpu.dma_semaphore, #tpu.memory_space<semaphore_mem>>) src(%dma_wait3A_108 : memref<10000x128xf32, #tpu.memory_space<hbm>>) dst(%arg9 : memref<128x128xf32, #tpu.memory_space<vmem>>)
      %add3A_109 = arith.constant 1 : i32
      %add3A_110 = arith.addi %mul3A_93, %add3A_109 : i32
      "tpu.region"() ({
        %run_scoped3A = tpu.sem_alloc : memref<!tpu.dma_semaphore, #tpu.memory_space<semaphore_mem>>
        %dma_start3A_116 = arith.constant 0 : i32
        %dma_start3A_117 = tpu.memref_slice %arg7[%add3A_110, %dma_start3A_116] : memref<40x128xi32, #tpu.memory_space<vmem>> -> memref<1x128xi32, #tpu.memory_space<vmem>>
        %dma_start3A_118 = tpu.memref_squeeze %dma_start3A_117 : memref<1x128xi32, #tpu.memory_space<vmem>> -> memref<128xi32, #tpu.memory_space<vmem>>
        %dma_start3A_119 = arith.constant 0 : i32
        %dma_start3A_120 = arith.constant 0 : i32
        %dma_start3A_121 = tpu.memref_slice %arg11[%dma_start3A_119, %dma_start3A_120] : memref<10112x128xf32, #tpu.memory_space<vmem_shared>> -> memref<10112x128xf32, #tpu.memory_space<vmem_shared>>
        tpu.enqueue_indirect_dma source(%arg9 : memref<128x128xf32, #tpu.memory_space<vmem>>) target(%dma_start3A_121 : memref<10112x128xf32, #tpu.memory_space<vmem_shared>>) offsets(%dma_start3A_118 : memref<128xi32, #tpu.memory_space<vmem>>) semaphore(%run_scoped3A : memref<!tpu.dma_semaphore, #tpu.memory_space<semaphore_mem>>) {add = true}
        %dma_wait3A_122 = arith.constant 0 : i32
        %dma_wait3A_123 = tpu.memref_slice %arg7[%add3A_110, %dma_wait3A_122] : memref<40x128xi32, #tpu.memory_space<vmem>> -> memref<1x128xi32, #tpu.memory_space<vmem>>
        %dma_wait3A_124 = tpu.memref_squeeze %dma_wait3A_123 : memref<1x128xi32, #tpu.memory_space<vmem>> -> memref<128xi32, #tpu.memory_space<vmem>>
        %dma_wait3A_125 = arith.constant 0 : i32
        %dma_wait3A_126 = arith.constant 0 : i32
        %dma_wait3A_127 = tpu.memref_slice %arg11[%dma_wait3A_125, %dma_wait3A_126] : memref<10112x128xf32, #tpu.memory_space<vmem_shared>> -> memref<10112x128xf32, #tpu.memory_space<vmem_shared>>
        tpu.wait_indirect_dma semaphore(%run_scoped3A : memref<!tpu.dma_semaphore, #tpu.memory_space<semaphore_mem>>) src(%arg9 : memref<128x128xf32, #tpu.memory_space<vmem>>) dst(%dma_wait3A_127 : memref<10112x128xf32, #tpu.memory_space<vmem_shared>>)
        tpu.yield
      }) : () -> ()
      %lt3A_111 = arith.constant 19 : i32
      %lt3A_112 = arith.cmpi slt, %scan3A_91, %lt3A_111 : i32
      %convert_element_type3A_113 = arith.extui %lt3A_112 : i1 to i32
      %cond3A_114 = arith.constant 0 : i32
      %cond3A_115 = arith.cmpi ne, %convert_element_type3A_113, %cond3A_114 : i32
      scf.if %cond3A_115 {
        %add3A_116 = arith.constant 3 : i32
        %add3A_117 = arith.addi %mul3A_93, %add3A_116 : i32
        %dma_start3A_118 = arith.constant 0 : i32
        %dma_start3A_119 = tpu.memref_slice %arg6[%add3A_117, %dma_start3A_118] : memref<40x128xi32, #tpu.memory_space<vmem>> -> memref<1x128xi32, #tpu.memory_space<vmem>>
        %dma_start3A_120 = tpu.memref_squeeze %dma_start3A_119 : memref<1x128xi32, #tpu.memory_space<vmem>> -> memref<128xi32, #tpu.memory_space<vmem>>
        %dma_start3A_121 = arith.constant 0 : i32
        %dma_start3A_122 = arith.constant 0 : i32
        %dma_start3A_123 = tpu.memref_slice %arg2[%dma_start3A_121, %dma_start3A_122] : memref<10000x128xf32, #tpu.memory_space<hbm>> -> memref<10000x128xf32, #tpu.memory_space<hbm>>
        tpu.enqueue_indirect_dma source(%dma_start3A_123 : memref<10000x128xf32, #tpu.memory_space<hbm>>) target(%arg9 : memref<128x128xf32, #tpu.memory_space<vmem>>) offsets(%dma_start3A_120 : memref<128xi32, #tpu.memory_space<vmem>>) semaphore(%arg13 : memref<!tpu.dma_semaphore, #tpu.memory_space<semaphore_mem>>)
      } else {
      }
    }
    %scan3A_86 = arith.constant 20 : i32
    %barrier3A_87 = arith.constant 0 : index
    tpu.barrier barrier_id(%barrier3A_87)
    %mul3A_88 = arith.constant 10112 : i32
    %mul3A_89 = arith.muli %arg0, %mul3A_88 : i32
    %add3A_90 = arith.addi %mul3A_89, %mul3A_2 : i32
    "tpu.region"() ({
      %run_scoped3A = tpu.sem_alloc : memref<!tpu.dma_semaphore, #tpu.memory_space<semaphore_mem>>
      %dma_start3A_91 = arith.constant 0 : i32
      %dma_start3A_92 = tpu.memref_slice %arg5[%add3A_90, %dma_start3A_91] : memref<20224x128xf32, #tpu.memory_space<hbm>> -> memref<632x128xf32, #tpu.memory_space<hbm>>
      %dma_start3A_93 = arith.constant 0 : i32
      %dma_start3A_94 = tpu.memref_slice %arg11[%mul3A_2, %dma_start3A_93] : memref<10112x128xf32, #tpu.memory_space<vmem_shared>> -> memref<632x128xf32, #tpu.memory_space<vmem_shared>>
      tpu.enqueue_dma source(%dma_start3A_94 : memref<632x128xf32, #tpu.memory_space<vmem_shared>>) target(%dma_start3A_92 : memref<632x128xf32, #tpu.memory_space<hbm>>) target_semaphore(%run_scoped3A : memref<!tpu.dma_semaphore, #tpu.memory_space<semaphore_mem>>)
      %dma_wait3A = arith.constant 0 : i32
      %dma_wait3A_95 = tpu.memref_slice %arg5[%add3A_90, %dma_wait3A] : memref<20224x128xf32, #tpu.memory_space<hbm>> -> memref<632x128xf32, #tpu.memory_space<hbm>>
      %dma_wait3A_96 = arith.constant 0 : i32
      %dma_wait3A_97 = tpu.memref_slice %arg11[%mul3A_2, %dma_wait3A_96] : memref<10112x128xf32, #tpu.memory_space<vmem_shared>> -> memref<632x128xf32, #tpu.memory_space<vmem_shared>>
      tpu.wait_dma2 semaphore(%run_scoped3A : memref<!tpu.dma_semaphore, #tpu.memory_space<semaphore_mem>>) src(%dma_wait3A_97 : memref<632x128xf32, #tpu.memory_space<vmem_shared>>) dst(%dma_wait3A_95 : memref<632x128xf32, #tpu.memory_space<hbm>>)
      tpu.yield
    }) : () -> ()
    return
  }
}

#map = affine_map<(d0, d1) -> (0, 0)>
module attributes {stable_mosaic.version = 14 : i64} {
  func.func @_sc_agg(%arg0: i32, %arg1: i32, %arg2: memref<10000x128xf32, #tpu.memory_space<hbm>>, %arg3: memref<2560x128xi32, #tpu.memory_space<hbm>>, %arg4: memref<2560x128xi32, #tpu.memory_space<hbm>>, %arg5: memref<20224x128xf32, #tpu.memory_space<hbm>>, %arg6: memref<40x128xi32, #tpu.memory_space<vmem>>, %arg7: memref<40x128xi32, #tpu.memory_space<vmem>>, %arg8: memref<128x128xf32, #tpu.memory_space<vmem>>, %arg9: memref<128x128xf32, #tpu.memory_space<vmem>>, %arg10: memref<40x128xf32, #tpu.memory_space<vmem>>, %arg11: memref<10112x128xf32, #tpu.memory_space<vmem_shared>>, %arg12: memref<!tpu.dma_semaphore, #tpu.memory_space<semaphore_mem>>, %arg13: memref<!tpu.dma_semaphore, #tpu.memory_space<semaphore_mem>>) attributes {dimension_semantics = [#tpu.dimension_semantics<core_parallel>, #tpu.dimension_semantics<subcore_parallel>], iteration_bounds = array<i64: 2, 16>, scalar_prefetch = 0 : i64, scratch_operands = 8 : i64, tpu.core_type = #tpu.core_type<sc_vector_subcore>, window_params = [{transform_indices = #map}, {transform_indices = #map}, {transform_indices = #map}, {transform_indices = #map}]} {
    %mul3A = arith.constant 16 : i32
    %mul3A_0 = arith.muli %arg0, %mul3A : i32
    %add3A = arith.addi %mul3A_0, %arg1 : i32
    %mul3A_1 = arith.constant 632 : i32
    %mul3A_2 = arith.muli %arg1, %mul3A_1 : i32
    %mul3A_3 = arith.constant 80 : i32
    %mul3A_4 = arith.muli %add3A, %mul3A_3 : i32
    %add3A_5 = arith.constant 0 : i32
    %add3A_6 = arith.addi %mul3A_4, %add3A_5 : i32
    "tpu.region"() ({
      %run_scoped3A = tpu.sem_alloc : memref<!tpu.dma_semaphore, #tpu.memory_space<semaphore_mem>>
      %dma_start3A_91 = arith.constant 0 : i32
      %dma_start3A_92 = tpu.memref_slice %arg3[%add3A_6, %dma_start3A_91] : memref<2560x128xi32, #tpu.memory_space<hbm>> -> memref<40x128xi32, #tpu.memory_space<hbm>>
      %dma_start3A_93 = arith.constant 0 : i32
      %dma_start3A_94 = tpu.memref_slice %arg3[%add3A_6, %dma_start3A_93] : memref<2560x128xi32, #tpu.memory_space<hbm>> -> memref<40x128xi32, #tpu.memory_space<hbm>>
      tpu.enqueue_dma source(%dma_start3A_94 : memref<40x128xi32, #tpu.memory_space<hbm>>) target(%arg6 : memref<40x128xi32, #tpu.memory_space<vmem>>) target_semaphore(%run_scoped3A : memref<!tpu.dma_semaphore, #tpu.memory_space<semaphore_mem>>)
      %dma_wait3A = arith.constant 0 : i32
      %dma_wait3A_95 = tpu.memref_slice %arg3[%add3A_6, %dma_wait3A] : memref<2560x128xi32, #tpu.memory_space<hbm>> -> memref<40x128xi32, #tpu.memory_space<hbm>>
      %dma_wait3A_96 = arith.constant 0 : i32
      %dma_wait3A_97 = tpu.memref_slice %arg3[%add3A_6, %dma_wait3A_96] : memref<2560x128xi32, #tpu.memory_space<hbm>> -> memref<40x128xi32, #tpu.memory_space<hbm>>
      tpu.wait_dma2 semaphore(%run_scoped3A : memref<!tpu.dma_semaphore, #tpu.memory_space<semaphore_mem>>) src(%dma_wait3A_97 : memref<40x128xi32, #tpu.memory_space<hbm>>) dst(%arg6 : memref<40x128xi32, #tpu.memory_space<vmem>>)
      tpu.yield
    }) : () -> ()
    %add3A_7 = arith.constant 0 : i32
    %add3A_8 = arith.addi %mul3A_4, %add3A_7 : i32
    "tpu.region"() ({
      %run_scoped3A = tpu.sem_alloc : memref<!tpu.dma_semaphore, #tpu.memory_space<semaphore_mem>>
      %dma_start3A_91 = arith.constant 0 : i32
      %dma_start3A_92 = tpu.memref_slice %arg4[%add3A_8, %dma_start3A_91] : memref<2560x128xi32, #tpu.memory_space<hbm>> -> memref<40x128xi32, #tpu.memory_space<hbm>>
      %dma_start3A_93 = arith.constant 0 : i32
      %dma_start3A_94 = tpu.memref_slice %arg4[%add3A_8, %dma_start3A_93] : memref<2560x128xi32, #tpu.memory_space<hbm>> -> memref<40x128xi32, #tpu.memory_space<hbm>>
      tpu.enqueue_dma source(%dma_start3A_94 : memref<40x128xi32, #tpu.memory_space<hbm>>) target(%arg7 : memref<40x128xi32, #tpu.memory_space<vmem>>) target_semaphore(%run_scoped3A : memref<!tpu.dma_semaphore, #tpu.memory_space<semaphore_mem>>)
      %dma_wait3A = arith.constant 0 : i32
      %dma_wait3A_95 = tpu.memref_slice %arg4[%add3A_8, %dma_wait3A] : memref<2560x128xi32, #tpu.memory_space<hbm>> -> memref<40x128xi32, #tpu.memory_space<hbm>>
      %dma_wait3A_96 = arith.constant 0 : i32
      %dma_wait3A_97 = tpu.memref_slice %arg4[%add3A_8, %dma_wait3A_96] : memref<2560x128xi32, #tpu.memory_space<hbm>> -> memref<40x128xi32, #tpu.memory_space<hbm>>
      tpu.wait_dma2 semaphore(%run_scoped3A : memref<!tpu.dma_semaphore, #tpu.memory_space<semaphore_mem>>) src(%dma_wait3A_97 : memref<40x128xi32, #tpu.memory_space<hbm>>) dst(%arg7 : memref<40x128xi32, #tpu.memory_space<vmem>>)
      tpu.yield
    }) : () -> ()
    %dma_start3A = arith.constant 0 : i32
    %dma_start3A_9 = arith.constant 0 : i32
    %dma_start3A_10 = tpu.memref_slice %arg6[%dma_start3A, %dma_start3A_9] : memref<40x128xi32, #tpu.memory_space<vmem>> -> memref<1x128xi32, #tpu.memory_space<vmem>>
    %dma_start3A_11 = tpu.memref_squeeze %dma_start3A_10 : memref<1x128xi32, #tpu.memory_space<vmem>> -> memref<128xi32, #tpu.memory_space<vmem>>
    %dma_start3A_12 = arith.constant 0 : i32
    %dma_start3A_13 = arith.constant 0 : i32
    %dma_start3A_14 = tpu.memref_slice %arg2[%dma_start3A_12, %dma_start3A_13] : memref<10000x128xf32, #tpu.memory_space<hbm>> -> memref<10000x128xf32, #tpu.memory_space<hbm>>
    tpu.enqueue_indirect_dma source(%dma_start3A_14 : memref<10000x128xf32, #tpu.memory_space<hbm>>) target(%arg8 : memref<128x128xf32, #tpu.memory_space<vmem>>) offsets(%dma_start3A_11 : memref<128xi32, #tpu.memory_space<vmem>>) semaphore(%arg12 : memref<!tpu.dma_semaphore, #tpu.memory_space<semaphore_mem>>)
    %dma_start3A_15 = arith.constant 1 : i32
    %dma_start3A_16 = arith.constant 0 : i32
    %dma_start3A_17 = tpu.memref_slice %arg6[%dma_start3A_15, %dma_start3A_16] : memref<40x128xi32, #tpu.memory_space<vmem>> -> memref<1x128xi32, #tpu.memory_space<vmem>>
    %dma_start3A_18 = tpu.memref_squeeze %dma_start3A_17 : memref<1x128xi32, #tpu.memory_space<vmem>> -> memref<128xi32, #tpu.memory_space<vmem>>
    %dma_start3A_19 = arith.constant 0 : i32
    %dma_start3A_20 = arith.constant 0 : i32
    %dma_start3A_21 = tpu.memref_slice %arg2[%dma_start3A_19, %dma_start3A_20] : memref<10000x128xf32, #tpu.memory_space<hbm>> -> memref<10000x128xf32, #tpu.memory_space<hbm>>
    tpu.enqueue_indirect_dma source(%dma_start3A_21 : memref<10000x128xf32, #tpu.memory_space<hbm>>) target(%arg9 : memref<128x128xf32, #tpu.memory_space<vmem>>) offsets(%dma_start3A_18 : memref<128xi32, #tpu.memory_space<vmem>>) semaphore(%arg13 : memref<!tpu.dma_semaphore, #tpu.memory_space<semaphore_mem>>)
    %scan3A = arith.constant 0 : i32
    %scan3A_22 = arith.constant 40 : i32
    %scan3A_23 = arith.addi %scan3A, %scan3A_22 : i32
    %scan3A_24 = arith.constant 1 : i32
    scf.for %scan3A_91 = %scan3A to %scan3A_23 step %scan3A_24  : i32 {
      %broadcast_in_dim3A = arith.constant 0.000000e+00 : f32
      %broadcast_in_dim3A_92 = vector.broadcast %broadcast_in_dim3A : f32 to vector<16xf32>
      %swap3A = arith.index_cast %scan3A_91 : i32 to index
      %swap3A_93 = arith.constant 0 : index
      %swap3A_94 = tpu.vector_load %arg10[%swap3A, %swap3A_93] {strides = array<i32>} : memref<40x128xf32, #tpu.memory_space<vmem>>, vector<1x16xf32>,
      %swap3A_95 = vector.shape_cast %swap3A_94 : vector<1x16xf32> to vector<16xf32>
      %swap3A_96 = vector.shape_cast %broadcast_in_dim3A_92 : vector<16xf32> to vector<1x16xf32>
      tpu.vector_store %arg10[%swap3A, %swap3A_93], %swap3A_96 {strides = array<i32>} : memref<40x128xf32, #tpu.memory_space<vmem>>, vector<1x16xf32>,
      %broadcast_in_dim3A_97 = arith.constant 0.000000e+00 : f32
      %broadcast_in_dim3A_98 = vector.broadcast %broadcast_in_dim3A_97 : f32 to vector<16xf32>
      %swap3A_99 = arith.index_cast %scan3A_91 : i32 to index
      %swap3A_100 = arith.constant 16 : index
      %swap3A_101 = tpu.vector_load %arg10[%swap3A_99, %swap3A_100] {strides = array<i32>} : memref<40x128xf32, #tpu.memory_space<vmem>>, vector<1x16xf32>,
      %swap3A_102 = vector.shape_cast %swap3A_101 : vector<1x16xf32> to vector<16xf32>
      %swap3A_103 = vector.shape_cast %broadcast_in_dim3A_98 : vector<16xf32> to vector<1x16xf32>
      tpu.vector_store %arg10[%swap3A_99, %swap3A_100], %swap3A_103 {strides = array<i32>} : memref<40x128xf32, #tpu.memory_space<vmem>>, vector<1x16xf32>,
      %broadcast_in_dim3A_104 = arith.constant 0.000000e+00 : f32
      %broadcast_in_dim3A_105 = vector.broadcast %broadcast_in_dim3A_104 : f32 to vector<16xf32>
      %swap3A_106 = arith.index_cast %scan3A_91 : i32 to index
      %swap3A_107 = arith.constant 32 : index
      %swap3A_108 = tpu.vector_load %arg10[%swap3A_106, %swap3A_107] {strides = array<i32>} : memref<40x128xf32, #tpu.memory_space<vmem>>, vector<1x16xf32>,
      %swap3A_109 = vector.shape_cast %swap3A_108 : vector<1x16xf32> to vector<16xf32>
      %swap3A_110 = vector.shape_cast %broadcast_in_dim3A_105 : vector<16xf32> to vector<1x16xf32>
      tpu.vector_store %arg10[%swap3A_106, %swap3A_107], %swap3A_110 {strides = array<i32>} : memref<40x128xf32, #tpu.memory_space<vmem>>, vector<1x16xf32>,
      %broadcast_in_dim3A_111 = arith.constant 0.000000e+00 : f32
      %broadcast_in_dim3A_112 = vector.broadcast %broadcast_in_dim3A_111 : f32 to vector<16xf32>
      %swap3A_113 = arith.index_cast %scan3A_91 : i32 to index
      %swap3A_114 = arith.constant 48 : index
      %swap3A_115 = tpu.vector_load %arg10[%swap3A_113, %swap3A_114] {strides = array<i32>} : memref<40x128xf32, #tpu.memory_space<vmem>>, vector<1x16xf32>,
      %swap3A_116 = vector.shape_cast %swap3A_115 : vector<1x16xf32> to vector<16xf32>
      %swap3A_117 = vector.shape_cast %broadcast_in_dim3A_112 : vector<16xf32> to vector<1x16xf32>
      tpu.vector_store %arg10[%swap3A_113, %swap3A_114], %swap3A_117 {strides = array<i32>} : memref<40x128xf32, #tpu.memory_space<vmem>>, vector<1x16xf32>,
      %broadcast_in_dim3A_118 = arith.constant 0.000000e+00 : f32
      %broadcast_in_dim3A_119 = vector.broadcast %broadcast_in_dim3A_118 : f32 to vector<16xf32>
      %swap3A_120 = arith.index_cast %scan3A_91 : i32 to index
      %swap3A_121 = arith.constant 64 : index
      %swap3A_122 = tpu.vector_load %arg10[%swap3A_120, %swap3A_121] {strides = array<i32>} : memref<40x128xf32, #tpu.memory_space<vmem>>, vector<1x16xf32>,
      %swap3A_123 = vector.shape_cast %swap3A_122 : vector<1x16xf32> to vector<16xf32>
      %swap3A_124 = vector.shape_cast %broadcast_in_dim3A_119 : vector<16xf32> to vector<1x16xf32>
      tpu.vector_store %arg10[%swap3A_120, %swap3A_121], %swap3A_124 {strides = array<i32>} : memref<40x128xf32, #tpu.memory_space<vmem>>, vector<1x16xf32>,
      %broadcast_in_dim3A_125 = arith.constant 0.000000e+00 : f32
      %broadcast_in_dim3A_126 = vector.broadcast %broadcast_in_dim3A_125 : f32 to vector<16xf32>
      %swap3A_127 = arith.index_cast %scan3A_91 : i32 to index
      %swap3A_128 = arith.constant 80 : index
      %swap3A_129 = tpu.vector_load %arg10[%swap3A_127, %swap3A_128] {strides = array<i32>} : memref<40x128xf32, #tpu.memory_space<vmem>>, vector<1x16xf32>,
      %swap3A_130 = vector.shape_cast %swap3A_129 : vector<1x16xf32> to vector<16xf32>
      %swap3A_131 = vector.shape_cast %broadcast_in_dim3A_126 : vector<16xf32> to vector<1x16xf32>
      tpu.vector_store %arg10[%swap3A_127, %swap3A_128], %swap3A_131 {strides = array<i32>} : memref<40x128xf32, #tpu.memory_space<vmem>>, vector<1x16xf32>,
      %broadcast_in_dim3A_132 = arith.constant 0.000000e+00 : f32
      %broadcast_in_dim3A_133 = vector.broadcast %broadcast_in_dim3A_132 : f32 to vector<16xf32>
      %swap3A_134 = arith.index_cast %scan3A_91 : i32 to index
      %swap3A_135 = arith.constant 96 : index
      %swap3A_136 = tpu.vector_load %arg10[%swap3A_134, %swap3A_135] {strides = array<i32>} : memref<40x128xf32, #tpu.memory_space<vmem>>, vector<1x16xf32>,
      %swap3A_137 = vector.shape_cast %swap3A_136 : vector<1x16xf32> to vector<16xf32>
      %swap3A_138 = vector.shape_cast %broadcast_in_dim3A_133 : vector<16xf32> to vector<1x16xf32>
      tpu.vector_store %arg10[%swap3A_134, %swap3A_135], %swap3A_138 {strides = array<i32>} : memref<40x128xf32, #tpu.memory_space<vmem>>, vector<1x16xf32>,
      %broadcast_in_dim3A_139 = arith.constant 0.000000e+00 : f32
      %broadcast_in_dim3A_140 = vector.broadcast %broadcast_in_dim3A_139 : f32 to vector<16xf32>
      %swap3A_141 = arith.index_cast %scan3A_91 : i32 to index
      %swap3A_142 = arith.constant 112 : index
      %swap3A_143 = tpu.vector_load %arg10[%swap3A_141, %swap3A_142] {strides = array<i32>} : memref<40x128xf32, #tpu.memory_space<vmem>>, vector<1x16xf32>,
      %swap3A_144 = vector.shape_cast %swap3A_143 : vector<1x16xf32> to vector<16xf32>
      %swap3A_145 = vector.shape_cast %broadcast_in_dim3A_140 : vector<16xf32> to vector<1x16xf32>
      tpu.vector_store %arg10[%swap3A_141, %swap3A_142], %swap3A_145 {strides = array<i32>} : memref<40x128xf32, #tpu.memory_space<vmem>>, vector<1x16xf32>,
    }
    %scan3A_25 = arith.constant 40 : i32
    %add3A_26 = arith.constant 0 : i32
    %add3A_27 = arith.addi %mul3A_2, %add3A_26 : i32
    "tpu.region"() ({
      %run_scoped3A = tpu.sem_alloc : memref<!tpu.dma_semaphore, #tpu.memory_space<semaphore_mem>>
      %dma_start3A_91 = arith.constant 0 : i32
      %dma_start3A_92 = tpu.memref_slice %arg11[%add3A_27, %dma_start3A_91] : memref<10112x128xf32, #tpu.memory_space<vmem_shared>> -> memref<40x128xf32, #tpu.memory_space<vmem_shared>>
      %dma_start3A_93 = arith.constant 0 : i32
      %dma_start3A_94 = tpu.memref_slice %arg11[%add3A_27, %dma_start3A_93] : memref<10112x128xf32, #tpu.memory_space<vmem_shared>> -> memref<40x128xf32, #tpu.memory_space<vmem_shared>>
      tpu.enqueue_dma source(%arg10 : memref<40x128xf32, #tpu.memory_space<vmem>>) target(%dma_start3A_94 : memref<40x128xf32, #tpu.memory_space<vmem_shared>>) target_semaphore(%run_scoped3A : memref<!tpu.dma_semaphore, #tpu.memory_space<semaphore_mem>>)
      %dma_wait3A = arith.constant 0 : i32
      %dma_wait3A_95 = tpu.memref_slice %arg11[%add3A_27, %dma_wait3A] : memref<10112x128xf32, #tpu.memory_space<vmem_shared>> -> memref<40x128xf32, #tpu.memory_space<vmem_shared>>
      %dma_wait3A_96 = arith.constant 0 : i32
      %dma_wait3A_97 = tpu.memref_slice %arg11[%add3A_27, %dma_wait3A_96] : memref<10112x128xf32, #tpu.memory_space<vmem_shared>> -> memref<40x128xf32, #tpu.memory_space<vmem_shared>>
      tpu.wait_dma2 semaphore(%run_scoped3A : memref<!tpu.dma_semaphore, #tpu.memory_space<semaphore_mem>>) src(%arg10 : memref<40x128xf32, #tpu.memory_space<vmem>>) dst(%dma_wait3A_97 : memref<40x128xf32, #tpu.memory_space<vmem_shared>>)
      tpu.yield
    }) : () -> ()
    %add3A_28 = arith.constant 40 : i32
    %add3A_29 = arith.addi %mul3A_2, %add3A_28 : i32
    "tpu.region"() ({
      %run_scoped3A = tpu.sem_alloc : memref<!tpu.dma_semaphore, #tpu.memory_space<semaphore_mem>>
      %dma_start3A_91 = arith.constant 0 : i32
      %dma_start3A_92 = tpu.memref_slice %arg11[%add3A_29, %dma_start3A_91] : memref<10112x128xf32, #tpu.memory_space<vmem_shared>> -> memref<40x128xf32, #tpu.memory_space<vmem_shared>>
      %dma_start3A_93 = arith.constant 0 : i32
      %dma_start3A_94 = tpu.memref_slice %arg11[%add3A_29, %dma_start3A_93] : memref<10112x128xf32, #tpu.memory_space<vmem_shared>> -> memref<40x128xf32, #tpu.memory_space<vmem_shared>>
      tpu.enqueue_dma source(%arg10 : memref<40x128xf32, #tpu.memory_space<vmem>>) target(%dma_start3A_94 : memref<40x128xf32, #tpu.memory_space<vmem_shared>>) target_semaphore(%run_scoped3A : memref<!tpu.dma_semaphore, #tpu.memory_space<semaphore_mem>>)
      %dma_wait3A = arith.constant 0 : i32
      %dma_wait3A_95 = tpu.memref_slice %arg11[%add3A_29, %dma_wait3A] : memref<10112x128xf32, #tpu.memory_space<vmem_shared>> -> memref<40x128xf32, #tpu.memory_space<vmem_shared>>
      %dma_wait3A_96 = arith.constant 0 : i32
      %dma_wait3A_97 = tpu.memref_slice %arg11[%add3A_29, %dma_wait3A_96] : memref<10112x128xf32, #tpu.memory_space<vmem_shared>> -> memref<40x128xf32, #tpu.memory_space<vmem_shared>>
      tpu.wait_dma2 semaphore(%run_scoped3A : memref<!tpu.dma_semaphore, #tpu.memory_space<semaphore_mem>>) src(%arg10 : memref<40x128xf32, #tpu.memory_space<vmem>>) dst(%dma_wait3A_97 : memref<40x128xf32, #tpu.memory_space<vmem_shared>>)
      tpu.yield
    }) : () -> ()
    %add3A_30 = arith.constant 80 : i32
    %add3A_31 = arith.addi %mul3A_2, %add3A_30 : i32
    "tpu.region"() ({
      %run_scoped3A = tpu.sem_alloc : memref<!tpu.dma_semaphore, #tpu.memory_space<semaphore_mem>>
      %dma_start3A_91 = arith.constant 0 : i32
      %dma_start3A_92 = tpu.memref_slice %arg11[%add3A_31, %dma_start3A_91] : memref<10112x128xf32, #tpu.memory_space<vmem_shared>> -> memref<40x128xf32, #tpu.memory_space<vmem_shared>>
      %dma_start3A_93 = arith.constant 0 : i32
      %dma_start3A_94 = tpu.memref_slice %arg11[%add3A_31, %dma_start3A_93] : memref<10112x128xf32, #tpu.memory_space<vmem_shared>> -> memref<40x128xf32, #tpu.memory_space<vmem_shared>>
      tpu.enqueue_dma source(%arg10 : memref<40x128xf32, #tpu.memory_space<vmem>>) target(%dma_start3A_94 : memref<40x128xf32, #tpu.memory_space<vmem_shared>>) target_semaphore(%run_scoped3A : memref<!tpu.dma_semaphore, #tpu.memory_space<semaphore_mem>>)
      %dma_wait3A = arith.constant 0 : i32
      %dma_wait3A_95 = tpu.memref_slice %arg11[%add3A_31, %dma_wait3A] : memref<10112x128xf32, #tpu.memory_space<vmem_shared>> -> memref<40x128xf32, #tpu.memory_space<vmem_shared>>
      %dma_wait3A_96 = arith.constant 0 : i32
      %dma_wait3A_97 = tpu.memref_slice %arg11[%add3A_31, %dma_wait3A_96] : memref<10112x128xf32, #tpu.memory_space<vmem_shared>> -> memref<40x128xf32, #tpu.memory_space<vmem_shared>>
      tpu.wait_dma2 semaphore(%run_scoped3A : memref<!tpu.dma_semaphore, #tpu.memory_space<semaphore_mem>>) src(%arg10 : memref<40x128xf32, #tpu.memory_space<vmem>>) dst(%dma_wait3A_97 : memref<40x128xf32, #tpu.memory_space<vmem_shared>>)
      tpu.yield
    }) : () -> ()
    %add3A_32 = arith.constant 120 : i32
    %add3A_33 = arith.addi %mul3A_2, %add3A_32 : i32
    "tpu.region"() ({
      %run_scoped3A = tpu.sem_alloc : memref<!tpu.dma_semaphore, #tpu.memory_space<semaphore_mem>>
      %dma_start3A_91 = arith.constant 0 : i32
      %dma_start3A_92 = tpu.memref_slice %arg11[%add3A_33, %dma_start3A_91] : memref<10112x128xf32, #tpu.memory_space<vmem_shared>> -> memref<40x128xf32, #tpu.memory_space<vmem_shared>>
      %dma_start3A_93 = arith.constant 0 : i32
      %dma_start3A_94 = tpu.memref_slice %arg11[%add3A_33, %dma_start3A_93] : memref<10112x128xf32, #tpu.memory_space<vmem_shared>> -> memref<40x128xf32, #tpu.memory_space<vmem_shared>>
      tpu.enqueue_dma source(%arg10 : memref<40x128xf32, #tpu.memory_space<vmem>>) target(%dma_start3A_94 : memref<40x128xf32, #tpu.memory_space<vmem_shared>>) target_semaphore(%run_scoped3A : memref<!tpu.dma_semaphore, #tpu.memory_space<semaphore_mem>>)
      %dma_wait3A = arith.constant 0 : i32
      %dma_wait3A_95 = tpu.memref_slice %arg11[%add3A_33, %dma_wait3A] : memref<10112x128xf32, #tpu.memory_space<vmem_shared>> -> memref<40x128xf32, #tpu.memory_space<vmem_shared>>
      %dma_wait3A_96 = arith.constant 0 : i32
      %dma_wait3A_97 = tpu.memref_slice %arg11[%add3A_33, %dma_wait3A_96] : memref<10112x128xf32, #tpu.memory_space<vmem_shared>> -> memref<40x128xf32, #tpu.memory_space<vmem_shared>>
      tpu.wait_dma2 semaphore(%run_scoped3A : memref<!tpu.dma_semaphore, #tpu.memory_space<semaphore_mem>>) src(%arg10 : memref<40x128xf32, #tpu.memory_space<vmem>>) dst(%dma_wait3A_97 : memref<40x128xf32, #tpu.memory_space<vmem_shared>>)
      tpu.yield
    }) : () -> ()
    %add3A_34 = arith.constant 160 : i32
    %add3A_35 = arith.addi %mul3A_2, %add3A_34 : i32
    "tpu.region"() ({
      %run_scoped3A = tpu.sem_alloc : memref<!tpu.dma_semaphore, #tpu.memory_space<semaphore_mem>>
      %dma_start3A_91 = arith.constant 0 : i32
      %dma_start3A_92 = tpu.memref_slice %arg11[%add3A_35, %dma_start3A_91] : memref<10112x128xf32, #tpu.memory_space<vmem_shared>> -> memref<40x128xf32, #tpu.memory_space<vmem_shared>>
      %dma_start3A_93 = arith.constant 0 : i32
      %dma_start3A_94 = tpu.memref_slice %arg11[%add3A_35, %dma_start3A_93] : memref<10112x128xf32, #tpu.memory_space<vmem_shared>> -> memref<40x128xf32, #tpu.memory_space<vmem_shared>>
      tpu.enqueue_dma source(%arg10 : memref<40x128xf32, #tpu.memory_space<vmem>>) target(%dma_start3A_94 : memref<40x128xf32, #tpu.memory_space<vmem_shared>>) target_semaphore(%run_scoped3A : memref<!tpu.dma_semaphore, #tpu.memory_space<semaphore_mem>>)
      %dma_wait3A = arith.constant 0 : i32
      %dma_wait3A_95 = tpu.memref_slice %arg11[%add3A_35, %dma_wait3A] : memref<10112x128xf32, #tpu.memory_space<vmem_shared>> -> memref<40x128xf32, #tpu.memory_space<vmem_shared>>
      %dma_wait3A_96 = arith.constant 0 : i32
      %dma_wait3A_97 = tpu.memref_slice %arg11[%add3A_35, %dma_wait3A_96] : memref<10112x128xf32, #tpu.memory_space<vmem_shared>> -> memref<40x128xf32, #tpu.memory_space<vmem_shared>>
      tpu.wait_dma2 semaphore(%run_scoped3A : memref<!tpu.dma_semaphore, #tpu.memory_space<semaphore_mem>>) src(%arg10 : memref<40x128xf32, #tpu.memory_space<vmem>>) dst(%dma_wait3A_97 : memref<40x128xf32, #tpu.memory_space<vmem_shared>>)
      tpu.yield
    }) : () -> ()
    %add3A_36 = arith.constant 200 : i32
    %add3A_37 = arith.addi %mul3A_2, %add3A_36 : i32
    "tpu.region"() ({
      %run_scoped3A = tpu.sem_alloc : memref<!tpu.dma_semaphore, #tpu.memory_space<semaphore_mem>>
      %dma_start3A_91 = arith.constant 0 : i32
      %dma_start3A_92 = tpu.memref_slice %arg11[%add3A_37, %dma_start3A_91] : memref<10112x128xf32, #tpu.memory_space<vmem_shared>> -> memref<40x128xf32, #tpu.memory_space<vmem_shared>>
      %dma_start3A_93 = arith.constant 0 : i32
      %dma_start3A_94 = tpu.memref_slice %arg11[%add3A_37, %dma_start3A_93] : memref<10112x128xf32, #tpu.memory_space<vmem_shared>> -> memref<40x128xf32, #tpu.memory_space<vmem_shared>>
      tpu.enqueue_dma source(%arg10 : memref<40x128xf32, #tpu.memory_space<vmem>>) target(%dma_start3A_94 : memref<40x128xf32, #tpu.memory_space<vmem_shared>>) target_semaphore(%run_scoped3A : memref<!tpu.dma_semaphore, #tpu.memory_space<semaphore_mem>>)
      %dma_wait3A = arith.constant 0 : i32
      %dma_wait3A_95 = tpu.memref_slice %arg11[%add3A_37, %dma_wait3A] : memref<10112x128xf32, #tpu.memory_space<vmem_shared>> -> memref<40x128xf32, #tpu.memory_space<vmem_shared>>
      %dma_wait3A_96 = arith.constant 0 : i32
      %dma_wait3A_97 = tpu.memref_slice %arg11[%add3A_37, %dma_wait3A_96] : memref<10112x128xf32, #tpu.memory_space<vmem_shared>> -> memref<40x128xf32, #tpu.memory_space<vmem_shared>>
      tpu.wait_dma2 semaphore(%run_scoped3A : memref<!tpu.dma_semaphore, #tpu.memory_space<semaphore_mem>>) src(%arg10 : memref<40x128xf32, #tpu.memory_space<vmem>>) dst(%dma_wait3A_97 : memref<40x128xf32, #tpu.memory_space<vmem_shared>>)
      tpu.yield
    }) : () -> ()
    %add3A_38 = arith.constant 240 : i32
    %add3A_39 = arith.addi %mul3A_2, %add3A_38 : i32
    "tpu.region"() ({
      %run_scoped3A = tpu.sem_alloc : memref<!tpu.dma_semaphore, #tpu.memory_space<semaphore_mem>>
      %dma_start3A_91 = arith.constant 0 : i32
      %dma_start3A_92 = tpu.memref_slice %arg11[%add3A_39, %dma_start3A_91] : memref<10112x128xf32, #tpu.memory_space<vmem_shared>> -> memref<40x128xf32, #tpu.memory_space<vmem_shared>>
      %dma_start3A_93 = arith.constant 0 : i32
      %dma_start3A_94 = tpu.memref_slice %arg11[%add3A_39, %dma_start3A_93] : memref<10112x128xf32, #tpu.memory_space<vmem_shared>> -> memref<40x128xf32, #tpu.memory_space<vmem_shared>>
      tpu.enqueue_dma source(%arg10 : memref<40x128xf32, #tpu.memory_space<vmem>>) target(%dma_start3A_94 : memref<40x128xf32, #tpu.memory_space<vmem_shared>>) target_semaphore(%run_scoped3A : memref<!tpu.dma_semaphore, #tpu.memory_space<semaphore_mem>>)
      %dma_wait3A = arith.constant 0 : i32
      %dma_wait3A_95 = tpu.memref_slice %arg11[%add3A_39, %dma_wait3A] : memref<10112x128xf32, #tpu.memory_space<vmem_shared>> -> memref<40x128xf32, #tpu.memory_space<vmem_shared>>
      %dma_wait3A_96 = arith.constant 0 : i32
      %dma_wait3A_97 = tpu.memref_slice %arg11[%add3A_39, %dma_wait3A_96] : memref<10112x128xf32, #tpu.memory_space<vmem_shared>> -> memref<40x128xf32, #tpu.memory_space<vmem_shared>>
      tpu.wait_dma2 semaphore(%run_scoped3A : memref<!tpu.dma_semaphore, #tpu.memory_space<semaphore_mem>>) src(%arg10 : memref<40x128xf32, #tpu.memory_space<vmem>>) dst(%dma_wait3A_97 : memref<40x128xf32, #tpu.memory_space<vmem_shared>>)
      tpu.yield
    }) : () -> ()
    %add3A_40 = arith.constant 280 : i32
    %add3A_41 = arith.addi %mul3A_2, %add3A_40 : i32
    "tpu.region"() ({
      %run_scoped3A = tpu.sem_alloc : memref<!tpu.dma_semaphore, #tpu.memory_space<semaphore_mem>>
      %dma_start3A_91 = arith.constant 0 : i32
      %dma_start3A_92 = tpu.memref_slice %arg11[%add3A_41, %dma_start3A_91] : memref<10112x128xf32, #tpu.memory_space<vmem_shared>> -> memref<40x128xf32, #tpu.memory_space<vmem_shared>>
      %dma_start3A_93 = arith.constant 0 : i32
      %dma_start3A_94 = tpu.memref_slice %arg11[%add3A_41, %dma_start3A_93] : memref<10112x128xf32, #tpu.memory_space<vmem_shared>> -> memref<40x128xf32, #tpu.memory_space<vmem_shared>>
      tpu.enqueue_dma source(%arg10 : memref<40x128xf32, #tpu.memory_space<vmem>>) target(%dma_start3A_94 : memref<40x128xf32, #tpu.memory_space<vmem_shared>>) target_semaphore(%run_scoped3A : memref<!tpu.dma_semaphore, #tpu.memory_space<semaphore_mem>>)
      %dma_wait3A = arith.constant 0 : i32
      %dma_wait3A_95 = tpu.memref_slice %arg11[%add3A_41, %dma_wait3A] : memref<10112x128xf32, #tpu.memory_space<vmem_shared>> -> memref<40x128xf32, #tpu.memory_space<vmem_shared>>
      %dma_wait3A_96 = arith.constant 0 : i32
      %dma_wait3A_97 = tpu.memref_slice %arg11[%add3A_41, %dma_wait3A_96] : memref<10112x128xf32, #tpu.memory_space<vmem_shared>> -> memref<40x128xf32, #tpu.memory_space<vmem_shared>>
      tpu.wait_dma2 semaphore(%run_scoped3A : memref<!tpu.dma_semaphore, #tpu.memory_space<semaphore_mem>>) src(%arg10 : memref<40x128xf32, #tpu.memory_space<vmem>>) dst(%dma_wait3A_97 : memref<40x128xf32, #tpu.memory_space<vmem_shared>>)
      tpu.yield
    }) : () -> ()
    %add3A_42 = arith.constant 320 : i32
    %add3A_43 = arith.addi %mul3A_2, %add3A_42 : i32
    "tpu.region"() ({
      %run_scoped3A = tpu.sem_alloc : memref<!tpu.dma_semaphore, #tpu.memory_space<semaphore_mem>>
      %dma_start3A_91 = arith.constant 0 : i32
      %dma_start3A_92 = tpu.memref_slice %arg11[%add3A_43, %dma_start3A_91] : memref<10112x128xf32, #tpu.memory_space<vmem_shared>> -> memref<40x128xf32, #tpu.memory_space<vmem_shared>>
      %dma_start3A_93 = arith.constant 0 : i32
      %dma_start3A_94 = tpu.memref_slice %arg11[%add3A_43, %dma_start3A_93] : memref<10112x128xf32, #tpu.memory_space<vmem_shared>> -> memref<40x128xf32, #tpu.memory_space<vmem_shared>>
      tpu.enqueue_dma source(%arg10 : memref<40x128xf32, #tpu.memory_space<vmem>>) target(%dma_start3A_94 : memref<40x128xf32, #tpu.memory_space<vmem_shared>>) target_semaphore(%run_scoped3A : memref<!tpu.dma_semaphore, #tpu.memory_space<semaphore_mem>>)
      %dma_wait3A = arith.constant 0 : i32
      %dma_wait3A_95 = tpu.memref_slice %arg11[%add3A_43, %dma_wait3A] : memref<10112x128xf32, #tpu.memory_space<vmem_shared>> -> memref<40x128xf32, #tpu.memory_space<vmem_shared>>
      %dma_wait3A_96 = arith.constant 0 : i32
      %dma_wait3A_97 = tpu.memref_slice %arg11[%add3A_43, %dma_wait3A_96] : memref<10112x128xf32, #tpu.memory_space<vmem_shared>> -> memref<40x128xf32, #tpu.memory_space<vmem_shared>>
      tpu.wait_dma2 semaphore(%run_scoped3A : memref<!tpu.dma_semaphore, #tpu.memory_space<semaphore_mem>>) src(%arg10 : memref<40x128xf32, #tpu.memory_space<vmem>>) dst(%dma_wait3A_97 : memref<40x128xf32, #tpu.memory_space<vmem_shared>>)
      tpu.yield
    }) : () -> ()
    %add3A_44 = arith.constant 360 : i32
    %add3A_45 = arith.addi %mul3A_2, %add3A_44 : i32
    "tpu.region"() ({
      %run_scoped3A = tpu.sem_alloc : memref<!tpu.dma_semaphore, #tpu.memory_space<semaphore_mem>>
      %dma_start3A_91 = arith.constant 0 : i32
      %dma_start3A_92 = tpu.memref_slice %arg11[%add3A_45, %dma_start3A_91] : memref<10112x128xf32, #tpu.memory_space<vmem_shared>> -> memref<40x128xf32, #tpu.memory_space<vmem_shared>>
      %dma_start3A_93 = arith.constant 0 : i32
      %dma_start3A_94 = tpu.memref_slice %arg11[%add3A_45, %dma_start3A_93] : memref<10112x128xf32, #tpu.memory_space<vmem_shared>> -> memref<40x128xf32, #tpu.memory_space<vmem_shared>>
      tpu.enqueue_dma source(%arg10 : memref<40x128xf32, #tpu.memory_space<vmem>>) target(%dma_start3A_94 : memref<40x128xf32, #tpu.memory_space<vmem_shared>>) target_semaphore(%run_scoped3A : memref<!tpu.dma_semaphore, #tpu.memory_space<semaphore_mem>>)
      %dma_wait3A = arith.constant 0 : i32
      %dma_wait3A_95 = tpu.memref_slice %arg11[%add3A_45, %dma_wait3A] : memref<10112x128xf32, #tpu.memory_space<vmem_shared>> -> memref<40x128xf32, #tpu.memory_space<vmem_shared>>
      %dma_wait3A_96 = arith.constant 0 : i32
      %dma_wait3A_97 = tpu.memref_slice %arg11[%add3A_45, %dma_wait3A_96] : memref<10112x128xf32, #tpu.memory_space<vmem_shared>> -> memref<40x128xf32, #tpu.memory_space<vmem_shared>>
      tpu.wait_dma2 semaphore(%run_scoped3A : memref<!tpu.dma_semaphore, #tpu.memory_space<semaphore_mem>>) src(%arg10 : memref<40x128xf32, #tpu.memory_space<vmem>>) dst(%dma_wait3A_97 : memref<40x128xf32, #tpu.memory_space<vmem_shared>>)
      tpu.yield
    }) : () -> ()
    %add3A_46 = arith.constant 400 : i32
    %add3A_47 = arith.addi %mul3A_2, %add3A_46 : i32
    "tpu.region"() ({
      %run_scoped3A = tpu.sem_alloc : memref<!tpu.dma_semaphore, #tpu.memory_space<semaphore_mem>>
      %dma_start3A_91 = arith.constant 0 : i32
      %dma_start3A_92 = tpu.memref_slice %arg11[%add3A_47, %dma_start3A_91] : memref<10112x128xf32, #tpu.memory_space<vmem_shared>> -> memref<40x128xf32, #tpu.memory_space<vmem_shared>>
      %dma_start3A_93 = arith.constant 0 : i32
      %dma_start3A_94 = tpu.memref_slice %arg11[%add3A_47, %dma_start3A_93] : memref<10112x128xf32, #tpu.memory_space<vmem_shared>> -> memref<40x128xf32, #tpu.memory_space<vmem_shared>>
      tpu.enqueue_dma source(%arg10 : memref<40x128xf32, #tpu.memory_space<vmem>>) target(%dma_start3A_94 : memref<40x128xf32, #tpu.memory_space<vmem_shared>>) target_semaphore(%run_scoped3A : memref<!tpu.dma_semaphore, #tpu.memory_space<semaphore_mem>>)
      %dma_wait3A = arith.constant 0 : i32
      %dma_wait3A_95 = tpu.memref_slice %arg11[%add3A_47, %dma_wait3A] : memref<10112x128xf32, #tpu.memory_space<vmem_shared>> -> memref<40x128xf32, #tpu.memory_space<vmem_shared>>
      %dma_wait3A_96 = arith.constant 0 : i32
      %dma_wait3A_97 = tpu.memref_slice %arg11[%add3A_47, %dma_wait3A_96] : memref<10112x128xf32, #tpu.memory_space<vmem_shared>> -> memref<40x128xf32, #tpu.memory_space<vmem_shared>>
      tpu.wait_dma2 semaphore(%run_scoped3A : memref<!tpu.dma_semaphore, #tpu.memory_space<semaphore_mem>>) src(%arg10 : memref<40x128xf32, #tpu.memory_space<vmem>>) dst(%dma_wait3A_97 : memref<40x128xf32, #tpu.memory_space<vmem_shared>>)
      tpu.yield
    }) : () -> ()
    %add3A_48 = arith.constant 440 : i32
    %add3A_49 = arith.addi %mul3A_2, %add3A_48 : i32
    "tpu.region"() ({
      %run_scoped3A = tpu.sem_alloc : memref<!tpu.dma_semaphore, #tpu.memory_space<semaphore_mem>>
      %dma_start3A_91 = arith.constant 0 : i32
      %dma_start3A_92 = tpu.memref_slice %arg11[%add3A_49, %dma_start3A_91] : memref<10112x128xf32, #tpu.memory_space<vmem_shared>> -> memref<40x128xf32, #tpu.memory_space<vmem_shared>>
      %dma_start3A_93 = arith.constant 0 : i32
      %dma_start3A_94 = tpu.memref_slice %arg11[%add3A_49, %dma_start3A_93] : memref<10112x128xf32, #tpu.memory_space<vmem_shared>> -> memref<40x128xf32, #tpu.memory_space<vmem_shared>>
      tpu.enqueue_dma source(%arg10 : memref<40x128xf32, #tpu.memory_space<vmem>>) target(%dma_start3A_94 : memref<40x128xf32, #tpu.memory_space<vmem_shared>>) target_semaphore(%run_scoped3A : memref<!tpu.dma_semaphore, #tpu.memory_space<semaphore_mem>>)
      %dma_wait3A = arith.constant 0 : i32
      %dma_wait3A_95 = tpu.memref_slice %arg11[%add3A_49, %dma_wait3A] : memref<10112x128xf32, #tpu.memory_space<vmem_shared>> -> memref<40x128xf32, #tpu.memory_space<vmem_shared>>
      %dma_wait3A_96 = arith.constant 0 : i32
      %dma_wait3A_97 = tpu.memref_slice %arg11[%add3A_49, %dma_wait3A_96] : memref<10112x128xf32, #tpu.memory_space<vmem_shared>> -> memref<40x128xf32, #tpu.memory_space<vmem_shared>>
      tpu.wait_dma2 semaphore(%run_scoped3A : memref<!tpu.dma_semaphore, #tpu.memory_space<semaphore_mem>>) src(%arg10 : memref<40x128xf32, #tpu.memory_space<vmem>>) dst(%dma_wait3A_97 : memref<40x128xf32, #tpu.memory_space<vmem_shared>>)
      tpu.yield
    }) : () -> ()
    %add3A_50 = arith.constant 480 : i32
    %add3A_51 = arith.addi %mul3A_2, %add3A_50 : i32
    "tpu.region"() ({
      %run_scoped3A = tpu.sem_alloc : memref<!tpu.dma_semaphore, #tpu.memory_space<semaphore_mem>>
      %dma_start3A_91 = arith.constant 0 : i32
      %dma_start3A_92 = tpu.memref_slice %arg11[%add3A_51, %dma_start3A_91] : memref<10112x128xf32, #tpu.memory_space<vmem_shared>> -> memref<40x128xf32, #tpu.memory_space<vmem_shared>>
      %dma_start3A_93 = arith.constant 0 : i32
      %dma_start3A_94 = tpu.memref_slice %arg11[%add3A_51, %dma_start3A_93] : memref<10112x128xf32, #tpu.memory_space<vmem_shared>> -> memref<40x128xf32, #tpu.memory_space<vmem_shared>>
      tpu.enqueue_dma source(%arg10 : memref<40x128xf32, #tpu.memory_space<vmem>>) target(%dma_start3A_94 : memref<40x128xf32, #tpu.memory_space<vmem_shared>>) target_semaphore(%run_scoped3A : memref<!tpu.dma_semaphore, #tpu.memory_space<semaphore_mem>>)
      %dma_wait3A = arith.constant 0 : i32
      %dma_wait3A_95 = tpu.memref_slice %arg11[%add3A_51, %dma_wait3A] : memref<10112x128xf32, #tpu.memory_space<vmem_shared>> -> memref<40x128xf32, #tpu.memory_space<vmem_shared>>
      %dma_wait3A_96 = arith.constant 0 : i32
      %dma_wait3A_97 = tpu.memref_slice %arg11[%add3A_51, %dma_wait3A_96] : memref<10112x128xf32, #tpu.memory_space<vmem_shared>> -> memref<40x128xf32, #tpu.memory_space<vmem_shared>>
      tpu.wait_dma2 semaphore(%run_scoped3A : memref<!tpu.dma_semaphore, #tpu.memory_space<semaphore_mem>>) src(%arg10 : memref<40x128xf32, #tpu.memory_space<vmem>>) dst(%dma_wait3A_97 : memref<40x128xf32, #tpu.memory_space<vmem_shared>>)
      tpu.yield
    }) : () -> ()
    %add3A_52 = arith.constant 520 : i32
    %add3A_53 = arith.addi %mul3A_2, %add3A_52 : i32
    "tpu.region"() ({
      %run_scoped3A = tpu.sem_alloc : memref<!tpu.dma_semaphore, #tpu.memory_space<semaphore_mem>>
      %dma_start3A_91 = arith.constant 0 : i32
      %dma_start3A_92 = tpu.memref_slice %arg11[%add3A_53, %dma_start3A_91] : memref<10112x128xf32, #tpu.memory_space<vmem_shared>> -> memref<40x128xf32, #tpu.memory_space<vmem_shared>>
      %dma_start3A_93 = arith.constant 0 : i32
      %dma_start3A_94 = tpu.memref_slice %arg11[%add3A_53, %dma_start3A_93] : memref<10112x128xf32, #tpu.memory_space<vmem_shared>> -> memref<40x128xf32, #tpu.memory_space<vmem_shared>>
      tpu.enqueue_dma source(%arg10 : memref<40x128xf32, #tpu.memory_space<vmem>>) target(%dma_start3A_94 : memref<40x128xf32, #tpu.memory_space<vmem_shared>>) target_semaphore(%run_scoped3A : memref<!tpu.dma_semaphore, #tpu.memory_space<semaphore_mem>>)
      %dma_wait3A = arith.constant 0 : i32
      %dma_wait3A_95 = tpu.memref_slice %arg11[%add3A_53, %dma_wait3A] : memref<10112x128xf32, #tpu.memory_space<vmem_shared>> -> memref<40x128xf32, #tpu.memory_space<vmem_shared>>
      %dma_wait3A_96 = arith.constant 0 : i32
      %dma_wait3A_97 = tpu.memref_slice %arg11[%add3A_53, %dma_wait3A_96] : memref<10112x128xf32, #tpu.memory_space<vmem_shared>> -> memref<40x128xf32, #tpu.memory_space<vmem_shared>>
      tpu.wait_dma2 semaphore(%run_scoped3A : memref<!tpu.dma_semaphore, #tpu.memory_space<semaphore_mem>>) src(%arg10 : memref<40x128xf32, #tpu.memory_space<vmem>>) dst(%dma_wait3A_97 : memref<40x128xf32, #tpu.memory_space<vmem_shared>>)
      tpu.yield
    }) : () -> ()
    %add3A_54 = arith.constant 560 : i32
    %add3A_55 = arith.addi %mul3A_2, %add3A_54 : i32
    "tpu.region"() ({
      %run_scoped3A = tpu.sem_alloc : memref<!tpu.dma_semaphore, #tpu.memory_space<semaphore_mem>>
      %dma_start3A_91 = arith.constant 0 : i32
      %dma_start3A_92 = tpu.memref_slice %arg11[%add3A_55, %dma_start3A_91] : memref<10112x128xf32, #tpu.memory_space<vmem_shared>> -> memref<40x128xf32, #tpu.memory_space<vmem_shared>>
      %dma_start3A_93 = arith.constant 0 : i32
      %dma_start3A_94 = tpu.memref_slice %arg11[%add3A_55, %dma_start3A_93] : memref<10112x128xf32, #tpu.memory_space<vmem_shared>> -> memref<40x128xf32, #tpu.memory_space<vmem_shared>>
      tpu.enqueue_dma source(%arg10 : memref<40x128xf32, #tpu.memory_space<vmem>>) target(%dma_start3A_94 : memref<40x128xf32, #tpu.memory_space<vmem_shared>>) target_semaphore(%run_scoped3A : memref<!tpu.dma_semaphore, #tpu.memory_space<semaphore_mem>>)
      %dma_wait3A = arith.constant 0 : i32
      %dma_wait3A_95 = tpu.memref_slice %arg11[%add3A_55, %dma_wait3A] : memref<10112x128xf32, #tpu.memory_space<vmem_shared>> -> memref<40x128xf32, #tpu.memory_space<vmem_shared>>
      %dma_wait3A_96 = arith.constant 0 : i32
      %dma_wait3A_97 = tpu.memref_slice %arg11[%add3A_55, %dma_wait3A_96] : memref<10112x128xf32, #tpu.memory_space<vmem_shared>> -> memref<40x128xf32, #tpu.memory_space<vmem_shared>>
      tpu.wait_dma2 semaphore(%run_scoped3A : memref<!tpu.dma_semaphore, #tpu.memory_space<semaphore_mem>>) src(%arg10 : memref<40x128xf32, #tpu.memory_space<vmem>>) dst(%dma_wait3A_97 : memref<40x128xf32, #tpu.memory_space<vmem_shared>>)
      tpu.yield
    }) : () -> ()
    %add3A_56 = arith.constant 632 : i32
    %add3A_57 = arith.addi %mul3A_2, %add3A_56 : i32
    %sub3A = arith.constant 32 : i32
    %sub3A_58 = arith.subi %add3A_57, %sub3A : i32
    "tpu.region"() ({
      %run_scoped3A = tpu.sem_alloc : memref<!tpu.dma_semaphore, #tpu.memory_space<semaphore_mem>>
      %dma_start3A_91 = arith.constant 0 : i32
      %dma_start3A_92 = arith.constant 0 : i32
      %dma_start3A_93 = tpu.memref_slice %arg10[%dma_start3A_91, %dma_start3A_92] : memref<40x128xf32, #tpu.memory_space<vmem>> -> memref<32x128xf32, #tpu.memory_space<vmem>>
      %dma_start3A_94 = arith.constant 0 : i32
      %dma_start3A_95 = tpu.memref_slice %arg11[%sub3A_58, %dma_start3A_94] : memref<10112x128xf32, #tpu.memory_space<vmem_shared>> -> memref<32x128xf32, #tpu.memory_space<vmem_shared>>
      %dma_start3A_96 = arith.constant 0 : i32
      %dma_start3A_97 = tpu.memref_slice %arg11[%sub3A_58, %dma_start3A_96] : memref<10112x128xf32, #tpu.memory_space<vmem_shared>> -> memref<32x128xf32, #tpu.memory_space<vmem_shared>>
      %dma_start3A_98 = arith.constant 0 : i32
      %dma_start3A_99 = arith.constant 0 : i32
      %dma_start3A_100 = tpu.memref_slice %arg10[%dma_start3A_98, %dma_start3A_99] : memref<40x128xf32, #tpu.memory_space<vmem>> -> memref<32x128xf32, #tpu.memory_space<vmem>>
      tpu.enqueue_dma source(%dma_start3A_100 : memref<32x128xf32, #tpu.memory_space<vmem>>) target(%dma_start3A_97 : memref<32x128xf32, #tpu.memory_space<vmem_shared>>) target_semaphore(%run_scoped3A : memref<!tpu.dma_semaphore, #tpu.memory_space<semaphore_mem>>)
      %dma_wait3A = arith.constant 0 : i32
      %dma_wait3A_101 = arith.constant 0 : i32
      %dma_wait3A_102 = tpu.memref_slice %arg10[%dma_wait3A, %dma_wait3A_101] : memref<40x128xf32, #tpu.memory_space<vmem>> -> memref<32x128xf32, #tpu.memory_space<vmem>>
      %dma_wait3A_103 = arith.constant 0 : i32
      %dma_wait3A_104 = tpu.memref_slice %arg11[%sub3A_58, %dma_wait3A_103] : memref<10112x128xf32, #tpu.memory_space<vmem_shared>> -> memref<32x128xf32, #tpu.memory_space<vmem_shared>>
      %dma_wait3A_105 = arith.constant 0 : i32
      %dma_wait3A_106 = tpu.memref_slice %arg11[%sub3A_58, %dma_wait3A_105] : memref<10112x128xf32, #tpu.memory_space<vmem_shared>> -> memref<32x128xf32, #tpu.memory_space<vmem_shared>>
      %dma_wait3A_107 = arith.constant 0 : i32
      %dma_wait3A_108 = arith.constant 0 : i32
      %dma_wait3A_109 = tpu.memref_slice %arg10[%dma_wait3A_107, %dma_wait3A_108] : memref<40x128xf32, #tpu.memory_space<vmem>> -> memref<32x128xf32, #tpu.memory_space<vmem>>
      tpu.wait_dma2 semaphore(%run_scoped3A : memref<!tpu.dma_semaphore, #tpu.memory_space<semaphore_mem>>) src(%dma_wait3A_109 : memref<32x128xf32, #tpu.memory_space<vmem>>) dst(%dma_wait3A_106 : memref<32x128xf32, #tpu.memory_space<vmem_shared>>)
      tpu.yield
    }) : () -> ()
    %barrier3A = arith.constant 0 : index
    tpu.barrier barrier_id(%barrier3A)
    %scan3A_59 = arith.constant 0 : i32
    %scan3A_60 = arith.constant 20 : i32
    %scan3A_61 = arith.addi %scan3A_59, %scan3A_60 : i32
    %scan3A_62 = arith.constant 1 : i32
    scf.for %scan3A_91 = %scan3A_59 to %scan3A_61 step %scan3A_62  : i32 {
      %mul3A_92 = arith.constant 2 : i32
      %mul3A_93 = arith.muli %mul3A_92, %scan3A_91 : i32
      %dma_wait3A = arith.constant 0 : i32
      %dma_wait3A_94 = tpu.memref_slice %arg6[%mul3A_93, %dma_wait3A] : memref<40x128xi32, #tpu.memory_space<vmem>> -> memref<1x128xi32, #tpu.memory_space<vmem>>
      %dma_wait3A_95 = tpu.memref_squeeze %dma_wait3A_94 : memref<1x128xi32, #tpu.memory_space<vmem>> -> memref<128xi32, #tpu.memory_space<vmem>>
      %dma_wait3A_96 = arith.constant 0 : i32
      %dma_wait3A_97 = arith.constant 0 : i32
      %dma_wait3A_98 = tpu.memref_slice %arg2[%dma_wait3A_96, %dma_wait3A_97] : memref<10000x128xf32, #tpu.memory_space<hbm>> -> memref<10000x128xf32, #tpu.memory_space<hbm>>
      tpu.wait_indirect_dma semaphore(%arg12 : memref<!tpu.dma_semaphore, #tpu.memory_space<semaphore_mem>>) src(%dma_wait3A_98 : memref<10000x128xf32, #tpu.memory_space<hbm>>) dst(%arg8 : memref<128x128xf32, #tpu.memory_space<vmem>>)
      "tpu.region"() ({
        %run_scoped3A = tpu.sem_alloc : memref<!tpu.dma_semaphore, #tpu.memory_space<semaphore_mem>>
        %dma_start3A_116 = arith.constant 0 : i32
        %dma_start3A_117 = tpu.memref_slice %arg7[%mul3A_93, %dma_start3A_116] : memref<40x128xi32, #tpu.memory_space<vmem>> -> memref<1x128xi32, #tpu.memory_space<vmem>>
        %dma_start3A_118 = tpu.memref_squeeze %dma_start3A_117 : memref<1x128xi32, #tpu.memory_space<vmem>> -> memref<128xi32, #tpu.memory_space<vmem>>
        %dma_start3A_119 = arith.constant 0 : i32
        %dma_start3A_120 = arith.constant 0 : i32
        %dma_start3A_121 = tpu.memref_slice %arg11[%dma_start3A_119, %dma_start3A_120] : memref<10112x128xf32, #tpu.memory_space<vmem_shared>> -> memref<10112x128xf32, #tpu.memory_space<vmem_shared>>
        tpu.enqueue_indirect_dma source(%arg8 : memref<128x128xf32, #tpu.memory_space<vmem>>) target(%dma_start3A_121 : memref<10112x128xf32, #tpu.memory_space<vmem_shared>>) offsets(%dma_start3A_118 : memref<128xi32, #tpu.memory_space<vmem>>) semaphore(%run_scoped3A : memref<!tpu.dma_semaphore, #tpu.memory_space<semaphore_mem>>) {add = true}
        %dma_wait3A_122 = arith.constant 0 : i32
        %dma_wait3A_123 = tpu.memref_slice %arg7[%mul3A_93, %dma_wait3A_122] : memref<40x128xi32, #tpu.memory_space<vmem>> -> memref<1x128xi32, #tpu.memory_space<vmem>>
        %dma_wait3A_124 = tpu.memref_squeeze %dma_wait3A_123 : memref<1x128xi32, #tpu.memory_space<vmem>> -> memref<128xi32, #tpu.memory_space<vmem>>
        %dma_wait3A_125 = arith.constant 0 : i32
        %dma_wait3A_126 = arith.constant 0 : i32
        %dma_wait3A_127 = tpu.memref_slice %arg11[%dma_wait3A_125, %dma_wait3A_126] : memref<10112x128xf32, #tpu.memory_space<vmem_shared>> -> memref<10112x128xf32, #tpu.memory_space<vmem_shared>>
        tpu.wait_indirect_dma semaphore(%run_scoped3A : memref<!tpu.dma_semaphore, #tpu.memory_space<semaphore_mem>>) src(%arg8 : memref<128x128xf32, #tpu.memory_space<vmem>>) dst(%dma_wait3A_127 : memref<10112x128xf32, #tpu.memory_space<vmem_shared>>)
        tpu.yield
      }) : () -> ()
      %lt3A = arith.constant 19 : i32
      %lt3A_99 = arith.cmpi slt, %scan3A_91, %lt3A : i32
      %convert_element_type3A = arith.extui %lt3A_99 : i1 to i32
      %cond3A = arith.constant 0 : i32
      %cond3A_100 = arith.cmpi ne, %convert_element_type3A, %cond3A : i32
      scf.if %cond3A_100 {
        %add3A_116 = arith.constant 2 : i32
        %add3A_117 = arith.addi %mul3A_93, %add3A_116 : i32
        %dma_start3A_118 = arith.constant 0 : i32
        %dma_start3A_119 = tpu.memref_slice %arg6[%add3A_117, %dma_start3A_118] : memref<40x128xi32, #tpu.memory_space<vmem>> -> memref<1x128xi32, #tpu.memory_space<vmem>>
        %dma_start3A_120 = tpu.memref_squeeze %dma_start3A_119 : memref<1x128xi32, #tpu.memory_space<vmem>> -> memref<128xi32, #tpu.memory_space<vmem>>
        %dma_start3A_121 = arith.constant 0 : i32
        %dma_start3A_122 = arith.constant 0 : i32
        %dma_start3A_123 = tpu.memref_slice %arg2[%dma_start3A_121, %dma_start3A_122] : memref<10000x128xf32, #tpu.memory_space<hbm>> -> memref<10000x128xf32, #tpu.memory_space<hbm>>
        tpu.enqueue_indirect_dma source(%dma_start3A_123 : memref<10000x128xf32, #tpu.memory_space<hbm>>) target(%arg8 : memref<128x128xf32, #tpu.memory_space<vmem>>) offsets(%dma_start3A_120 : memref<128xi32, #tpu.memory_space<vmem>>) semaphore(%arg12 : memref<!tpu.dma_semaphore, #tpu.memory_space<semaphore_mem>>)
      } else {
      }
      %add3A_101 = arith.constant 1 : i32
      %add3A_102 = arith.addi %mul3A_93, %add3A_101 : i32
      %dma_wait3A_103 = arith.constant 0 : i32
      %dma_wait3A_104 = tpu.memref_slice %arg6[%add3A_102, %dma_wait3A_103] : memref<40x128xi32, #tpu.memory_space<vmem>> -> memref<1x128xi32, #tpu.memory_space<vmem>>
      %dma_wait3A_105 = tpu.memref_squeeze %dma_wait3A_104 : memref<1x128xi32, #tpu.memory_space<vmem>> -> memref<128xi32, #tpu.memory_space<vmem>>
      %dma_wait3A_106 = arith.constant 0 : i32
      %dma_wait3A_107 = arith.constant 0 : i32
      %dma_wait3A_108 = tpu.memref_slice %arg2[%dma_wait3A_106, %dma_wait3A_107] : memref<10000x128xf32, #tpu.memory_space<hbm>> -> memref<10000x128xf32, #tpu.memory_space<hbm>>
      tpu.wait_indirect_dma semaphore(%arg13 : memref<!tpu.dma_semaphore, #tpu.memory_space<semaphore_mem>>) src(%dma_wait3A_108 : memref<10000x128xf32, #tpu.memory_space<hbm>>) dst(%arg9 : memref<128x128xf32, #tpu.memory_space<vmem>>)
      %add3A_109 = arith.constant 1 : i32
      %add3A_110 = arith.addi %mul3A_93, %add3A_109 : i32
      "tpu.region"() ({
        %run_scoped3A = tpu.sem_alloc : memref<!tpu.dma_semaphore, #tpu.memory_space<semaphore_mem>>
        %dma_start3A_116 = arith.constant 0 : i32
        %dma_start3A_117 = tpu.memref_slice %arg7[%add3A_110, %dma_start3A_116] : memref<40x128xi32, #tpu.memory_space<vmem>> -> memref<1x128xi32, #tpu.memory_space<vmem>>
        %dma_start3A_118 = tpu.memref_squeeze %dma_start3A_117 : memref<1x128xi32, #tpu.memory_space<vmem>> -> memref<128xi32, #tpu.memory_space<vmem>>
        %dma_start3A_119 = arith.constant 0 : i32
        %dma_start3A_120 = arith.constant 0 : i32
        %dma_start3A_121 = tpu.memref_slice %arg11[%dma_start3A_119, %dma_start3A_120] : memref<10112x128xf32, #tpu.memory_space<vmem_shared>> -> memref<10112x128xf32, #tpu.memory_space<vmem_shared>>
        tpu.enqueue_indirect_dma source(%arg9 : memref<128x128xf32, #tpu.memory_space<vmem>>) target(%dma_start3A_121 : memref<10112x128xf32, #tpu.memory_space<vmem_shared>>) offsets(%dma_start3A_118 : memref<128xi32, #tpu.memory_space<vmem>>) semaphore(%run_scoped3A : memref<!tpu.dma_semaphore, #tpu.memory_space<semaphore_mem>>) {add = true}
        %dma_wait3A_122 = arith.constant 0 : i32
        %dma_wait3A_123 = tpu.memref_slice %arg7[%add3A_110, %dma_wait3A_122] : memref<40x128xi32, #tpu.memory_space<vmem>> -> memref<1x128xi32, #tpu.memory_space<vmem>>
        %dma_wait3A_124 = tpu.memref_squeeze %dma_wait3A_123 : memref<1x128xi32, #tpu.memory_space<vmem>> -> memref<128xi32, #tpu.memory_space<vmem>>
        %dma_wait3A_125 = arith.constant 0 : i32
        %dma_wait3A_126 = arith.constant 0 : i32
        %dma_wait3A_127 = tpu.memref_slice %arg11[%dma_wait3A_125, %dma_wait3A_126] : memref<10112x128xf32, #tpu.memory_space<vmem_shared>> -> memref<10112x128xf32, #tpu.memory_space<vmem_shared>>
        tpu.wait_indirect_dma semaphore(%run_scoped3A : memref<!tpu.dma_semaphore, #tpu.memory_space<semaphore_mem>>) src(%arg9 : memref<128x128xf32, #tpu.memory_space<vmem>>) dst(%dma_wait3A_127 : memref<10112x128xf32, #tpu.memory_space<vmem_shared>>)
        tpu.yield
      }) : () -> ()
      %lt3A_111 = arith.constant 19 : i32
      %lt3A_112 = arith.cmpi slt, %scan3A_91, %lt3A_111 : i32
      %convert_element_type3A_113 = arith.extui %lt3A_112 : i1 to i32
      %cond3A_114 = arith.constant 0 : i32
      %cond3A_115 = arith.cmpi ne, %convert_element_type3A_113, %cond3A_114 : i32
      scf.if %cond3A_115 {
        %add3A_116 = arith.constant 3 : i32
        %add3A_117 = arith.addi %mul3A_93, %add3A_116 : i32
        %dma_start3A_118 = arith.constant 0 : i32
        %dma_start3A_119 = tpu.memref_slice %arg6[%add3A_117, %dma_start3A_118] : memref<40x128xi32, #tpu.memory_space<vmem>> -> memref<1x128xi32, #tpu.memory_space<vmem>>
        %dma_start3A_120 = tpu.memref_squeeze %dma_start3A_119 : memref<1x128xi32, #tpu.memory_space<vmem>> -> memref<128xi32, #tpu.memory_space<vmem>>
        %dma_start3A_121 = arith.constant 0 : i32
        %dma_start3A_122 = arith.constant 0 : i32
        %dma_start3A_123 = tpu.memref_slice %arg2[%dma_start3A_121, %dma_start3A_122] : memref<10000x128xf32, #tpu.memory_space<hbm>> -> memref<10000x128xf32, #tpu.memory_space<hbm>>
        tpu.enqueue_indirect_dma source(%dma_start3A_123 : memref<10000x128xf32, #tpu.memory_space<hbm>>) target(%arg9 : memref<128x128xf32, #tpu.memory_space<vmem>>) offsets(%dma_start3A_120 : memref<128xi32, #tpu.memory_space<vmem>>) semaphore(%arg13 : memref<!tpu.dma_semaphore, #tpu.memory_space<semaphore_mem>>)
      } else {
      }
    }
    %scan3A_63 = arith.constant 20 : i32
    %add3A_64 = arith.constant 40 : i32
    %add3A_65 = arith.addi %mul3A_4, %add3A_64 : i32
    "tpu.region"() ({
      %run_scoped3A = tpu.sem_alloc : memref<!tpu.dma_semaphore, #tpu.memory_space<semaphore_mem>>
      %dma_start3A_91 = arith.constant 0 : i32
      %dma_start3A_92 = tpu.memref_slice %arg3[%add3A_65, %dma_start3A_91] : memref<2560x128xi32, #tpu.memory_space<hbm>> -> memref<40x128xi32, #tpu.memory_space<hbm>>
      %dma_start3A_93 = arith.constant 0 : i32
      %dma_start3A_94 = tpu.memref_slice %arg3[%add3A_65, %dma_start3A_93] : memref<2560x128xi32, #tpu.memory_space<hbm>> -> memref<40x128xi32, #tpu.memory_space<hbm>>
      tpu.enqueue_dma source(%dma_start3A_94 : memref<40x128xi32, #tpu.memory_space<hbm>>) target(%arg6 : memref<40x128xi32, #tpu.memory_space<vmem>>) target_semaphore(%run_scoped3A : memref<!tpu.dma_semaphore, #tpu.memory_space<semaphore_mem>>)
      %dma_wait3A = arith.constant 0 : i32
      %dma_wait3A_95 = tpu.memref_slice %arg3[%add3A_65, %dma_wait3A] : memref<2560x128xi32, #tpu.memory_space<hbm>> -> memref<40x128xi32, #tpu.memory_space<hbm>>
      %dma_wait3A_96 = arith.constant 0 : i32
      %dma_wait3A_97 = tpu.memref_slice %arg3[%add3A_65, %dma_wait3A_96] : memref<2560x128xi32, #tpu.memory_space<hbm>> -> memref<40x128xi32, #tpu.memory_space<hbm>>
      tpu.wait_dma2 semaphore(%run_scoped3A : memref<!tpu.dma_semaphore, #tpu.memory_space<semaphore_mem>>) src(%dma_wait3A_97 : memref<40x128xi32, #tpu.memory_space<hbm>>) dst(%arg6 : memref<40x128xi32, #tpu.memory_space<vmem>>)
      tpu.yield
    }) : () -> ()
    %add3A_66 = arith.constant 40 : i32
    %add3A_67 = arith.addi %mul3A_4, %add3A_66 : i32
    "tpu.region"() ({
      %run_scoped3A = tpu.sem_alloc : memref<!tpu.dma_semaphore, #tpu.memory_space<semaphore_mem>>
      %dma_start3A_91 = arith.constant 0 : i32
      %dma_start3A_92 = tpu.memref_slice %arg4[%add3A_67, %dma_start3A_91] : memref<2560x128xi32, #tpu.memory_space<hbm>> -> memref<40x128xi32, #tpu.memory_space<hbm>>
      %dma_start3A_93 = arith.constant 0 : i32
      %dma_start3A_94 = tpu.memref_slice %arg4[%add3A_67, %dma_start3A_93] : memref<2560x128xi32, #tpu.memory_space<hbm>> -> memref<40x128xi32, #tpu.memory_space<hbm>>
      tpu.enqueue_dma source(%dma_start3A_94 : memref<40x128xi32, #tpu.memory_space<hbm>>) target(%arg7 : memref<40x128xi32, #tpu.memory_space<vmem>>) target_semaphore(%run_scoped3A : memref<!tpu.dma_semaphore, #tpu.memory_space<semaphore_mem>>)
      %dma_wait3A = arith.constant 0 : i32
      %dma_wait3A_95 = tpu.memref_slice %arg4[%add3A_67, %dma_wait3A] : memref<2560x128xi32, #tpu.memory_space<hbm>> -> memref<40x128xi32, #tpu.memory_space<hbm>>
      %dma_wait3A_96 = arith.constant 0 : i32
      %dma_wait3A_97 = tpu.memref_slice %arg4[%add3A_67, %dma_wait3A_96] : memref<2560x128xi32, #tpu.memory_space<hbm>> -> memref<40x128xi32, #tpu.memory_space<hbm>>
      tpu.wait_dma2 semaphore(%run_scoped3A : memref<!tpu.dma_semaphore, #tpu.memory_space<semaphore_mem>>) src(%dma_wait3A_97 : memref<40x128xi32, #tpu.memory_space<hbm>>) dst(%arg7 : memref<40x128xi32, #tpu.memory_space<vmem>>)
      tpu.yield
    }) : () -> ()
    %dma_start3A_68 = arith.constant 0 : i32
    %dma_start3A_69 = arith.constant 0 : i32
    %dma_start3A_70 = tpu.memref_slice %arg6[%dma_start3A_68, %dma_start3A_69] : memref<40x128xi32, #tpu.memory_space<vmem>> -> memref<1x128xi32, #tpu.memory_space<vmem>>
    %dma_start3A_71 = tpu.memref_squeeze %dma_start3A_70 : memref<1x128xi32, #tpu.memory_space<vmem>> -> memref<128xi32, #tpu.memory_space<vmem>>
    %dma_start3A_72 = arith.constant 0 : i32
    %dma_start3A_73 = arith.constant 0 : i32
    %dma_start3A_74 = tpu.memref_slice %arg2[%dma_start3A_72, %dma_start3A_73] : memref<10000x128xf32, #tpu.memory_space<hbm>> -> memref<10000x128xf32, #tpu.memory_space<hbm>>
    tpu.enqueue_indirect_dma source(%dma_start3A_74 : memref<10000x128xf32, #tpu.memory_space<hbm>>) target(%arg8 : memref<128x128xf32, #tpu.memory_space<vmem>>) offsets(%dma_start3A_71 : memref<128xi32, #tpu.memory_space<vmem>>) semaphore(%arg12 : memref<!tpu.dma_semaphore, #tpu.memory_space<semaphore_mem>>)
    %dma_start3A_75 = arith.constant 1 : i32
    %dma_start3A_76 = arith.constant 0 : i32
    %dma_start3A_77 = tpu.memref_slice %arg6[%dma_start3A_75, %dma_start3A_76] : memref<40x128xi32, #tpu.memory_space<vmem>> -> memref<1x128xi32, #tpu.memory_space<vmem>>
    %dma_start3A_78 = tpu.memref_squeeze %dma_start3A_77 : memref<1x128xi32, #tpu.memory_space<vmem>> -> memref<128xi32, #tpu.memory_space<vmem>>
    %dma_start3A_79 = arith.constant 0 : i32
    %dma_start3A_80 = arith.constant 0 : i32
    %dma_start3A_81 = tpu.memref_slice %arg2[%dma_start3A_79, %dma_start3A_80] : memref<10000x128xf32, #tpu.memory_space<hbm>> -> memref<10000x128xf32, #tpu.memory_space<hbm>>
    tpu.enqueue_indirect_dma source(%dma_start3A_81 : memref<10000x128xf32, #tpu.memory_space<hbm>>) target(%arg9 : memref<128x128xf32, #tpu.memory_space<vmem>>) offsets(%dma_start3A_78 : memref<128xi32, #tpu.memory_space<vmem>>) semaphore(%arg13 : memref<!tpu.dma_semaphore, #tpu.memory_space<semaphore_mem>>)
    %scan3A_82 = arith.constant 0 : i32
    %scan3A_83 = arith.constant 20 : i32
    %scan3A_84 = arith.addi %scan3A_82, %scan3A_83 : i32
    %scan3A_85 = arith.constant 1 : i32
    scf.for %scan3A_91 = %scan3A_82 to %scan3A_84 step %scan3A_85  : i32 {
      %mul3A_92 = arith.constant 2 : i32
      %mul3A_93 = arith.muli %mul3A_92, %scan3A_91 : i32
      %dma_wait3A = arith.constant 0 : i32
      %dma_wait3A_94 = tpu.memref_slice %arg6[%mul3A_93, %dma_wait3A] : memref<40x128xi32, #tpu.memory_space<vmem>> -> memref<1x128xi32, #tpu.memory_space<vmem>>
      %dma_wait3A_95 = tpu.memref_squeeze %dma_wait3A_94 : memref<1x128xi32, #tpu.memory_space<vmem>> -> memref<128xi32, #tpu.memory_space<vmem>>
      %dma_wait3A_96 = arith.constant 0 : i32
      %dma_wait3A_97 = arith.constant 0 : i32
      %dma_wait3A_98 = tpu.memref_slice %arg2[%dma_wait3A_96, %dma_wait3A_97] : memref<10000x128xf32, #tpu.memory_space<hbm>> -> memref<10000x128xf32, #tpu.memory_space<hbm>>
      tpu.wait_indirect_dma semaphore(%arg12 : memref<!tpu.dma_semaphore, #tpu.memory_space<semaphore_mem>>) src(%dma_wait3A_98 : memref<10000x128xf32, #tpu.memory_space<hbm>>) dst(%arg8 : memref<128x128xf32, #tpu.memory_space<vmem>>)
      "tpu.region"() ({
        %run_scoped3A = tpu.sem_alloc : memref<!tpu.dma_semaphore, #tpu.memory_space<semaphore_mem>>
        %dma_start3A_116 = arith.constant 0 : i32
        %dma_start3A_117 = tpu.memref_slice %arg7[%mul3A_93, %dma_start3A_116] : memref<40x128xi32, #tpu.memory_space<vmem>> -> memref<1x128xi32, #tpu.memory_space<vmem>>
        %dma_start3A_118 = tpu.memref_squeeze %dma_start3A_117 : memref<1x128xi32, #tpu.memory_space<vmem>> -> memref<128xi32, #tpu.memory_space<vmem>>
        %dma_start3A_119 = arith.constant 0 : i32
        %dma_start3A_120 = arith.constant 0 : i32
        %dma_start3A_121 = tpu.memref_slice %arg11[%dma_start3A_119, %dma_start3A_120] : memref<10112x128xf32, #tpu.memory_space<vmem_shared>> -> memref<10112x128xf32, #tpu.memory_space<vmem_shared>>
        tpu.enqueue_indirect_dma source(%arg8 : memref<128x128xf32, #tpu.memory_space<vmem>>) target(%dma_start3A_121 : memref<10112x128xf32, #tpu.memory_space<vmem_shared>>) offsets(%dma_start3A_118 : memref<128xi32, #tpu.memory_space<vmem>>) semaphore(%run_scoped3A : memref<!tpu.dma_semaphore, #tpu.memory_space<semaphore_mem>>) {add = true}
        %dma_wait3A_122 = arith.constant 0 : i32
        %dma_wait3A_123 = tpu.memref_slice %arg7[%mul3A_93, %dma_wait3A_122] : memref<40x128xi32, #tpu.memory_space<vmem>> -> memref<1x128xi32, #tpu.memory_space<vmem>>
        %dma_wait3A_124 = tpu.memref_squeeze %dma_wait3A_123 : memref<1x128xi32, #tpu.memory_space<vmem>> -> memref<128xi32, #tpu.memory_space<vmem>>
        %dma_wait3A_125 = arith.constant 0 : i32
        %dma_wait3A_126 = arith.constant 0 : i32
        %dma_wait3A_127 = tpu.memref_slice %arg11[%dma_wait3A_125, %dma_wait3A_126] : memref<10112x128xf32, #tpu.memory_space<vmem_shared>> -> memref<10112x128xf32, #tpu.memory_space<vmem_shared>>
        tpu.wait_indirect_dma semaphore(%run_scoped3A : memref<!tpu.dma_semaphore, #tpu.memory_space<semaphore_mem>>) src(%arg8 : memref<128x128xf32, #tpu.memory_space<vmem>>) dst(%dma_wait3A_127 : memref<10112x128xf32, #tpu.memory_space<vmem_shared>>)
        tpu.yield
      }) : () -> ()
      %lt3A = arith.constant 19 : i32
      %lt3A_99 = arith.cmpi slt, %scan3A_91, %lt3A : i32
      %convert_element_type3A = arith.extui %lt3A_99 : i1 to i32
      %cond3A = arith.constant 0 : i32
      %cond3A_100 = arith.cmpi ne, %convert_element_type3A, %cond3A : i32
      scf.if %cond3A_100 {
        %add3A_116 = arith.constant 2 : i32
        %add3A_117 = arith.addi %mul3A_93, %add3A_116 : i32
        %dma_start3A_118 = arith.constant 0 : i32
        %dma_start3A_119 = tpu.memref_slice %arg6[%add3A_117, %dma_start3A_118] : memref<40x128xi32, #tpu.memory_space<vmem>> -> memref<1x128xi32, #tpu.memory_space<vmem>>
        %dma_start3A_120 = tpu.memref_squeeze %dma_start3A_119 : memref<1x128xi32, #tpu.memory_space<vmem>> -> memref<128xi32, #tpu.memory_space<vmem>>
        %dma_start3A_121 = arith.constant 0 : i32
        %dma_start3A_122 = arith.constant 0 : i32
        %dma_start3A_123 = tpu.memref_slice %arg2[%dma_start3A_121, %dma_start3A_122] : memref<10000x128xf32, #tpu.memory_space<hbm>> -> memref<10000x128xf32, #tpu.memory_space<hbm>>
        tpu.enqueue_indirect_dma source(%dma_start3A_123 : memref<10000x128xf32, #tpu.memory_space<hbm>>) target(%arg8 : memref<128x128xf32, #tpu.memory_space<vmem>>) offsets(%dma_start3A_120 : memref<128xi32, #tpu.memory_space<vmem>>) semaphore(%arg12 : memref<!tpu.dma_semaphore, #tpu.memory_space<semaphore_mem>>)
      } else {
      }
      %add3A_101 = arith.constant 1 : i32
      %add3A_102 = arith.addi %mul3A_93, %add3A_101 : i32
      %dma_wait3A_103 = arith.constant 0 : i32
      %dma_wait3A_104 = tpu.memref_slice %arg6[%add3A_102, %dma_wait3A_103] : memref<40x128xi32, #tpu.memory_space<vmem>> -> memref<1x128xi32, #tpu.memory_space<vmem>>
      %dma_wait3A_105 = tpu.memref_squeeze %dma_wait3A_104 : memref<1x128xi32, #tpu.memory_space<vmem>> -> memref<128xi32, #tpu.memory_space<vmem>>
      %dma_wait3A_106 = arith.constant 0 : i32
      %dma_wait3A_107 = arith.constant 0 : i32
      %dma_wait3A_108 = tpu.memref_slice %arg2[%dma_wait3A_106, %dma_wait3A_107] : memref<10000x128xf32, #tpu.memory_space<hbm>> -> memref<10000x128xf32, #tpu.memory_space<hbm>>
      tpu.wait_indirect_dma semaphore(%arg13 : memref<!tpu.dma_semaphore, #tpu.memory_space<semaphore_mem>>) src(%dma_wait3A_108 : memref<10000x128xf32, #tpu.memory_space<hbm>>) dst(%arg9 : memref<128x128xf32, #tpu.memory_space<vmem>>)
      %add3A_109 = arith.constant 1 : i32
      %add3A_110 = arith.addi %mul3A_93, %add3A_109 : i32
      "tpu.region"() ({
        %run_scoped3A = tpu.sem_alloc : memref<!tpu.dma_semaphore, #tpu.memory_space<semaphore_mem>>
        %dma_start3A_116 = arith.constant 0 : i32
        %dma_start3A_117 = tpu.memref_slice %arg7[%add3A_110, %dma_start3A_116] : memref<40x128xi32, #tpu.memory_space<vmem>> -> memref<1x128xi32, #tpu.memory_space<vmem>>
        %dma_start3A_118 = tpu.memref_squeeze %dma_start3A_117 : memref<1x128xi32, #tpu.memory_space<vmem>> -> memref<128xi32, #tpu.memory_space<vmem>>
        %dma_start3A_119 = arith.constant 0 : i32
        %dma_start3A_120 = arith.constant 0 : i32
        %dma_start3A_121 = tpu.memref_slice %arg11[%dma_start3A_119, %dma_start3A_120] : memref<10112x128xf32, #tpu.memory_space<vmem_shared>> -> memref<10112x128xf32, #tpu.memory_space<vmem_shared>>
        tpu.enqueue_indirect_dma source(%arg9 : memref<128x128xf32, #tpu.memory_space<vmem>>) target(%dma_start3A_121 : memref<10112x128xf32, #tpu.memory_space<vmem_shared>>) offsets(%dma_start3A_118 : memref<128xi32, #tpu.memory_space<vmem>>) semaphore(%run_scoped3A : memref<!tpu.dma_semaphore, #tpu.memory_space<semaphore_mem>>) {add = true}
        %dma_wait3A_122 = arith.constant 0 : i32
        %dma_wait3A_123 = tpu.memref_slice %arg7[%add3A_110, %dma_wait3A_122] : memref<40x128xi32, #tpu.memory_space<vmem>> -> memref<1x128xi32, #tpu.memory_space<vmem>>
        %dma_wait3A_124 = tpu.memref_squeeze %dma_wait3A_123 : memref<1x128xi32, #tpu.memory_space<vmem>> -> memref<128xi32, #tpu.memory_space<vmem>>
        %dma_wait3A_125 = arith.constant 0 : i32
        %dma_wait3A_126 = arith.constant 0 : i32
        %dma_wait3A_127 = tpu.memref_slice %arg11[%dma_wait3A_125, %dma_wait3A_126] : memref<10112x128xf32, #tpu.memory_space<vmem_shared>> -> memref<10112x128xf32, #tpu.memory_space<vmem_shared>>
        tpu.wait_indirect_dma semaphore(%run_scoped3A : memref<!tpu.dma_semaphore, #tpu.memory_space<semaphore_mem>>) src(%arg9 : memref<128x128xf32, #tpu.memory_space<vmem>>) dst(%dma_wait3A_127 : memref<10112x128xf32, #tpu.memory_space<vmem_shared>>)
        tpu.yield
      }) : () -> ()
      %lt3A_111 = arith.constant 19 : i32
      %lt3A_112 = arith.cmpi slt, %scan3A_91, %lt3A_111 : i32
      %convert_element_type3A_113 = arith.extui %lt3A_112 : i1 to i32
      %cond3A_114 = arith.constant 0 : i32
      %cond3A_115 = arith.cmpi ne, %convert_element_type3A_113, %cond3A_114 : i32
      scf.if %cond3A_115 {
        %add3A_116 = arith.constant 3 : i32
        %add3A_117 = arith.addi %mul3A_93, %add3A_116 : i32
        %dma_start3A_118 = arith.constant 0 : i32
        %dma_start3A_119 = tpu.memref_slice %arg6[%add3A_117, %dma_start3A_118] : memref<40x128xi32, #tpu.memory_space<vmem>> -> memref<1x128xi32, #tpu.memory_space<vmem>>
        %dma_start3A_120 = tpu.memref_squeeze %dma_start3A_119 : memref<1x128xi32, #tpu.memory_space<vmem>> -> memref<128xi32, #tpu.memory_space<vmem>>
        %dma_start3A_121 = arith.constant 0 : i32
        %dma_start3A_122 = arith.constant 0 : i32
        %dma_start3A_123 = tpu.memref_slice %arg2[%dma_start3A_121, %dma_start3A_122] : memref<10000x128xf32, #tpu.memory_space<hbm>> -> memref<10000x128xf32, #tpu.memory_space<hbm>>
        tpu.enqueue_indirect_dma source(%dma_start3A_123 : memref<10000x128xf32, #tpu.memory_space<hbm>>) target(%arg9 : memref<128x128xf32, #tpu.memory_space<vmem>>) offsets(%dma_start3A_120 : memref<128xi32, #tpu.memory_space<vmem>>) semaphore(%arg13 : memref<!tpu.dma_semaphore, #tpu.memory_space<semaphore_mem>>)
      } else {
      }
    }
    %scan3A_86 = arith.constant 20 : i32
    %barrier3A_87 = arith.constant 0 : index
    tpu.barrier barrier_id(%barrier3A_87)
    %mul3A_88 = arith.constant 10112 : i32
    %mul3A_89 = arith.muli %arg0, %mul3A_88 : i32
    %add3A_90 = arith.addi %mul3A_89, %mul3A_2 : i32
    "tpu.region"() ({
      %run_scoped3A = tpu.sem_alloc : memref<!tpu.dma_semaphore, #tpu.memory_space<semaphore_mem>>
      %dma_start3A_91 = arith.constant 0 : i32
      %dma_start3A_92 = tpu.memref_slice %arg5[%add3A_90, %dma_start3A_91] : memref<20224x128xf32, #tpu.memory_space<hbm>> -> memref<632x128xf32, #tpu.memory_space<hbm>>
      %dma_start3A_93 = arith.constant 0 : i32
      %dma_start3A_94 = tpu.memref_slice %arg11[%mul3A_2, %dma_start3A_93] : memref<10112x128xf32, #tpu.memory_space<vmem_shared>> -> memref<632x128xf32, #tpu.memory_space<vmem_shared>>
      tpu.enqueue_dma source(%dma_start3A_94 : memref<632x128xf32, #tpu.memory_space<vmem_shared>>) target(%dma_start3A_92 : memref<632x128xf32, #tpu.memory_space<hbm>>) target_semaphore(%run_scoped3A : memref<!tpu.dma_semaphore, #tpu.memory_space<semaphore_mem>>)
      %dma_wait3A = arith.constant 0 : i32
      %dma_wait3A_95 = tpu.memref_slice %arg5[%add3A_90, %dma_wait3A] : memref<20224x128xf32, #tpu.memory_space<hbm>> -> memref<632x128xf32, #tpu.memory_space<hbm>>
      %dma_wait3A_96 = arith.constant 0 : i32
      %dma_wait3A_97 = tpu.memref_slice %arg11[%mul3A_2, %dma_wait3A_96] : memref<10112x128xf32, #tpu.memory_space<vmem_shared>> -> memref<632x128xf32, #tpu.memory_space<vmem_shared>>
      tpu.wait_dma2 semaphore(%run_scoped3A : memref<!tpu.dma_semaphore, #tpu.memory_space<semaphore_mem>>) src(%dma_wait3A_97 : memref<632x128xf32, #tpu.memory_space<vmem_shared>>) dst(%dma_wait3A_95 : memref<632x128xf32, #tpu.memory_space<hbm>>)
      tpu.yield
    }) : () -> ()
    return
  }
}

#map = affine_map<(d0, d1) -> (0, 0)>
module attributes {stable_mosaic.version = 14 : i64} {
  func.func @_sc_agg(%arg0: i32, %arg1: i32, %arg2: memref<10000x128xf32, #tpu.memory_space<hbm>>, %arg3: memref<2560x128xi32, #tpu.memory_space<hbm>>, %arg4: memref<2560x128xi32, #tpu.memory_space<hbm>>, %arg5: memref<20224x128xf32, #tpu.memory_space<hbm>>, %arg6: memref<40x128xi32, #tpu.memory_space<vmem>>, %arg7: memref<40x128xi32, #tpu.memory_space<vmem>>, %arg8: memref<128x128xf32, #tpu.memory_space<vmem>>, %arg9: memref<128x128xf32, #tpu.memory_space<vmem>>, %arg10: memref<40x128xf32, #tpu.memory_space<vmem>>, %arg11: memref<10112x128xf32, #tpu.memory_space<vmem_shared>>, %arg12: memref<!tpu.dma_semaphore, #tpu.memory_space<semaphore_mem>>, %arg13: memref<!tpu.dma_semaphore, #tpu.memory_space<semaphore_mem>>) attributes {dimension_semantics = [#tpu.dimension_semantics<core_parallel>, #tpu.dimension_semantics<subcore_parallel>], iteration_bounds = array<i64: 2, 16>, scalar_prefetch = 0 : i64, scratch_operands = 8 : i64, tpu.core_type = #tpu.core_type<sc_vector_subcore>, window_params = [{transform_indices = #map}, {transform_indices = #map}, {transform_indices = #map}, {transform_indices = #map}]} {
    %mul3A = arith.constant 16 : i32
    %mul3A_0 = arith.muli %arg0, %mul3A : i32
    %add3A = arith.addi %mul3A_0, %arg1 : i32
    %mul3A_1 = arith.constant 632 : i32
    %mul3A_2 = arith.muli %arg1, %mul3A_1 : i32
    %mul3A_3 = arith.constant 80 : i32
    %mul3A_4 = arith.muli %add3A, %mul3A_3 : i32
    %add3A_5 = arith.constant 0 : i32
    %add3A_6 = arith.addi %mul3A_4, %add3A_5 : i32
    "tpu.region"() ({
      %run_scoped3A = tpu.sem_alloc : memref<!tpu.dma_semaphore, #tpu.memory_space<semaphore_mem>>
      %dma_start3A_91 = arith.constant 0 : i32
      %dma_start3A_92 = tpu.memref_slice %arg3[%add3A_6, %dma_start3A_91] : memref<2560x128xi32, #tpu.memory_space<hbm>> -> memref<40x128xi32, #tpu.memory_space<hbm>>
      %dma_start3A_93 = arith.constant 0 : i32
      %dma_start3A_94 = tpu.memref_slice %arg3[%add3A_6, %dma_start3A_93] : memref<2560x128xi32, #tpu.memory_space<hbm>> -> memref<40x128xi32, #tpu.memory_space<hbm>>
      tpu.enqueue_dma source(%dma_start3A_94 : memref<40x128xi32, #tpu.memory_space<hbm>>) target(%arg6 : memref<40x128xi32, #tpu.memory_space<vmem>>) target_semaphore(%run_scoped3A : memref<!tpu.dma_semaphore, #tpu.memory_space<semaphore_mem>>)
      %dma_wait3A = arith.constant 0 : i32
      %dma_wait3A_95 = tpu.memref_slice %arg3[%add3A_6, %dma_wait3A] : memref<2560x128xi32, #tpu.memory_space<hbm>> -> memref<40x128xi32, #tpu.memory_space<hbm>>
      %dma_wait3A_96 = arith.constant 0 : i32
      %dma_wait3A_97 = tpu.memref_slice %arg3[%add3A_6, %dma_wait3A_96] : memref<2560x128xi32, #tpu.memory_space<hbm>> -> memref<40x128xi32, #tpu.memory_space<hbm>>
      tpu.wait_dma2 semaphore(%run_scoped3A : memref<!tpu.dma_semaphore, #tpu.memory_space<semaphore_mem>>) src(%dma_wait3A_97 : memref<40x128xi32, #tpu.memory_space<hbm>>) dst(%arg6 : memref<40x128xi32, #tpu.memory_space<vmem>>)
      tpu.yield
    }) : () -> ()
    %add3A_7 = arith.constant 0 : i32
    %add3A_8 = arith.addi %mul3A_4, %add3A_7 : i32
    "tpu.region"() ({
      %run_scoped3A = tpu.sem_alloc : memref<!tpu.dma_semaphore, #tpu.memory_space<semaphore_mem>>
      %dma_start3A_91 = arith.constant 0 : i32
      %dma_start3A_92 = tpu.memref_slice %arg4[%add3A_8, %dma_start3A_91] : memref<2560x128xi32, #tpu.memory_space<hbm>> -> memref<40x128xi32, #tpu.memory_space<hbm>>
      %dma_start3A_93 = arith.constant 0 : i32
      %dma_start3A_94 = tpu.memref_slice %arg4[%add3A_8, %dma_start3A_93] : memref<2560x128xi32, #tpu.memory_space<hbm>> -> memref<40x128xi32, #tpu.memory_space<hbm>>
      tpu.enqueue_dma source(%dma_start3A_94 : memref<40x128xi32, #tpu.memory_space<hbm>>) target(%arg7 : memref<40x128xi32, #tpu.memory_space<vmem>>) target_semaphore(%run_scoped3A : memref<!tpu.dma_semaphore, #tpu.memory_space<semaphore_mem>>)
      %dma_wait3A = arith.constant 0 : i32
      %dma_wait3A_95 = tpu.memref_slice %arg4[%add3A_8, %dma_wait3A] : memref<2560x128xi32, #tpu.memory_space<hbm>> -> memref<40x128xi32, #tpu.memory_space<hbm>>
      %dma_wait3A_96 = arith.constant 0 : i32
      %dma_wait3A_97 = tpu.memref_slice %arg4[%add3A_8, %dma_wait3A_96] : memref<2560x128xi32, #tpu.memory_space<hbm>> -> memref<40x128xi32, #tpu.memory_space<hbm>>
      tpu.wait_dma2 semaphore(%run_scoped3A : memref<!tpu.dma_semaphore, #tpu.memory_space<semaphore_mem>>) src(%dma_wait3A_97 : memref<40x128xi32, #tpu.memory_space<hbm>>) dst(%arg7 : memref<40x128xi32, #tpu.memory_space<vmem>>)
      tpu.yield
    }) : () -> ()
    %dma_start3A = arith.constant 0 : i32
    %dma_start3A_9 = arith.constant 0 : i32
    %dma_start3A_10 = tpu.memref_slice %arg6[%dma_start3A, %dma_start3A_9] : memref<40x128xi32, #tpu.memory_space<vmem>> -> memref<1x128xi32, #tpu.memory_space<vmem>>
    %dma_start3A_11 = tpu.memref_squeeze %dma_start3A_10 : memref<1x128xi32, #tpu.memory_space<vmem>> -> memref<128xi32, #tpu.memory_space<vmem>>
    %dma_start3A_12 = arith.constant 0 : i32
    %dma_start3A_13 = arith.constant 0 : i32
    %dma_start3A_14 = tpu.memref_slice %arg2[%dma_start3A_12, %dma_start3A_13] : memref<10000x128xf32, #tpu.memory_space<hbm>> -> memref<10000x128xf32, #tpu.memory_space<hbm>>
    tpu.enqueue_indirect_dma source(%dma_start3A_14 : memref<10000x128xf32, #tpu.memory_space<hbm>>) target(%arg8 : memref<128x128xf32, #tpu.memory_space<vmem>>) offsets(%dma_start3A_11 : memref<128xi32, #tpu.memory_space<vmem>>) semaphore(%arg12 : memref<!tpu.dma_semaphore, #tpu.memory_space<semaphore_mem>>)
    %dma_start3A_15 = arith.constant 1 : i32
    %dma_start3A_16 = arith.constant 0 : i32
    %dma_start3A_17 = tpu.memref_slice %arg6[%dma_start3A_15, %dma_start3A_16] : memref<40x128xi32, #tpu.memory_space<vmem>> -> memref<1x128xi32, #tpu.memory_space<vmem>>
    %dma_start3A_18 = tpu.memref_squeeze %dma_start3A_17 : memref<1x128xi32, #tpu.memory_space<vmem>> -> memref<128xi32, #tpu.memory_space<vmem>>
    %dma_start3A_19 = arith.constant 0 : i32
    %dma_start3A_20 = arith.constant 0 : i32
    %dma_start3A_21 = tpu.memref_slice %arg2[%dma_start3A_19, %dma_start3A_20] : memref<10000x128xf32, #tpu.memory_space<hbm>> -> memref<10000x128xf32, #tpu.memory_space<hbm>>
    tpu.enqueue_indirect_dma source(%dma_start3A_21 : memref<10000x128xf32, #tpu.memory_space<hbm>>) target(%arg9 : memref<128x128xf32, #tpu.memory_space<vmem>>) offsets(%dma_start3A_18 : memref<128xi32, #tpu.memory_space<vmem>>) semaphore(%arg13 : memref<!tpu.dma_semaphore, #tpu.memory_space<semaphore_mem>>)
    %scan3A = arith.constant 0 : i32
    %scan3A_22 = arith.constant 40 : i32
    %scan3A_23 = arith.addi %scan3A, %scan3A_22 : i32
    %scan3A_24 = arith.constant 1 : i32
    scf.for %scan3A_91 = %scan3A to %scan3A_23 step %scan3A_24  : i32 {
      %broadcast_in_dim3A = arith.constant 0.000000e+00 : f32
      %broadcast_in_dim3A_92 = vector.broadcast %broadcast_in_dim3A : f32 to vector<16xf32>
      %swap3A = arith.index_cast %scan3A_91 : i32 to index
      %swap3A_93 = arith.constant 0 : index
      %swap3A_94 = tpu.vector_load %arg10[%swap3A, %swap3A_93] {strides = array<i32>} : memref<40x128xf32, #tpu.memory_space<vmem>>, vector<1x16xf32>,
      %swap3A_95 = vector.shape_cast %swap3A_94 : vector<1x16xf32> to vector<16xf32>
      %swap3A_96 = vector.shape_cast %broadcast_in_dim3A_92 : vector<16xf32> to vector<1x16xf32>
      tpu.vector_store %arg10[%swap3A, %swap3A_93], %swap3A_96 {strides = array<i32>} : memref<40x128xf32, #tpu.memory_space<vmem>>, vector<1x16xf32>,
      %broadcast_in_dim3A_97 = arith.constant 0.000000e+00 : f32
      %broadcast_in_dim3A_98 = vector.broadcast %broadcast_in_dim3A_97 : f32 to vector<16xf32>
      %swap3A_99 = arith.index_cast %scan3A_91 : i32 to index
      %swap3A_100 = arith.constant 16 : index
      %swap3A_101 = tpu.vector_load %arg10[%swap3A_99, %swap3A_100] {strides = array<i32>} : memref<40x128xf32, #tpu.memory_space<vmem>>, vector<1x16xf32>,
      %swap3A_102 = vector.shape_cast %swap3A_101 : vector<1x16xf32> to vector<16xf32>
      %swap3A_103 = vector.shape_cast %broadcast_in_dim3A_98 : vector<16xf32> to vector<1x16xf32>
      tpu.vector_store %arg10[%swap3A_99, %swap3A_100], %swap3A_103 {strides = array<i32>} : memref<40x128xf32, #tpu.memory_space<vmem>>, vector<1x16xf32>,
      %broadcast_in_dim3A_104 = arith.constant 0.000000e+00 : f32
      %broadcast_in_dim3A_105 = vector.broadcast %broadcast_in_dim3A_104 : f32 to vector<16xf32>
      %swap3A_106 = arith.index_cast %scan3A_91 : i32 to index
      %swap3A_107 = arith.constant 32 : index
      %swap3A_108 = tpu.vector_load %arg10[%swap3A_106, %swap3A_107] {strides = array<i32>} : memref<40x128xf32, #tpu.memory_space<vmem>>, vector<1x16xf32>,
      %swap3A_109 = vector.shape_cast %swap3A_108 : vector<1x16xf32> to vector<16xf32>
      %swap3A_110 = vector.shape_cast %broadcast_in_dim3A_105 : vector<16xf32> to vector<1x16xf32>
      tpu.vector_store %arg10[%swap3A_106, %swap3A_107], %swap3A_110 {strides = array<i32>} : memref<40x128xf32, #tpu.memory_space<vmem>>, vector<1x16xf32>,
      %broadcast_in_dim3A_111 = arith.constant 0.000000e+00 : f32
      %broadcast_in_dim3A_112 = vector.broadcast %broadcast_in_dim3A_111 : f32 to vector<16xf32>
      %swap3A_113 = arith.index_cast %scan3A_91 : i32 to index
      %swap3A_114 = arith.constant 48 : index
      %swap3A_115 = tpu.vector_load %arg10[%swap3A_113, %swap3A_114] {strides = array<i32>} : memref<40x128xf32, #tpu.memory_space<vmem>>, vector<1x16xf32>,
      %swap3A_116 = vector.shape_cast %swap3A_115 : vector<1x16xf32> to vector<16xf32>
      %swap3A_117 = vector.shape_cast %broadcast_in_dim3A_112 : vector<16xf32> to vector<1x16xf32>
      tpu.vector_store %arg10[%swap3A_113, %swap3A_114], %swap3A_117 {strides = array<i32>} : memref<40x128xf32, #tpu.memory_space<vmem>>, vector<1x16xf32>,
      %broadcast_in_dim3A_118 = arith.constant 0.000000e+00 : f32
      %broadcast_in_dim3A_119 = vector.broadcast %broadcast_in_dim3A_118 : f32 to vector<16xf32>
      %swap3A_120 = arith.index_cast %scan3A_91 : i32 to index
      %swap3A_121 = arith.constant 64 : index
      %swap3A_122 = tpu.vector_load %arg10[%swap3A_120, %swap3A_121] {strides = array<i32>} : memref<40x128xf32, #tpu.memory_space<vmem>>, vector<1x16xf32>,
      %swap3A_123 = vector.shape_cast %swap3A_122 : vector<1x16xf32> to vector<16xf32>
      %swap3A_124 = vector.shape_cast %broadcast_in_dim3A_119 : vector<16xf32> to vector<1x16xf32>
      tpu.vector_store %arg10[%swap3A_120, %swap3A_121], %swap3A_124 {strides = array<i32>} : memref<40x128xf32, #tpu.memory_space<vmem>>, vector<1x16xf32>,
      %broadcast_in_dim3A_125 = arith.constant 0.000000e+00 : f32
      %broadcast_in_dim3A_126 = vector.broadcast %broadcast_in_dim3A_125 : f32 to vector<16xf32>
      %swap3A_127 = arith.index_cast %scan3A_91 : i32 to index
      %swap3A_128 = arith.constant 80 : index
      %swap3A_129 = tpu.vector_load %arg10[%swap3A_127, %swap3A_128] {strides = array<i32>} : memref<40x128xf32, #tpu.memory_space<vmem>>, vector<1x16xf32>,
      %swap3A_130 = vector.shape_cast %swap3A_129 : vector<1x16xf32> to vector<16xf32>
      %swap3A_131 = vector.shape_cast %broadcast_in_dim3A_126 : vector<16xf32> to vector<1x16xf32>
      tpu.vector_store %arg10[%swap3A_127, %swap3A_128], %swap3A_131 {strides = array<i32>} : memref<40x128xf32, #tpu.memory_space<vmem>>, vector<1x16xf32>,
      %broadcast_in_dim3A_132 = arith.constant 0.000000e+00 : f32
      %broadcast_in_dim3A_133 = vector.broadcast %broadcast_in_dim3A_132 : f32 to vector<16xf32>
      %swap3A_134 = arith.index_cast %scan3A_91 : i32 to index
      %swap3A_135 = arith.constant 96 : index
      %swap3A_136 = tpu.vector_load %arg10[%swap3A_134, %swap3A_135] {strides = array<i32>} : memref<40x128xf32, #tpu.memory_space<vmem>>, vector<1x16xf32>,
      %swap3A_137 = vector.shape_cast %swap3A_136 : vector<1x16xf32> to vector<16xf32>
      %swap3A_138 = vector.shape_cast %broadcast_in_dim3A_133 : vector<16xf32> to vector<1x16xf32>
      tpu.vector_store %arg10[%swap3A_134, %swap3A_135], %swap3A_138 {strides = array<i32>} : memref<40x128xf32, #tpu.memory_space<vmem>>, vector<1x16xf32>,
      %broadcast_in_dim3A_139 = arith.constant 0.000000e+00 : f32
      %broadcast_in_dim3A_140 = vector.broadcast %broadcast_in_dim3A_139 : f32 to vector<16xf32>
      %swap3A_141 = arith.index_cast %scan3A_91 : i32 to index
      %swap3A_142 = arith.constant 112 : index
      %swap3A_143 = tpu.vector_load %arg10[%swap3A_141, %swap3A_142] {strides = array<i32>} : memref<40x128xf32, #tpu.memory_space<vmem>>, vector<1x16xf32>,
      %swap3A_144 = vector.shape_cast %swap3A_143 : vector<1x16xf32> to vector<16xf32>
      %swap3A_145 = vector.shape_cast %broadcast_in_dim3A_140 : vector<16xf32> to vector<1x16xf32>
      tpu.vector_store %arg10[%swap3A_141, %swap3A_142], %swap3A_145 {strides = array<i32>} : memref<40x128xf32, #tpu.memory_space<vmem>>, vector<1x16xf32>,
    }
    %scan3A_25 = arith.constant 40 : i32
    %add3A_26 = arith.constant 0 : i32
    %add3A_27 = arith.addi %mul3A_2, %add3A_26 : i32
    "tpu.region"() ({
      %run_scoped3A = tpu.sem_alloc : memref<!tpu.dma_semaphore, #tpu.memory_space<semaphore_mem>>
      %dma_start3A_91 = arith.constant 0 : i32
      %dma_start3A_92 = tpu.memref_slice %arg11[%add3A_27, %dma_start3A_91] : memref<10112x128xf32, #tpu.memory_space<vmem_shared>> -> memref<40x128xf32, #tpu.memory_space<vmem_shared>>
      %dma_start3A_93 = arith.constant 0 : i32
      %dma_start3A_94 = tpu.memref_slice %arg11[%add3A_27, %dma_start3A_93] : memref<10112x128xf32, #tpu.memory_space<vmem_shared>> -> memref<40x128xf32, #tpu.memory_space<vmem_shared>>
      tpu.enqueue_dma source(%arg10 : memref<40x128xf32, #tpu.memory_space<vmem>>) target(%dma_start3A_94 : memref<40x128xf32, #tpu.memory_space<vmem_shared>>) target_semaphore(%run_scoped3A : memref<!tpu.dma_semaphore, #tpu.memory_space<semaphore_mem>>)
      %dma_wait3A = arith.constant 0 : i32
      %dma_wait3A_95 = tpu.memref_slice %arg11[%add3A_27, %dma_wait3A] : memref<10112x128xf32, #tpu.memory_space<vmem_shared>> -> memref<40x128xf32, #tpu.memory_space<vmem_shared>>
      %dma_wait3A_96 = arith.constant 0 : i32
      %dma_wait3A_97 = tpu.memref_slice %arg11[%add3A_27, %dma_wait3A_96] : memref<10112x128xf32, #tpu.memory_space<vmem_shared>> -> memref<40x128xf32, #tpu.memory_space<vmem_shared>>
      tpu.wait_dma2 semaphore(%run_scoped3A : memref<!tpu.dma_semaphore, #tpu.memory_space<semaphore_mem>>) src(%arg10 : memref<40x128xf32, #tpu.memory_space<vmem>>) dst(%dma_wait3A_97 : memref<40x128xf32, #tpu.memory_space<vmem_shared>>)
      tpu.yield
    }) : () -> ()
    %add3A_28 = arith.constant 40 : i32
    %add3A_29 = arith.addi %mul3A_2, %add3A_28 : i32
    "tpu.region"() ({
      %run_scoped3A = tpu.sem_alloc : memref<!tpu.dma_semaphore, #tpu.memory_space<semaphore_mem>>
      %dma_start3A_91 = arith.constant 0 : i32
      %dma_start3A_92 = tpu.memref_slice %arg11[%add3A_29, %dma_start3A_91] : memref<10112x128xf32, #tpu.memory_space<vmem_shared>> -> memref<40x128xf32, #tpu.memory_space<vmem_shared>>
      %dma_start3A_93 = arith.constant 0 : i32
      %dma_start3A_94 = tpu.memref_slice %arg11[%add3A_29, %dma_start3A_93] : memref<10112x128xf32, #tpu.memory_space<vmem_shared>> -> memref<40x128xf32, #tpu.memory_space<vmem_shared>>
      tpu.enqueue_dma source(%arg10 : memref<40x128xf32, #tpu.memory_space<vmem>>) target(%dma_start3A_94 : memref<40x128xf32, #tpu.memory_space<vmem_shared>>) target_semaphore(%run_scoped3A : memref<!tpu.dma_semaphore, #tpu.memory_space<semaphore_mem>>)
      %dma_wait3A = arith.constant 0 : i32
      %dma_wait3A_95 = tpu.memref_slice %arg11[%add3A_29, %dma_wait3A] : memref<10112x128xf32, #tpu.memory_space<vmem_shared>> -> memref<40x128xf32, #tpu.memory_space<vmem_shared>>
      %dma_wait3A_96 = arith.constant 0 : i32
      %dma_wait3A_97 = tpu.memref_slice %arg11[%add3A_29, %dma_wait3A_96] : memref<10112x128xf32, #tpu.memory_space<vmem_shared>> -> memref<40x128xf32, #tpu.memory_space<vmem_shared>>
      tpu.wait_dma2 semaphore(%run_scoped3A : memref<!tpu.dma_semaphore, #tpu.memory_space<semaphore_mem>>) src(%arg10 : memref<40x128xf32, #tpu.memory_space<vmem>>) dst(%dma_wait3A_97 : memref<40x128xf32, #tpu.memory_space<vmem_shared>>)
      tpu.yield
    }) : () -> ()
    %add3A_30 = arith.constant 80 : i32
    %add3A_31 = arith.addi %mul3A_2, %add3A_30 : i32
    "tpu.region"() ({
      %run_scoped3A = tpu.sem_alloc : memref<!tpu.dma_semaphore, #tpu.memory_space<semaphore_mem>>
      %dma_start3A_91 = arith.constant 0 : i32
      %dma_start3A_92 = tpu.memref_slice %arg11[%add3A_31, %dma_start3A_91] : memref<10112x128xf32, #tpu.memory_space<vmem_shared>> -> memref<40x128xf32, #tpu.memory_space<vmem_shared>>
      %dma_start3A_93 = arith.constant 0 : i32
      %dma_start3A_94 = tpu.memref_slice %arg11[%add3A_31, %dma_start3A_93] : memref<10112x128xf32, #tpu.memory_space<vmem_shared>> -> memref<40x128xf32, #tpu.memory_space<vmem_shared>>
      tpu.enqueue_dma source(%arg10 : memref<40x128xf32, #tpu.memory_space<vmem>>) target(%dma_start3A_94 : memref<40x128xf32, #tpu.memory_space<vmem_shared>>) target_semaphore(%run_scoped3A : memref<!tpu.dma_semaphore, #tpu.memory_space<semaphore_mem>>)
      %dma_wait3A = arith.constant 0 : i32
      %dma_wait3A_95 = tpu.memref_slice %arg11[%add3A_31, %dma_wait3A] : memref<10112x128xf32, #tpu.memory_space<vmem_shared>> -> memref<40x128xf32, #tpu.memory_space<vmem_shared>>
      %dma_wait3A_96 = arith.constant 0 : i32
      %dma_wait3A_97 = tpu.memref_slice %arg11[%add3A_31, %dma_wait3A_96] : memref<10112x128xf32, #tpu.memory_space<vmem_shared>> -> memref<40x128xf32, #tpu.memory_space<vmem_shared>>
      tpu.wait_dma2 semaphore(%run_scoped3A : memref<!tpu.dma_semaphore, #tpu.memory_space<semaphore_mem>>) src(%arg10 : memref<40x128xf32, #tpu.memory_space<vmem>>) dst(%dma_wait3A_97 : memref<40x128xf32, #tpu.memory_space<vmem_shared>>)
      tpu.yield
    }) : () -> ()
    %add3A_32 = arith.constant 120 : i32
    %add3A_33 = arith.addi %mul3A_2, %add3A_32 : i32
    "tpu.region"() ({
      %run_scoped3A = tpu.sem_alloc : memref<!tpu.dma_semaphore, #tpu.memory_space<semaphore_mem>>
      %dma_start3A_91 = arith.constant 0 : i32
      %dma_start3A_92 = tpu.memref_slice %arg11[%add3A_33, %dma_start3A_91] : memref<10112x128xf32, #tpu.memory_space<vmem_shared>> -> memref<40x128xf32, #tpu.memory_space<vmem_shared>>
      %dma_start3A_93 = arith.constant 0 : i32
      %dma_start3A_94 = tpu.memref_slice %arg11[%add3A_33, %dma_start3A_93] : memref<10112x128xf32, #tpu.memory_space<vmem_shared>> -> memref<40x128xf32, #tpu.memory_space<vmem_shared>>
      tpu.enqueue_dma source(%arg10 : memref<40x128xf32, #tpu.memory_space<vmem>>) target(%dma_start3A_94 : memref<40x128xf32, #tpu.memory_space<vmem_shared>>) target_semaphore(%run_scoped3A : memref<!tpu.dma_semaphore, #tpu.memory_space<semaphore_mem>>)
      %dma_wait3A = arith.constant 0 : i32
      %dma_wait3A_95 = tpu.memref_slice %arg11[%add3A_33, %dma_wait3A] : memref<10112x128xf32, #tpu.memory_space<vmem_shared>> -> memref<40x128xf32, #tpu.memory_space<vmem_shared>>
      %dma_wait3A_96 = arith.constant 0 : i32
      %dma_wait3A_97 = tpu.memref_slice %arg11[%add3A_33, %dma_wait3A_96] : memref<10112x128xf32, #tpu.memory_space<vmem_shared>> -> memref<40x128xf32, #tpu.memory_space<vmem_shared>>
      tpu.wait_dma2 semaphore(%run_scoped3A : memref<!tpu.dma_semaphore, #tpu.memory_space<semaphore_mem>>) src(%arg10 : memref<40x128xf32, #tpu.memory_space<vmem>>) dst(%dma_wait3A_97 : memref<40x128xf32, #tpu.memory_space<vmem_shared>>)
      tpu.yield
    }) : () -> ()
    %add3A_34 = arith.constant 160 : i32
    %add3A_35 = arith.addi %mul3A_2, %add3A_34 : i32
    "tpu.region"() ({
      %run_scoped3A = tpu.sem_alloc : memref<!tpu.dma_semaphore, #tpu.memory_space<semaphore_mem>>
      %dma_start3A_91 = arith.constant 0 : i32
      %dma_start3A_92 = tpu.memref_slice %arg11[%add3A_35, %dma_start3A_91] : memref<10112x128xf32, #tpu.memory_space<vmem_shared>> -> memref<40x128xf32, #tpu.memory_space<vmem_shared>>
      %dma_start3A_93 = arith.constant 0 : i32
      %dma_start3A_94 = tpu.memref_slice %arg11[%add3A_35, %dma_start3A_93] : memref<10112x128xf32, #tpu.memory_space<vmem_shared>> -> memref<40x128xf32, #tpu.memory_space<vmem_shared>>
      tpu.enqueue_dma source(%arg10 : memref<40x128xf32, #tpu.memory_space<vmem>>) target(%dma_start3A_94 : memref<40x128xf32, #tpu.memory_space<vmem_shared>>) target_semaphore(%run_scoped3A : memref<!tpu.dma_semaphore, #tpu.memory_space<semaphore_mem>>)
      %dma_wait3A = arith.constant 0 : i32
      %dma_wait3A_95 = tpu.memref_slice %arg11[%add3A_35, %dma_wait3A] : memref<10112x128xf32, #tpu.memory_space<vmem_shared>> -> memref<40x128xf32, #tpu.memory_space<vmem_shared>>
      %dma_wait3A_96 = arith.constant 0 : i32
      %dma_wait3A_97 = tpu.memref_slice %arg11[%add3A_35, %dma_wait3A_96] : memref<10112x128xf32, #tpu.memory_space<vmem_shared>> -> memref<40x128xf32, #tpu.memory_space<vmem_shared>>
      tpu.wait_dma2 semaphore(%run_scoped3A : memref<!tpu.dma_semaphore, #tpu.memory_space<semaphore_mem>>) src(%arg10 : memref<40x128xf32, #tpu.memory_space<vmem>>) dst(%dma_wait3A_97 : memref<40x128xf32, #tpu.memory_space<vmem_shared>>)
      tpu.yield
    }) : () -> ()
    %add3A_36 = arith.constant 200 : i32
    %add3A_37 = arith.addi %mul3A_2, %add3A_36 : i32
    "tpu.region"() ({
      %run_scoped3A = tpu.sem_alloc : memref<!tpu.dma_semaphore, #tpu.memory_space<semaphore_mem>>
      %dma_start3A_91 = arith.constant 0 : i32
      %dma_start3A_92 = tpu.memref_slice %arg11[%add3A_37, %dma_start3A_91] : memref<10112x128xf32, #tpu.memory_space<vmem_shared>> -> memref<40x128xf32, #tpu.memory_space<vmem_shared>>
      %dma_start3A_93 = arith.constant 0 : i32
      %dma_start3A_94 = tpu.memref_slice %arg11[%add3A_37, %dma_start3A_93] : memref<10112x128xf32, #tpu.memory_space<vmem_shared>> -> memref<40x128xf32, #tpu.memory_space<vmem_shared>>
      tpu.enqueue_dma source(%arg10 : memref<40x128xf32, #tpu.memory_space<vmem>>) target(%dma_start3A_94 : memref<40x128xf32, #tpu.memory_space<vmem_shared>>) target_semaphore(%run_scoped3A : memref<!tpu.dma_semaphore, #tpu.memory_space<semaphore_mem>>)
      %dma_wait3A = arith.constant 0 : i32
      %dma_wait3A_95 = tpu.memref_slice %arg11[%add3A_37, %dma_wait3A] : memref<10112x128xf32, #tpu.memory_space<vmem_shared>> -> memref<40x128xf32, #tpu.memory_space<vmem_shared>>
      %dma_wait3A_96 = arith.constant 0 : i32
      %dma_wait3A_97 = tpu.memref_slice %arg11[%add3A_37, %dma_wait3A_96] : memref<10112x128xf32, #tpu.memory_space<vmem_shared>> -> memref<40x128xf32, #tpu.memory_space<vmem_shared>>
      tpu.wait_dma2 semaphore(%run_scoped3A : memref<!tpu.dma_semaphore, #tpu.memory_space<semaphore_mem>>) src(%arg10 : memref<40x128xf32, #tpu.memory_space<vmem>>) dst(%dma_wait3A_97 : memref<40x128xf32, #tpu.memory_space<vmem_shared>>)
      tpu.yield
    }) : () -> ()
    %add3A_38 = arith.constant 240 : i32
    %add3A_39 = arith.addi %mul3A_2, %add3A_38 : i32
    "tpu.region"() ({
      %run_scoped3A = tpu.sem_alloc : memref<!tpu.dma_semaphore, #tpu.memory_space<semaphore_mem>>
      %dma_start3A_91 = arith.constant 0 : i32
      %dma_start3A_92 = tpu.memref_slice %arg11[%add3A_39, %dma_start3A_91] : memref<10112x128xf32, #tpu.memory_space<vmem_shared>> -> memref<40x128xf32, #tpu.memory_space<vmem_shared>>
      %dma_start3A_93 = arith.constant 0 : i32
      %dma_start3A_94 = tpu.memref_slice %arg11[%add3A_39, %dma_start3A_93] : memref<10112x128xf32, #tpu.memory_space<vmem_shared>> -> memref<40x128xf32, #tpu.memory_space<vmem_shared>>
      tpu.enqueue_dma source(%arg10 : memref<40x128xf32, #tpu.memory_space<vmem>>) target(%dma_start3A_94 : memref<40x128xf32, #tpu.memory_space<vmem_shared>>) target_semaphore(%run_scoped3A : memref<!tpu.dma_semaphore, #tpu.memory_space<semaphore_mem>>)
      %dma_wait3A = arith.constant 0 : i32
      %dma_wait3A_95 = tpu.memref_slice %arg11[%add3A_39, %dma_wait3A] : memref<10112x128xf32, #tpu.memory_space<vmem_shared>> -> memref<40x128xf32, #tpu.memory_space<vmem_shared>>
      %dma_wait3A_96 = arith.constant 0 : i32
      %dma_wait3A_97 = tpu.memref_slice %arg11[%add3A_39, %dma_wait3A_96] : memref<10112x128xf32, #tpu.memory_space<vmem_shared>> -> memref<40x128xf32, #tpu.memory_space<vmem_shared>>
      tpu.wait_dma2 semaphore(%run_scoped3A : memref<!tpu.dma_semaphore, #tpu.memory_space<semaphore_mem>>) src(%arg10 : memref<40x128xf32, #tpu.memory_space<vmem>>) dst(%dma_wait3A_97 : memref<40x128xf32, #tpu.memory_space<vmem_shared>>)
      tpu.yield
    }) : () -> ()
    %add3A_40 = arith.constant 280 : i32
    %add3A_41 = arith.addi %mul3A_2, %add3A_40 : i32
    "tpu.region"() ({
      %run_scoped3A = tpu.sem_alloc : memref<!tpu.dma_semaphore, #tpu.memory_space<semaphore_mem>>
      %dma_start3A_91 = arith.constant 0 : i32
      %dma_start3A_92 = tpu.memref_slice %arg11[%add3A_41, %dma_start3A_91] : memref<10112x128xf32, #tpu.memory_space<vmem_shared>> -> memref<40x128xf32, #tpu.memory_space<vmem_shared>>
      %dma_start3A_93 = arith.constant 0 : i32
      %dma_start3A_94 = tpu.memref_slice %arg11[%add3A_41, %dma_start3A_93] : memref<10112x128xf32, #tpu.memory_space<vmem_shared>> -> memref<40x128xf32, #tpu.memory_space<vmem_shared>>
      tpu.enqueue_dma source(%arg10 : memref<40x128xf32, #tpu.memory_space<vmem>>) target(%dma_start3A_94 : memref<40x128xf32, #tpu.memory_space<vmem_shared>>) target_semaphore(%run_scoped3A : memref<!tpu.dma_semaphore, #tpu.memory_space<semaphore_mem>>)
      %dma_wait3A = arith.constant 0 : i32
      %dma_wait3A_95 = tpu.memref_slice %arg11[%add3A_41, %dma_wait3A] : memref<10112x128xf32, #tpu.memory_space<vmem_shared>> -> memref<40x128xf32, #tpu.memory_space<vmem_shared>>
      %dma_wait3A_96 = arith.constant 0 : i32
      %dma_wait3A_97 = tpu.memref_slice %arg11[%add3A_41, %dma_wait3A_96] : memref<10112x128xf32, #tpu.memory_space<vmem_shared>> -> memref<40x128xf32, #tpu.memory_space<vmem_shared>>
      tpu.wait_dma2 semaphore(%run_scoped3A : memref<!tpu.dma_semaphore, #tpu.memory_space<semaphore_mem>>) src(%arg10 : memref<40x128xf32, #tpu.memory_space<vmem>>) dst(%dma_wait3A_97 : memref<40x128xf32, #tpu.memory_space<vmem_shared>>)
      tpu.yield
    }) : () -> ()
    %add3A_42 = arith.constant 320 : i32
    %add3A_43 = arith.addi %mul3A_2, %add3A_42 : i32
    "tpu.region"() ({
      %run_scoped3A = tpu.sem_alloc : memref<!tpu.dma_semaphore, #tpu.memory_space<semaphore_mem>>
      %dma_start3A_91 = arith.constant 0 : i32
      %dma_start3A_92 = tpu.memref_slice %arg11[%add3A_43, %dma_start3A_91] : memref<10112x128xf32, #tpu.memory_space<vmem_shared>> -> memref<40x128xf32, #tpu.memory_space<vmem_shared>>
      %dma_start3A_93 = arith.constant 0 : i32
      %dma_start3A_94 = tpu.memref_slice %arg11[%add3A_43, %dma_start3A_93] : memref<10112x128xf32, #tpu.memory_space<vmem_shared>> -> memref<40x128xf32, #tpu.memory_space<vmem_shared>>
      tpu.enqueue_dma source(%arg10 : memref<40x128xf32, #tpu.memory_space<vmem>>) target(%dma_start3A_94 : memref<40x128xf32, #tpu.memory_space<vmem_shared>>) target_semaphore(%run_scoped3A : memref<!tpu.dma_semaphore, #tpu.memory_space<semaphore_mem>>)
      %dma_wait3A = arith.constant 0 : i32
      %dma_wait3A_95 = tpu.memref_slice %arg11[%add3A_43, %dma_wait3A] : memref<10112x128xf32, #tpu.memory_space<vmem_shared>> -> memref<40x128xf32, #tpu.memory_space<vmem_shared>>
      %dma_wait3A_96 = arith.constant 0 : i32
      %dma_wait3A_97 = tpu.memref_slice %arg11[%add3A_43, %dma_wait3A_96] : memref<10112x128xf32, #tpu.memory_space<vmem_shared>> -> memref<40x128xf32, #tpu.memory_space<vmem_shared>>
      tpu.wait_dma2 semaphore(%run_scoped3A : memref<!tpu.dma_semaphore, #tpu.memory_space<semaphore_mem>>) src(%arg10 : memref<40x128xf32, #tpu.memory_space<vmem>>) dst(%dma_wait3A_97 : memref<40x128xf32, #tpu.memory_space<vmem_shared>>)
      tpu.yield
    }) : () -> ()
    %add3A_44 = arith.constant 360 : i32
    %add3A_45 = arith.addi %mul3A_2, %add3A_44 : i32
    "tpu.region"() ({
      %run_scoped3A = tpu.sem_alloc : memref<!tpu.dma_semaphore, #tpu.memory_space<semaphore_mem>>
      %dma_start3A_91 = arith.constant 0 : i32
      %dma_start3A_92 = tpu.memref_slice %arg11[%add3A_45, %dma_start3A_91] : memref<10112x128xf32, #tpu.memory_space<vmem_shared>> -> memref<40x128xf32, #tpu.memory_space<vmem_shared>>
      %dma_start3A_93 = arith.constant 0 : i32
      %dma_start3A_94 = tpu.memref_slice %arg11[%add3A_45, %dma_start3A_93] : memref<10112x128xf32, #tpu.memory_space<vmem_shared>> -> memref<40x128xf32, #tpu.memory_space<vmem_shared>>
      tpu.enqueue_dma source(%arg10 : memref<40x128xf32, #tpu.memory_space<vmem>>) target(%dma_start3A_94 : memref<40x128xf32, #tpu.memory_space<vmem_shared>>) target_semaphore(%run_scoped3A : memref<!tpu.dma_semaphore, #tpu.memory_space<semaphore_mem>>)
      %dma_wait3A = arith.constant 0 : i32
      %dma_wait3A_95 = tpu.memref_slice %arg11[%add3A_45, %dma_wait3A] : memref<10112x128xf32, #tpu.memory_space<vmem_shared>> -> memref<40x128xf32, #tpu.memory_space<vmem_shared>>
      %dma_wait3A_96 = arith.constant 0 : i32
      %dma_wait3A_97 = tpu.memref_slice %arg11[%add3A_45, %dma_wait3A_96] : memref<10112x128xf32, #tpu.memory_space<vmem_shared>> -> memref<40x128xf32, #tpu.memory_space<vmem_shared>>
      tpu.wait_dma2 semaphore(%run_scoped3A : memref<!tpu.dma_semaphore, #tpu.memory_space<semaphore_mem>>) src(%arg10 : memref<40x128xf32, #tpu.memory_space<vmem>>) dst(%dma_wait3A_97 : memref<40x128xf32, #tpu.memory_space<vmem_shared>>)
      tpu.yield
    }) : () -> ()
    %add3A_46 = arith.constant 400 : i32
    %add3A_47 = arith.addi %mul3A_2, %add3A_46 : i32
    "tpu.region"() ({
      %run_scoped3A = tpu.sem_alloc : memref<!tpu.dma_semaphore, #tpu.memory_space<semaphore_mem>>
      %dma_start3A_91 = arith.constant 0 : i32
      %dma_start3A_92 = tpu.memref_slice %arg11[%add3A_47, %dma_start3A_91] : memref<10112x128xf32, #tpu.memory_space<vmem_shared>> -> memref<40x128xf32, #tpu.memory_space<vmem_shared>>
      %dma_start3A_93 = arith.constant 0 : i32
      %dma_start3A_94 = tpu.memref_slice %arg11[%add3A_47, %dma_start3A_93] : memref<10112x128xf32, #tpu.memory_space<vmem_shared>> -> memref<40x128xf32, #tpu.memory_space<vmem_shared>>
      tpu.enqueue_dma source(%arg10 : memref<40x128xf32, #tpu.memory_space<vmem>>) target(%dma_start3A_94 : memref<40x128xf32, #tpu.memory_space<vmem_shared>>) target_semaphore(%run_scoped3A : memref<!tpu.dma_semaphore, #tpu.memory_space<semaphore_mem>>)
      %dma_wait3A = arith.constant 0 : i32
      %dma_wait3A_95 = tpu.memref_slice %arg11[%add3A_47, %dma_wait3A] : memref<10112x128xf32, #tpu.memory_space<vmem_shared>> -> memref<40x128xf32, #tpu.memory_space<vmem_shared>>
      %dma_wait3A_96 = arith.constant 0 : i32
      %dma_wait3A_97 = tpu.memref_slice %arg11[%add3A_47, %dma_wait3A_96] : memref<10112x128xf32, #tpu.memory_space<vmem_shared>> -> memref<40x128xf32, #tpu.memory_space<vmem_shared>>
      tpu.wait_dma2 semaphore(%run_scoped3A : memref<!tpu.dma_semaphore, #tpu.memory_space<semaphore_mem>>) src(%arg10 : memref<40x128xf32, #tpu.memory_space<vmem>>) dst(%dma_wait3A_97 : memref<40x128xf32, #tpu.memory_space<vmem_shared>>)
      tpu.yield
    }) : () -> ()
    %add3A_48 = arith.constant 440 : i32
    %add3A_49 = arith.addi %mul3A_2, %add3A_48 : i32
    "tpu.region"() ({
      %run_scoped3A = tpu.sem_alloc : memref<!tpu.dma_semaphore, #tpu.memory_space<semaphore_mem>>
      %dma_start3A_91 = arith.constant 0 : i32
      %dma_start3A_92 = tpu.memref_slice %arg11[%add3A_49, %dma_start3A_91] : memref<10112x128xf32, #tpu.memory_space<vmem_shared>> -> memref<40x128xf32, #tpu.memory_space<vmem_shared>>
      %dma_start3A_93 = arith.constant 0 : i32
      %dma_start3A_94 = tpu.memref_slice %arg11[%add3A_49, %dma_start3A_93] : memref<10112x128xf32, #tpu.memory_space<vmem_shared>> -> memref<40x128xf32, #tpu.memory_space<vmem_shared>>
      tpu.enqueue_dma source(%arg10 : memref<40x128xf32, #tpu.memory_space<vmem>>) target(%dma_start3A_94 : memref<40x128xf32, #tpu.memory_space<vmem_shared>>) target_semaphore(%run_scoped3A : memref<!tpu.dma_semaphore, #tpu.memory_space<semaphore_mem>>)
      %dma_wait3A = arith.constant 0 : i32
      %dma_wait3A_95 = tpu.memref_slice %arg11[%add3A_49, %dma_wait3A] : memref<10112x128xf32, #tpu.memory_space<vmem_shared>> -> memref<40x128xf32, #tpu.memory_space<vmem_shared>>
      %dma_wait3A_96 = arith.constant 0 : i32
      %dma_wait3A_97 = tpu.memref_slice %arg11[%add3A_49, %dma_wait3A_96] : memref<10112x128xf32, #tpu.memory_space<vmem_shared>> -> memref<40x128xf32, #tpu.memory_space<vmem_shared>>
      tpu.wait_dma2 semaphore(%run_scoped3A : memref<!tpu.dma_semaphore, #tpu.memory_space<semaphore_mem>>) src(%arg10 : memref<40x128xf32, #tpu.memory_space<vmem>>) dst(%dma_wait3A_97 : memref<40x128xf32, #tpu.memory_space<vmem_shared>>)
      tpu.yield
    }) : () -> ()
    %add3A_50 = arith.constant 480 : i32
    %add3A_51 = arith.addi %mul3A_2, %add3A_50 : i32
    "tpu.region"() ({
      %run_scoped3A = tpu.sem_alloc : memref<!tpu.dma_semaphore, #tpu.memory_space<semaphore_mem>>
      %dma_start3A_91 = arith.constant 0 : i32
      %dma_start3A_92 = tpu.memref_slice %arg11[%add3A_51, %dma_start3A_91] : memref<10112x128xf32, #tpu.memory_space<vmem_shared>> -> memref<40x128xf32, #tpu.memory_space<vmem_shared>>
      %dma_start3A_93 = arith.constant 0 : i32
      %dma_start3A_94 = tpu.memref_slice %arg11[%add3A_51, %dma_start3A_93] : memref<10112x128xf32, #tpu.memory_space<vmem_shared>> -> memref<40x128xf32, #tpu.memory_space<vmem_shared>>
      tpu.enqueue_dma source(%arg10 : memref<40x128xf32, #tpu.memory_space<vmem>>) target(%dma_start3A_94 : memref<40x128xf32, #tpu.memory_space<vmem_shared>>) target_semaphore(%run_scoped3A : memref<!tpu.dma_semaphore, #tpu.memory_space<semaphore_mem>>)
      %dma_wait3A = arith.constant 0 : i32
      %dma_wait3A_95 = tpu.memref_slice %arg11[%add3A_51, %dma_wait3A] : memref<10112x128xf32, #tpu.memory_space<vmem_shared>> -> memref<40x128xf32, #tpu.memory_space<vmem_shared>>
      %dma_wait3A_96 = arith.constant 0 : i32
      %dma_wait3A_97 = tpu.memref_slice %arg11[%add3A_51, %dma_wait3A_96] : memref<10112x128xf32, #tpu.memory_space<vmem_shared>> -> memref<40x128xf32, #tpu.memory_space<vmem_shared>>
      tpu.wait_dma2 semaphore(%run_scoped3A : memref<!tpu.dma_semaphore, #tpu.memory_space<semaphore_mem>>) src(%arg10 : memref<40x128xf32, #tpu.memory_space<vmem>>) dst(%dma_wait3A_97 : memref<40x128xf32, #tpu.memory_space<vmem_shared>>)
      tpu.yield
    }) : () -> ()
    %add3A_52 = arith.constant 520 : i32
    %add3A_53 = arith.addi %mul3A_2, %add3A_52 : i32
    "tpu.region"() ({
      %run_scoped3A = tpu.sem_alloc : memref<!tpu.dma_semaphore, #tpu.memory_space<semaphore_mem>>
      %dma_start3A_91 = arith.constant 0 : i32
      %dma_start3A_92 = tpu.memref_slice %arg11[%add3A_53, %dma_start3A_91] : memref<10112x128xf32, #tpu.memory_space<vmem_shared>> -> memref<40x128xf32, #tpu.memory_space<vmem_shared>>
      %dma_start3A_93 = arith.constant 0 : i32
      %dma_start3A_94 = tpu.memref_slice %arg11[%add3A_53, %dma_start3A_93] : memref<10112x128xf32, #tpu.memory_space<vmem_shared>> -> memref<40x128xf32, #tpu.memory_space<vmem_shared>>
      tpu.enqueue_dma source(%arg10 : memref<40x128xf32, #tpu.memory_space<vmem>>) target(%dma_start3A_94 : memref<40x128xf32, #tpu.memory_space<vmem_shared>>) target_semaphore(%run_scoped3A : memref<!tpu.dma_semaphore, #tpu.memory_space<semaphore_mem>>)
      %dma_wait3A = arith.constant 0 : i32
      %dma_wait3A_95 = tpu.memref_slice %arg11[%add3A_53, %dma_wait3A] : memref<10112x128xf32, #tpu.memory_space<vmem_shared>> -> memref<40x128xf32, #tpu.memory_space<vmem_shared>>
      %dma_wait3A_96 = arith.constant 0 : i32
      %dma_wait3A_97 = tpu.memref_slice %arg11[%add3A_53, %dma_wait3A_96] : memref<10112x128xf32, #tpu.memory_space<vmem_shared>> -> memref<40x128xf32, #tpu.memory_space<vmem_shared>>
      tpu.wait_dma2 semaphore(%run_scoped3A : memref<!tpu.dma_semaphore, #tpu.memory_space<semaphore_mem>>) src(%arg10 : memref<40x128xf32, #tpu.memory_space<vmem>>) dst(%dma_wait3A_97 : memref<40x128xf32, #tpu.memory_space<vmem_shared>>)
      tpu.yield
    }) : () -> ()
    %add3A_54 = arith.constant 560 : i32
    %add3A_55 = arith.addi %mul3A_2, %add3A_54 : i32
    "tpu.region"() ({
      %run_scoped3A = tpu.sem_alloc : memref<!tpu.dma_semaphore, #tpu.memory_space<semaphore_mem>>
      %dma_start3A_91 = arith.constant 0 : i32
      %dma_start3A_92 = tpu.memref_slice %arg11[%add3A_55, %dma_start3A_91] : memref<10112x128xf32, #tpu.memory_space<vmem_shared>> -> memref<40x128xf32, #tpu.memory_space<vmem_shared>>
      %dma_start3A_93 = arith.constant 0 : i32
      %dma_start3A_94 = tpu.memref_slice %arg11[%add3A_55, %dma_start3A_93] : memref<10112x128xf32, #tpu.memory_space<vmem_shared>> -> memref<40x128xf32, #tpu.memory_space<vmem_shared>>
      tpu.enqueue_dma source(%arg10 : memref<40x128xf32, #tpu.memory_space<vmem>>) target(%dma_start3A_94 : memref<40x128xf32, #tpu.memory_space<vmem_shared>>) target_semaphore(%run_scoped3A : memref<!tpu.dma_semaphore, #tpu.memory_space<semaphore_mem>>)
      %dma_wait3A = arith.constant 0 : i32
      %dma_wait3A_95 = tpu.memref_slice %arg11[%add3A_55, %dma_wait3A] : memref<10112x128xf32, #tpu.memory_space<vmem_shared>> -> memref<40x128xf32, #tpu.memory_space<vmem_shared>>
      %dma_wait3A_96 = arith.constant 0 : i32
      %dma_wait3A_97 = tpu.memref_slice %arg11[%add3A_55, %dma_wait3A_96] : memref<10112x128xf32, #tpu.memory_space<vmem_shared>> -> memref<40x128xf32, #tpu.memory_space<vmem_shared>>
      tpu.wait_dma2 semaphore(%run_scoped3A : memref<!tpu.dma_semaphore, #tpu.memory_space<semaphore_mem>>) src(%arg10 : memref<40x128xf32, #tpu.memory_space<vmem>>) dst(%dma_wait3A_97 : memref<40x128xf32, #tpu.memory_space<vmem_shared>>)
      tpu.yield
    }) : () -> ()
    %add3A_56 = arith.constant 632 : i32
    %add3A_57 = arith.addi %mul3A_2, %add3A_56 : i32
    %sub3A = arith.constant 32 : i32
    %sub3A_58 = arith.subi %add3A_57, %sub3A : i32
    "tpu.region"() ({
      %run_scoped3A = tpu.sem_alloc : memref<!tpu.dma_semaphore, #tpu.memory_space<semaphore_mem>>
      %dma_start3A_91 = arith.constant 0 : i32
      %dma_start3A_92 = arith.constant 0 : i32
      %dma_start3A_93 = tpu.memref_slice %arg10[%dma_start3A_91, %dma_start3A_92] : memref<40x128xf32, #tpu.memory_space<vmem>> -> memref<32x128xf32, #tpu.memory_space<vmem>>
      %dma_start3A_94 = arith.constant 0 : i32
      %dma_start3A_95 = tpu.memref_slice %arg11[%sub3A_58, %dma_start3A_94] : memref<10112x128xf32, #tpu.memory_space<vmem_shared>> -> memref<32x128xf32, #tpu.memory_space<vmem_shared>>
      %dma_start3A_96 = arith.constant 0 : i32
      %dma_start3A_97 = tpu.memref_slice %arg11[%sub3A_58, %dma_start3A_96] : memref<10112x128xf32, #tpu.memory_space<vmem_shared>> -> memref<32x128xf32, #tpu.memory_space<vmem_shared>>
      %dma_start3A_98 = arith.constant 0 : i32
      %dma_start3A_99 = arith.constant 0 : i32
      %dma_start3A_100 = tpu.memref_slice %arg10[%dma_start3A_98, %dma_start3A_99] : memref<40x128xf32, #tpu.memory_space<vmem>> -> memref<32x128xf32, #tpu.memory_space<vmem>>
      tpu.enqueue_dma source(%dma_start3A_100 : memref<32x128xf32, #tpu.memory_space<vmem>>) target(%dma_start3A_97 : memref<32x128xf32, #tpu.memory_space<vmem_shared>>) target_semaphore(%run_scoped3A : memref<!tpu.dma_semaphore, #tpu.memory_space<semaphore_mem>>)
      %dma_wait3A = arith.constant 0 : i32
      %dma_wait3A_101 = arith.constant 0 : i32
      %dma_wait3A_102 = tpu.memref_slice %arg10[%dma_wait3A, %dma_wait3A_101] : memref<40x128xf32, #tpu.memory_space<vmem>> -> memref<32x128xf32, #tpu.memory_space<vmem>>
      %dma_wait3A_103 = arith.constant 0 : i32
      %dma_wait3A_104 = tpu.memref_slice %arg11[%sub3A_58, %dma_wait3A_103] : memref<10112x128xf32, #tpu.memory_space<vmem_shared>> -> memref<32x128xf32, #tpu.memory_space<vmem_shared>>
      %dma_wait3A_105 = arith.constant 0 : i32
      %dma_wait3A_106 = tpu.memref_slice %arg11[%sub3A_58, %dma_wait3A_105] : memref<10112x128xf32, #tpu.memory_space<vmem_shared>> -> memref<32x128xf32, #tpu.memory_space<vmem_shared>>
      %dma_wait3A_107 = arith.constant 0 : i32
      %dma_wait3A_108 = arith.constant 0 : i32
      %dma_wait3A_109 = tpu.memref_slice %arg10[%dma_wait3A_107, %dma_wait3A_108] : memref<40x128xf32, #tpu.memory_space<vmem>> -> memref<32x128xf32, #tpu.memory_space<vmem>>
      tpu.wait_dma2 semaphore(%run_scoped3A : memref<!tpu.dma_semaphore, #tpu.memory_space<semaphore_mem>>) src(%dma_wait3A_109 : memref<32x128xf32, #tpu.memory_space<vmem>>) dst(%dma_wait3A_106 : memref<32x128xf32, #tpu.memory_space<vmem_shared>>)
      tpu.yield
    }) : () -> ()
    %barrier3A = arith.constant 0 : index
    tpu.barrier barrier_id(%barrier3A)
    %scan3A_59 = arith.constant 0 : i32
    %scan3A_60 = arith.constant 20 : i32
    %scan3A_61 = arith.addi %scan3A_59, %scan3A_60 : i32
    %scan3A_62 = arith.constant 1 : i32
    scf.for %scan3A_91 = %scan3A_59 to %scan3A_61 step %scan3A_62  : i32 {
      %mul3A_92 = arith.constant 2 : i32
      %mul3A_93 = arith.muli %mul3A_92, %scan3A_91 : i32
      %dma_wait3A = arith.constant 0 : i32
      %dma_wait3A_94 = tpu.memref_slice %arg6[%mul3A_93, %dma_wait3A] : memref<40x128xi32, #tpu.memory_space<vmem>> -> memref<1x128xi32, #tpu.memory_space<vmem>>
      %dma_wait3A_95 = tpu.memref_squeeze %dma_wait3A_94 : memref<1x128xi32, #tpu.memory_space<vmem>> -> memref<128xi32, #tpu.memory_space<vmem>>
      %dma_wait3A_96 = arith.constant 0 : i32
      %dma_wait3A_97 = arith.constant 0 : i32
      %dma_wait3A_98 = tpu.memref_slice %arg2[%dma_wait3A_96, %dma_wait3A_97] : memref<10000x128xf32, #tpu.memory_space<hbm>> -> memref<10000x128xf32, #tpu.memory_space<hbm>>
      tpu.wait_indirect_dma semaphore(%arg12 : memref<!tpu.dma_semaphore, #tpu.memory_space<semaphore_mem>>) src(%dma_wait3A_98 : memref<10000x128xf32, #tpu.memory_space<hbm>>) dst(%arg8 : memref<128x128xf32, #tpu.memory_space<vmem>>)
      "tpu.region"() ({
        %run_scoped3A = tpu.sem_alloc : memref<!tpu.dma_semaphore, #tpu.memory_space<semaphore_mem>>
        %dma_start3A_116 = arith.constant 0 : i32
        %dma_start3A_117 = tpu.memref_slice %arg7[%mul3A_93, %dma_start3A_116] : memref<40x128xi32, #tpu.memory_space<vmem>> -> memref<1x128xi32, #tpu.memory_space<vmem>>
        %dma_start3A_118 = tpu.memref_squeeze %dma_start3A_117 : memref<1x128xi32, #tpu.memory_space<vmem>> -> memref<128xi32, #tpu.memory_space<vmem>>
        %dma_start3A_119 = arith.constant 0 : i32
        %dma_start3A_120 = arith.constant 0 : i32
        %dma_start3A_121 = tpu.memref_slice %arg11[%dma_start3A_119, %dma_start3A_120] : memref<10112x128xf32, #tpu.memory_space<vmem_shared>> -> memref<10112x128xf32, #tpu.memory_space<vmem_shared>>
        tpu.enqueue_indirect_dma source(%arg8 : memref<128x128xf32, #tpu.memory_space<vmem>>) target(%dma_start3A_121 : memref<10112x128xf32, #tpu.memory_space<vmem_shared>>) offsets(%dma_start3A_118 : memref<128xi32, #tpu.memory_space<vmem>>) semaphore(%run_scoped3A : memref<!tpu.dma_semaphore, #tpu.memory_space<semaphore_mem>>) {add = true}
        %dma_wait3A_122 = arith.constant 0 : i32
        %dma_wait3A_123 = tpu.memref_slice %arg7[%mul3A_93, %dma_wait3A_122] : memref<40x128xi32, #tpu.memory_space<vmem>> -> memref<1x128xi32, #tpu.memory_space<vmem>>
        %dma_wait3A_124 = tpu.memref_squeeze %dma_wait3A_123 : memref<1x128xi32, #tpu.memory_space<vmem>> -> memref<128xi32, #tpu.memory_space<vmem>>
        %dma_wait3A_125 = arith.constant 0 : i32
        %dma_wait3A_126 = arith.constant 0 : i32
        %dma_wait3A_127 = tpu.memref_slice %arg11[%dma_wait3A_125, %dma_wait3A_126] : memref<10112x128xf32, #tpu.memory_space<vmem_shared>> -> memref<10112x128xf32, #tpu.memory_space<vmem_shared>>
        tpu.wait_indirect_dma semaphore(%run_scoped3A : memref<!tpu.dma_semaphore, #tpu.memory_space<semaphore_mem>>) src(%arg8 : memref<128x128xf32, #tpu.memory_space<vmem>>) dst(%dma_wait3A_127 : memref<10112x128xf32, #tpu.memory_space<vmem_shared>>)
        tpu.yield
      }) : () -> ()
      %lt3A = arith.constant 19 : i32
      %lt3A_99 = arith.cmpi slt, %scan3A_91, %lt3A : i32
      %convert_element_type3A = arith.extui %lt3A_99 : i1 to i32
      %cond3A = arith.constant 0 : i32
      %cond3A_100 = arith.cmpi ne, %convert_element_type3A, %cond3A : i32
      scf.if %cond3A_100 {
        %add3A_116 = arith.constant 2 : i32
        %add3A_117 = arith.addi %mul3A_93, %add3A_116 : i32
        %dma_start3A_118 = arith.constant 0 : i32
        %dma_start3A_119 = tpu.memref_slice %arg6[%add3A_117, %dma_start3A_118] : memref<40x128xi32, #tpu.memory_space<vmem>> -> memref<1x128xi32, #tpu.memory_space<vmem>>
        %dma_start3A_120 = tpu.memref_squeeze %dma_start3A_119 : memref<1x128xi32, #tpu.memory_space<vmem>> -> memref<128xi32, #tpu.memory_space<vmem>>
        %dma_start3A_121 = arith.constant 0 : i32
        %dma_start3A_122 = arith.constant 0 : i32
        %dma_start3A_123 = tpu.memref_slice %arg2[%dma_start3A_121, %dma_start3A_122] : memref<10000x128xf32, #tpu.memory_space<hbm>> -> memref<10000x128xf32, #tpu.memory_space<hbm>>
        tpu.enqueue_indirect_dma source(%dma_start3A_123 : memref<10000x128xf32, #tpu.memory_space<hbm>>) target(%arg8 : memref<128x128xf32, #tpu.memory_space<vmem>>) offsets(%dma_start3A_120 : memref<128xi32, #tpu.memory_space<vmem>>) semaphore(%arg12 : memref<!tpu.dma_semaphore, #tpu.memory_space<semaphore_mem>>)
      } else {
      }
      %add3A_101 = arith.constant 1 : i32
      %add3A_102 = arith.addi %mul3A_93, %add3A_101 : i32
      %dma_wait3A_103 = arith.constant 0 : i32
      %dma_wait3A_104 = tpu.memref_slice %arg6[%add3A_102, %dma_wait3A_103] : memref<40x128xi32, #tpu.memory_space<vmem>> -> memref<1x128xi32, #tpu.memory_space<vmem>>
      %dma_wait3A_105 = tpu.memref_squeeze %dma_wait3A_104 : memref<1x128xi32, #tpu.memory_space<vmem>> -> memref<128xi32, #tpu.memory_space<vmem>>
      %dma_wait3A_106 = arith.constant 0 : i32
      %dma_wait3A_107 = arith.constant 0 : i32
      %dma_wait3A_108 = tpu.memref_slice %arg2[%dma_wait3A_106, %dma_wait3A_107] : memref<10000x128xf32, #tpu.memory_space<hbm>> -> memref<10000x128xf32, #tpu.memory_space<hbm>>
      tpu.wait_indirect_dma semaphore(%arg13 : memref<!tpu.dma_semaphore, #tpu.memory_space<semaphore_mem>>) src(%dma_wait3A_108 : memref<10000x128xf32, #tpu.memory_space<hbm>>) dst(%arg9 : memref<128x128xf32, #tpu.memory_space<vmem>>)
      %add3A_109 = arith.constant 1 : i32
      %add3A_110 = arith.addi %mul3A_93, %add3A_109 : i32
      "tpu.region"() ({
        %run_scoped3A = tpu.sem_alloc : memref<!tpu.dma_semaphore, #tpu.memory_space<semaphore_mem>>
        %dma_start3A_116 = arith.constant 0 : i32
        %dma_start3A_117 = tpu.memref_slice %arg7[%add3A_110, %dma_start3A_116] : memref<40x128xi32, #tpu.memory_space<vmem>> -> memref<1x128xi32, #tpu.memory_space<vmem>>
        %dma_start3A_118 = tpu.memref_squeeze %dma_start3A_117 : memref<1x128xi32, #tpu.memory_space<vmem>> -> memref<128xi32, #tpu.memory_space<vmem>>
        %dma_start3A_119 = arith.constant 0 : i32
        %dma_start3A_120 = arith.constant 0 : i32
        %dma_start3A_121 = tpu.memref_slice %arg11[%dma_start3A_119, %dma_start3A_120] : memref<10112x128xf32, #tpu.memory_space<vmem_shared>> -> memref<10112x128xf32, #tpu.memory_space<vmem_shared>>
        tpu.enqueue_indirect_dma source(%arg9 : memref<128x128xf32, #tpu.memory_space<vmem>>) target(%dma_start3A_121 : memref<10112x128xf32, #tpu.memory_space<vmem_shared>>) offsets(%dma_start3A_118 : memref<128xi32, #tpu.memory_space<vmem>>) semaphore(%run_scoped3A : memref<!tpu.dma_semaphore, #tpu.memory_space<semaphore_mem>>) {add = true}
        %dma_wait3A_122 = arith.constant 0 : i32
        %dma_wait3A_123 = tpu.memref_slice %arg7[%add3A_110, %dma_wait3A_122] : memref<40x128xi32, #tpu.memory_space<vmem>> -> memref<1x128xi32, #tpu.memory_space<vmem>>
        %dma_wait3A_124 = tpu.memref_squeeze %dma_wait3A_123 : memref<1x128xi32, #tpu.memory_space<vmem>> -> memref<128xi32, #tpu.memory_space<vmem>>
        %dma_wait3A_125 = arith.constant 0 : i32
        %dma_wait3A_126 = arith.constant 0 : i32
        %dma_wait3A_127 = tpu.memref_slice %arg11[%dma_wait3A_125, %dma_wait3A_126] : memref<10112x128xf32, #tpu.memory_space<vmem_shared>> -> memref<10112x128xf32, #tpu.memory_space<vmem_shared>>
        tpu.wait_indirect_dma semaphore(%run_scoped3A : memref<!tpu.dma_semaphore, #tpu.memory_space<semaphore_mem>>) src(%arg9 : memref<128x128xf32, #tpu.memory_space<vmem>>) dst(%dma_wait3A_127 : memref<10112x128xf32, #tpu.memory_space<vmem_shared>>)
        tpu.yield
      }) : () -> ()
      %lt3A_111 = arith.constant 19 : i32
      %lt3A_112 = arith.cmpi slt, %scan3A_91, %lt3A_111 : i32
      %convert_element_type3A_113 = arith.extui %lt3A_112 : i1 to i32
      %cond3A_114 = arith.constant 0 : i32
      %cond3A_115 = arith.cmpi ne, %convert_element_type3A_113, %cond3A_114 : i32
      scf.if %cond3A_115 {
        %add3A_116 = arith.constant 3 : i32
        %add3A_117 = arith.addi %mul3A_93, %add3A_116 : i32
        %dma_start3A_118 = arith.constant 0 : i32
        %dma_start3A_119 = tpu.memref_slice %arg6[%add3A_117, %dma_start3A_118] : memref<40x128xi32, #tpu.memory_space<vmem>> -> memref<1x128xi32, #tpu.memory_space<vmem>>
        %dma_start3A_120 = tpu.memref_squeeze %dma_start3A_119 : memref<1x128xi32, #tpu.memory_space<vmem>> -> memref<128xi32, #tpu.memory_space<vmem>>
        %dma_start3A_121 = arith.constant 0 : i32
        %dma_start3A_122 = arith.constant 0 : i32
        %dma_start3A_123 = tpu.memref_slice %arg2[%dma_start3A_121, %dma_start3A_122] : memref<10000x128xf32, #tpu.memory_space<hbm>> -> memref<10000x128xf32, #tpu.memory_space<hbm>>
        tpu.enqueue_indirect_dma source(%dma_start3A_123 : memref<10000x128xf32, #tpu.memory_space<hbm>>) target(%arg9 : memref<128x128xf32, #tpu.memory_space<vmem>>) offsets(%dma_start3A_120 : memref<128xi32, #tpu.memory_space<vmem>>) semaphore(%arg13 : memref<!tpu.dma_semaphore, #tpu.memory_space<semaphore_mem>>)
      } else {
      }
    }
    %scan3A_63 = arith.constant 20 : i32
    %add3A_64 = arith.constant 40 : i32
    %add3A_65 = arith.addi %mul3A_4, %add3A_64 : i32
    "tpu.region"() ({
      %run_scoped3A = tpu.sem_alloc : memref<!tpu.dma_semaphore, #tpu.memory_space<semaphore_mem>>
      %dma_start3A_91 = arith.constant 0 : i32
      %dma_start3A_92 = tpu.memref_slice %arg3[%add3A_65, %dma_start3A_91] : memref<2560x128xi32, #tpu.memory_space<hbm>> -> memref<40x128xi32, #tpu.memory_space<hbm>>
      %dma_start3A_93 = arith.constant 0 : i32
      %dma_start3A_94 = tpu.memref_slice %arg3[%add3A_65, %dma_start3A_93] : memref<2560x128xi32, #tpu.memory_space<hbm>> -> memref<40x128xi32, #tpu.memory_space<hbm>>
      tpu.enqueue_dma source(%dma_start3A_94 : memref<40x128xi32, #tpu.memory_space<hbm>>) target(%arg6 : memref<40x128xi32, #tpu.memory_space<vmem>>) target_semaphore(%run_scoped3A : memref<!tpu.dma_semaphore, #tpu.memory_space<semaphore_mem>>)
      %dma_wait3A = arith.constant 0 : i32
      %dma_wait3A_95 = tpu.memref_slice %arg3[%add3A_65, %dma_wait3A] : memref<2560x128xi32, #tpu.memory_space<hbm>> -> memref<40x128xi32, #tpu.memory_space<hbm>>
      %dma_wait3A_96 = arith.constant 0 : i32
      %dma_wait3A_97 = tpu.memref_slice %arg3[%add3A_65, %dma_wait3A_96] : memref<2560x128xi32, #tpu.memory_space<hbm>> -> memref<40x128xi32, #tpu.memory_space<hbm>>
      tpu.wait_dma2 semaphore(%run_scoped3A : memref<!tpu.dma_semaphore, #tpu.memory_space<semaphore_mem>>) src(%dma_wait3A_97 : memref<40x128xi32, #tpu.memory_space<hbm>>) dst(%arg6 : memref<40x128xi32, #tpu.memory_space<vmem>>)
      tpu.yield
    }) : () -> ()
    %add3A_66 = arith.constant 40 : i32
    %add3A_67 = arith.addi %mul3A_4, %add3A_66 : i32
    "tpu.region"() ({
      %run_scoped3A = tpu.sem_alloc : memref<!tpu.dma_semaphore, #tpu.memory_space<semaphore_mem>>
      %dma_start3A_91 = arith.constant 0 : i32
      %dma_start3A_92 = tpu.memref_slice %arg4[%add3A_67, %dma_start3A_91] : memref<2560x128xi32, #tpu.memory_space<hbm>> -> memref<40x128xi32, #tpu.memory_space<hbm>>
      %dma_start3A_93 = arith.constant 0 : i32
      %dma_start3A_94 = tpu.memref_slice %arg4[%add3A_67, %dma_start3A_93] : memref<2560x128xi32, #tpu.memory_space<hbm>> -> memref<40x128xi32, #tpu.memory_space<hbm>>
      tpu.enqueue_dma source(%dma_start3A_94 : memref<40x128xi32, #tpu.memory_space<hbm>>) target(%arg7 : memref<40x128xi32, #tpu.memory_space<vmem>>) target_semaphore(%run_scoped3A : memref<!tpu.dma_semaphore, #tpu.memory_space<semaphore_mem>>)
      %dma_wait3A = arith.constant 0 : i32
      %dma_wait3A_95 = tpu.memref_slice %arg4[%add3A_67, %dma_wait3A] : memref<2560x128xi32, #tpu.memory_space<hbm>> -> memref<40x128xi32, #tpu.memory_space<hbm>>
      %dma_wait3A_96 = arith.constant 0 : i32
      %dma_wait3A_97 = tpu.memref_slice %arg4[%add3A_67, %dma_wait3A_96] : memref<2560x128xi32, #tpu.memory_space<hbm>> -> memref<40x128xi32, #tpu.memory_space<hbm>>
      tpu.wait_dma2 semaphore(%run_scoped3A : memref<!tpu.dma_semaphore, #tpu.memory_space<semaphore_mem>>) src(%dma_wait3A_97 : memref<40x128xi32, #tpu.memory_space<hbm>>) dst(%arg7 : memref<40x128xi32, #tpu.memory_space<vmem>>)
      tpu.yield
    }) : () -> ()
    %dma_start3A_68 = arith.constant 0 : i32
    %dma_start3A_69 = arith.constant 0 : i32
    %dma_start3A_70 = tpu.memref_slice %arg6[%dma_start3A_68, %dma_start3A_69] : memref<40x128xi32, #tpu.memory_space<vmem>> -> memref<1x128xi32, #tpu.memory_space<vmem>>
    %dma_start3A_71 = tpu.memref_squeeze %dma_start3A_70 : memref<1x128xi32, #tpu.memory_space<vmem>> -> memref<128xi32, #tpu.memory_space<vmem>>
    %dma_start3A_72 = arith.constant 0 : i32
    %dma_start3A_73 = arith.constant 0 : i32
    %dma_start3A_74 = tpu.memref_slice %arg2[%dma_start3A_72, %dma_start3A_73] : memref<10000x128xf32, #tpu.memory_space<hbm>> -> memref<10000x128xf32, #tpu.memory_space<hbm>>
    tpu.enqueue_indirect_dma source(%dma_start3A_74 : memref<10000x128xf32, #tpu.memory_space<hbm>>) target(%arg8 : memref<128x128xf32, #tpu.memory_space<vmem>>) offsets(%dma_start3A_71 : memref<128xi32, #tpu.memory_space<vmem>>) semaphore(%arg12 : memref<!tpu.dma_semaphore, #tpu.memory_space<semaphore_mem>>)
    %dma_start3A_75 = arith.constant 1 : i32
    %dma_start3A_76 = arith.constant 0 : i32
    %dma_start3A_77 = tpu.memref_slice %arg6[%dma_start3A_75, %dma_start3A_76] : memref<40x128xi32, #tpu.memory_space<vmem>> -> memref<1x128xi32, #tpu.memory_space<vmem>>
    %dma_start3A_78 = tpu.memref_squeeze %dma_start3A_77 : memref<1x128xi32, #tpu.memory_space<vmem>> -> memref<128xi32, #tpu.memory_space<vmem>>
    %dma_start3A_79 = arith.constant 0 : i32
    %dma_start3A_80 = arith.constant 0 : i32
    %dma_start3A_81 = tpu.memref_slice %arg2[%dma_start3A_79, %dma_start3A_80] : memref<10000x128xf32, #tpu.memory_space<hbm>> -> memref<10000x128xf32, #tpu.memory_space<hbm>>
    tpu.enqueue_indirect_dma source(%dma_start3A_81 : memref<10000x128xf32, #tpu.memory_space<hbm>>) target(%arg9 : memref<128x128xf32, #tpu.memory_space<vmem>>) offsets(%dma_start3A_78 : memref<128xi32, #tpu.memory_space<vmem>>) semaphore(%arg13 : memref<!tpu.dma_semaphore, #tpu.memory_space<semaphore_mem>>)
    %scan3A_82 = arith.constant 0 : i32
    %scan3A_83 = arith.constant 20 : i32
    %scan3A_84 = arith.addi %scan3A_82, %scan3A_83 : i32
    %scan3A_85 = arith.constant 1 : i32
    scf.for %scan3A_91 = %scan3A_82 to %scan3A_84 step %scan3A_85  : i32 {
      %mul3A_92 = arith.constant 2 : i32
      %mul3A_93 = arith.muli %mul3A_92, %scan3A_91 : i32
      %dma_wait3A = arith.constant 0 : i32
      %dma_wait3A_94 = tpu.memref_slice %arg6[%mul3A_93, %dma_wait3A] : memref<40x128xi32, #tpu.memory_space<vmem>> -> memref<1x128xi32, #tpu.memory_space<vmem>>
      %dma_wait3A_95 = tpu.memref_squeeze %dma_wait3A_94 : memref<1x128xi32, #tpu.memory_space<vmem>> -> memref<128xi32, #tpu.memory_space<vmem>>
      %dma_wait3A_96 = arith.constant 0 : i32
      %dma_wait3A_97 = arith.constant 0 : i32
      %dma_wait3A_98 = tpu.memref_slice %arg2[%dma_wait3A_96, %dma_wait3A_97] : memref<10000x128xf32, #tpu.memory_space<hbm>> -> memref<10000x128xf32, #tpu.memory_space<hbm>>
      tpu.wait_indirect_dma semaphore(%arg12 : memref<!tpu.dma_semaphore, #tpu.memory_space<semaphore_mem>>) src(%dma_wait3A_98 : memref<10000x128xf32, #tpu.memory_space<hbm>>) dst(%arg8 : memref<128x128xf32, #tpu.memory_space<vmem>>)
      "tpu.region"() ({
        %run_scoped3A = tpu.sem_alloc : memref<!tpu.dma_semaphore, #tpu.memory_space<semaphore_mem>>
        %dma_start3A_116 = arith.constant 0 : i32
        %dma_start3A_117 = tpu.memref_slice %arg7[%mul3A_93, %dma_start3A_116] : memref<40x128xi32, #tpu.memory_space<vmem>> -> memref<1x128xi32, #tpu.memory_space<vmem>>
        %dma_start3A_118 = tpu.memref_squeeze %dma_start3A_117 : memref<1x128xi32, #tpu.memory_space<vmem>> -> memref<128xi32, #tpu.memory_space<vmem>>
        %dma_start3A_119 = arith.constant 0 : i32
        %dma_start3A_120 = arith.constant 0 : i32
        %dma_start3A_121 = tpu.memref_slice %arg11[%dma_start3A_119, %dma_start3A_120] : memref<10112x128xf32, #tpu.memory_space<vmem_shared>> -> memref<10112x128xf32, #tpu.memory_space<vmem_shared>>
        tpu.enqueue_indirect_dma source(%arg8 : memref<128x128xf32, #tpu.memory_space<vmem>>) target(%dma_start3A_121 : memref<10112x128xf32, #tpu.memory_space<vmem_shared>>) offsets(%dma_start3A_118 : memref<128xi32, #tpu.memory_space<vmem>>) semaphore(%run_scoped3A : memref<!tpu.dma_semaphore, #tpu.memory_space<semaphore_mem>>) {add = true}
        %dma_wait3A_122 = arith.constant 0 : i32
        %dma_wait3A_123 = tpu.memref_slice %arg7[%mul3A_93, %dma_wait3A_122] : memref<40x128xi32, #tpu.memory_space<vmem>> -> memref<1x128xi32, #tpu.memory_space<vmem>>
        %dma_wait3A_124 = tpu.memref_squeeze %dma_wait3A_123 : memref<1x128xi32, #tpu.memory_space<vmem>> -> memref<128xi32, #tpu.memory_space<vmem>>
        %dma_wait3A_125 = arith.constant 0 : i32
        %dma_wait3A_126 = arith.constant 0 : i32
        %dma_wait3A_127 = tpu.memref_slice %arg11[%dma_wait3A_125, %dma_wait3A_126] : memref<10112x128xf32, #tpu.memory_space<vmem_shared>> -> memref<10112x128xf32, #tpu.memory_space<vmem_shared>>
        tpu.wait_indirect_dma semaphore(%run_scoped3A : memref<!tpu.dma_semaphore, #tpu.memory_space<semaphore_mem>>) src(%arg8 : memref<128x128xf32, #tpu.memory_space<vmem>>) dst(%dma_wait3A_127 : memref<10112x128xf32, #tpu.memory_space<vmem_shared>>)
        tpu.yield
      }) : () -> ()
      %lt3A = arith.constant 19 : i32
      %lt3A_99 = arith.cmpi slt, %scan3A_91, %lt3A : i32
      %convert_element_type3A = arith.extui %lt3A_99 : i1 to i32
      %cond3A = arith.constant 0 : i32
      %cond3A_100 = arith.cmpi ne, %convert_element_type3A, %cond3A : i32
      scf.if %cond3A_100 {
        %add3A_116 = arith.constant 2 : i32
        %add3A_117 = arith.addi %mul3A_93, %add3A_116 : i32
        %dma_start3A_118 = arith.constant 0 : i32
        %dma_start3A_119 = tpu.memref_slice %arg6[%add3A_117, %dma_start3A_118] : memref<40x128xi32, #tpu.memory_space<vmem>> -> memref<1x128xi32, #tpu.memory_space<vmem>>
        %dma_start3A_120 = tpu.memref_squeeze %dma_start3A_119 : memref<1x128xi32, #tpu.memory_space<vmem>> -> memref<128xi32, #tpu.memory_space<vmem>>
        %dma_start3A_121 = arith.constant 0 : i32
        %dma_start3A_122 = arith.constant 0 : i32
        %dma_start3A_123 = tpu.memref_slice %arg2[%dma_start3A_121, %dma_start3A_122] : memref<10000x128xf32, #tpu.memory_space<hbm>> -> memref<10000x128xf32, #tpu.memory_space<hbm>>
        tpu.enqueue_indirect_dma source(%dma_start3A_123 : memref<10000x128xf32, #tpu.memory_space<hbm>>) target(%arg8 : memref<128x128xf32, #tpu.memory_space<vmem>>) offsets(%dma_start3A_120 : memref<128xi32, #tpu.memory_space<vmem>>) semaphore(%arg12 : memref<!tpu.dma_semaphore, #tpu.memory_space<semaphore_mem>>)
      } else {
      }
      %add3A_101 = arith.constant 1 : i32
      %add3A_102 = arith.addi %mul3A_93, %add3A_101 : i32
      %dma_wait3A_103 = arith.constant 0 : i32
      %dma_wait3A_104 = tpu.memref_slice %arg6[%add3A_102, %dma_wait3A_103] : memref<40x128xi32, #tpu.memory_space<vmem>> -> memref<1x128xi32, #tpu.memory_space<vmem>>
      %dma_wait3A_105 = tpu.memref_squeeze %dma_wait3A_104 : memref<1x128xi32, #tpu.memory_space<vmem>> -> memref<128xi32, #tpu.memory_space<vmem>>
      %dma_wait3A_106 = arith.constant 0 : i32
      %dma_wait3A_107 = arith.constant 0 : i32
      %dma_wait3A_108 = tpu.memref_slice %arg2[%dma_wait3A_106, %dma_wait3A_107] : memref<10000x128xf32, #tpu.memory_space<hbm>> -> memref<10000x128xf32, #tpu.memory_space<hbm>>
      tpu.wait_indirect_dma semaphore(%arg13 : memref<!tpu.dma_semaphore, #tpu.memory_space<semaphore_mem>>) src(%dma_wait3A_108 : memref<10000x128xf32, #tpu.memory_space<hbm>>) dst(%arg9 : memref<128x128xf32, #tpu.memory_space<vmem>>)
      %add3A_109 = arith.constant 1 : i32
      %add3A_110 = arith.addi %mul3A_93, %add3A_109 : i32
      "tpu.region"() ({
        %run_scoped3A = tpu.sem_alloc : memref<!tpu.dma_semaphore, #tpu.memory_space<semaphore_mem>>
        %dma_start3A_116 = arith.constant 0 : i32
        %dma_start3A_117 = tpu.memref_slice %arg7[%add3A_110, %dma_start3A_116] : memref<40x128xi32, #tpu.memory_space<vmem>> -> memref<1x128xi32, #tpu.memory_space<vmem>>
        %dma_start3A_118 = tpu.memref_squeeze %dma_start3A_117 : memref<1x128xi32, #tpu.memory_space<vmem>> -> memref<128xi32, #tpu.memory_space<vmem>>
        %dma_start3A_119 = arith.constant 0 : i32
        %dma_start3A_120 = arith.constant 0 : i32
        %dma_start3A_121 = tpu.memref_slice %arg11[%dma_start3A_119, %dma_start3A_120] : memref<10112x128xf32, #tpu.memory_space<vmem_shared>> -> memref<10112x128xf32, #tpu.memory_space<vmem_shared>>
        tpu.enqueue_indirect_dma source(%arg9 : memref<128x128xf32, #tpu.memory_space<vmem>>) target(%dma_start3A_121 : memref<10112x128xf32, #tpu.memory_space<vmem_shared>>) offsets(%dma_start3A_118 : memref<128xi32, #tpu.memory_space<vmem>>) semaphore(%run_scoped3A : memref<!tpu.dma_semaphore, #tpu.memory_space<semaphore_mem>>) {add = true}
        %dma_wait3A_122 = arith.constant 0 : i32
        %dma_wait3A_123 = tpu.memref_slice %arg7[%add3A_110, %dma_wait3A_122] : memref<40x128xi32, #tpu.memory_space<vmem>> -> memref<1x128xi32, #tpu.memory_space<vmem>>
        %dma_wait3A_124 = tpu.memref_squeeze %dma_wait3A_123 : memref<1x128xi32, #tpu.memory_space<vmem>> -> memref<128xi32, #tpu.memory_space<vmem>>
        %dma_wait3A_125 = arith.constant 0 : i32
        %dma_wait3A_126 = arith.constant 0 : i32
        %dma_wait3A_127 = tpu.memref_slice %arg11[%dma_wait3A_125, %dma_wait3A_126] : memref<10112x128xf32, #tpu.memory_space<vmem_shared>> -> memref<10112x128xf32, #tpu.memory_space<vmem_shared>>
        tpu.wait_indirect_dma semaphore(%run_scoped3A : memref<!tpu.dma_semaphore, #tpu.memory_space<semaphore_mem>>) src(%arg9 : memref<128x128xf32, #tpu.memory_space<vmem>>) dst(%dma_wait3A_127 : memref<10112x128xf32, #tpu.memory_space<vmem_shared>>)
        tpu.yield
      }) : () -> ()
      %lt3A_111 = arith.constant 19 : i32
      %lt3A_112 = arith.cmpi slt, %scan3A_91, %lt3A_111 : i32
      %convert_element_type3A_113 = arith.extui %lt3A_112 : i1 to i32
      %cond3A_114 = arith.constant 0 : i32
      %cond3A_115 = arith.cmpi ne, %convert_element_type3A_113, %cond3A_114 : i32
      scf.if %cond3A_115 {
        %add3A_116 = arith.constant 3 : i32
        %add3A_117 = arith.addi %mul3A_93, %add3A_116 : i32
        %dma_start3A_118 = arith.constant 0 : i32
        %dma_start3A_119 = tpu.memref_slice %arg6[%add3A_117, %dma_start3A_118] : memref<40x128xi32, #tpu.memory_space<vmem>> -> memref<1x128xi32, #tpu.memory_space<vmem>>
        %dma_start3A_120 = tpu.memref_squeeze %dma_start3A_119 : memref<1x128xi32, #tpu.memory_space<vmem>> -> memref<128xi32, #tpu.memory_space<vmem>>
        %dma_start3A_121 = arith.constant 0 : i32
        %dma_start3A_122 = arith.constant 0 : i32
        %dma_start3A_123 = tpu.memref_slice %arg2[%dma_start3A_121, %dma_start3A_122] : memref<10000x128xf32, #tpu.memory_space<hbm>> -> memref<10000x128xf32, #tpu.memory_space<hbm>>
        tpu.enqueue_indirect_dma source(%dma_start3A_123 : memref<10000x128xf32, #tpu.memory_space<hbm>>) target(%arg9 : memref<128x128xf32, #tpu.memory_space<vmem>>) offsets(%dma_start3A_120 : memref<128xi32, #tpu.memory_space<vmem>>) semaphore(%arg13 : memref<!tpu.dma_semaphore, #tpu.memory_space<semaphore_mem>>)
      } else {
      }
    }
    %scan3A_86 = arith.constant 20 : i32
    %barrier3A_87 = arith.constant 0 : index
    tpu.barrier barrier_id(%barrier3A_87)
    %mul3A_88 = arith.constant 10112 : i32
    %mul3A_89 = arith.muli %arg0, %mul3A_88 : i32
    %add3A_90 = arith.addi %mul3A_89, %mul3A_2 : i32
    "tpu.region"() ({
      %run_scoped3A = tpu.sem_alloc : memref<!tpu.dma_semaphore, #tpu.memory_space<semaphore_mem>>
      %dma_start3A_91 = arith.constant 0 : i32
      %dma_start3A_92 = tpu.memref_slice %arg5[%add3A_90, %dma_start3A_91] : memref<20224x128xf32, #tpu.memory_space<hbm>> -> memref<632x128xf32, #tpu.memory_space<hbm>>
      %dma_start3A_93 = arith.constant 0 : i32
      %dma_start3A_94 = tpu.memref_slice %arg11[%mul3A_2, %dma_start3A_93] : memref<10112x128xf32, #tpu.memory_space<vmem_shared>> -> memref<632x128xf32, #tpu.memory_space<vmem_shared>>
      tpu.enqueue_dma source(%dma_start3A_94 : memref<632x128xf32, #tpu.memory_space<vmem_shared>>) target(%dma_start3A_92 : memref<632x128xf32, #tpu.memory_space<hbm>>) target_semaphore(%run_scoped3A : memref<!tpu.dma_semaphore, #tpu.memory_space<semaphore_mem>>)
      %dma_wait3A = arith.constant 0 : i32
      %dma_wait3A_95 = tpu.memref_slice %arg5[%add3A_90, %dma_wait3A] : memref<20224x128xf32, #tpu.memory_space<hbm>> -> memref<632x128xf32, #tpu.memory_space<hbm>>
      %dma_wait3A_96 = arith.constant 0 : i32
      %dma_wait3A_97 = tpu.memref_slice %arg11[%mul3A_2, %dma_wait3A_96] : memref<10112x128xf32, #tpu.memory_space<vmem_shared>> -> memref<632x128xf32, #tpu.memory_space<vmem_shared>>
      tpu.wait_dma2 semaphore(%run_scoped3A : memref<!tpu.dma_semaphore, #tpu.memory_space<semaphore_mem>>) src(%dma_wait3A_97 : memref<632x128xf32, #tpu.memory_space<vmem_shared>>) dst(%dma_wait3A_95 : memref<632x128xf32, #tpu.memory_space<hbm>>)
      tpu.yield
    }) : () -> ()
    return
  }
}

module attributes {stable_mosaic.version = 14 : i64} {
  func.func @_mlp_body(%arg0: i32, %arg1: memref<5000x128xf32, #tpu.memory_space<vmem>>, %arg2: memref<1x5000x128xf32, #tpu.memory_space<vmem>>, %arg3: memref<1x5000x128xf32, #tpu.memory_space<vmem>>, %arg4: memref<128x128xf32, #tpu.memory_space<vmem>>, %arg5: memref<1x128xf32, #tpu.memory_space<vmem>>, %arg6: memref<128x128xf32, #tpu.memory_space<vmem>>, %arg7: memref<1x128xf32, #tpu.memory_space<vmem>>, %arg8: memref<5000x128xf32, #tpu.memory_space<vmem>>) attributes {dimension_semantics = [#tpu.dimension_semantics<arbitrary>], iteration_bounds = array<i64: 2>, scalar_prefetch = 0 : i64, scratch_operands = 0 : i64, tpu.core_type = #tpu.core_type<tc>, window_params = [{transform_indices = @transform_0, window_bounds = array<i64: 5000, 128>}, {transform_indices = @transform_1, window_bounds = array<i64: 1, 5000, 128>}, {transform_indices = @transform_2, window_bounds = array<i64: 1, 5000, 128>}, {pipeline_mode = #tpu.pipeline_mode<synchronous>, transform_indices = @transform_3, window_bounds = array<i64: 128, 128>}, {pipeline_mode = #tpu.pipeline_mode<synchronous>, transform_indices = @transform_4, window_bounds = array<i64: 1, 128>}, {pipeline_mode = #tpu.pipeline_mode<synchronous>, transform_indices = @transform_5, window_bounds = array<i64: 128, 128>}, {pipeline_mode = #tpu.pipeline_mode<synchronous>, transform_indices = @transform_6, window_bounds = array<i64: 1, 128>}, {transform_indices = @transform_7, window_bounds = array<i64: 5000, 128>}]} {
    %get3A = arith.constant 0 : index
    %get3A_0 = arith.constant 0 : index
    %get3A_1 = vector.load %arg1[%get3A, %get3A_0] : memref<5000x128xf32, #tpu.memory_space<vmem>>, vector<5000x128xf32>
    %get3A_2 = arith.constant 0 : index
    %get3A_3 = arith.constant 0 : index
    %get3A_4 = arith.constant 0 : index
    %get3A_5 = vector.load %arg2[%get3A_2, %get3A_3, %get3A_4] : memref<1x5000x128xf32, #tpu.memory_space<vmem>>, vector<1x5000x128xf32>
    %get3A_6 = vector.shape_cast %get3A_5 : vector<1x5000x128xf32> to vector<5000x128xf32>
    %add3A = arith.addf %get3A_1, %get3A_6 : vector<5000x128xf32>
    %get3A_7 = arith.constant 0 : index
    %get3A_8 = arith.constant 0 : index
    %get3A_9 = arith.constant 0 : index
    %get3A_10 = vector.load %arg3[%get3A_7, %get3A_8, %get3A_9] : memref<1x5000x128xf32, #tpu.memory_space<vmem>>, vector<1x5000x128xf32>
    %get3A_11 = vector.shape_cast %get3A_10 : vector<1x5000x128xf32> to vector<5000x128xf32>
    %add3A_12 = arith.addf %add3A, %get3A_11 : vector<5000x128xf32>
    %get3A_13 = arith.constant 0 : index
    %get3A_14 = arith.constant 0 : index
    %get3A_15 = vector.load %arg4[%get3A_13, %get3A_14] : memref<128x128xf32, #tpu.memory_space<vmem>>, vector<128x128xf32>
    %dot_general3A = arith.constant dense<0.000000e+00> : vector<5000x128xf32>
    %dot_general3A_16 = tpu.matmul %add3A_12, %get3A_15, %dot_general3A {dimension_numbers = #tpu.dot_dimension_numbers<[1], [0], [0], [1], [0, 0, 1, 1], [], []>, transpose_lhs_hint = false} : vector<5000x128xf32>, vector<128x128xf32>, vector<5000x128xf32> -> vector<5000x128xf32>
    %get3A_17 = arith.constant 0 : index
    %get3A_18 = arith.constant 0 : index
    %get3A_19 = vector.load %arg5[%get3A_17, %get3A_18] : memref<1x128xf32, #tpu.memory_space<vmem>>, vector<1x128xf32>
    %add3A_20 = vector.broadcast %get3A_19 : vector<1x128xf32> to vector<5000x128xf32>
    %add3A_21 = arith.addf %dot_general3A_16, %add3A_20 : vector<5000x128xf32>
    %max3A = arith.constant 0.000000e+00 : f32
    %max3A_22 = vector.broadcast %max3A : f32 to vector<5000x128xf32>
    %max3A_23 = arith.maximumf %add3A_21, %max3A_22 : vector<5000x128xf32>
    %get3A_24 = arith.constant 0 : index
    %get3A_25 = arith.constant 0 : index
    %get3A_26 = vector.load %arg6[%get3A_24, %get3A_25] : memref<128x128xf32, #tpu.memory_space<vmem>>, vector<128x128xf32>
    %dot_general3A_27 = arith.constant dense<0.000000e+00> : vector<5000x128xf32>
    %dot_general3A_28 = tpu.matmul %max3A_23, %get3A_26, %dot_general3A_27 {dimension_numbers = #tpu.dot_dimension_numbers<[1], [0], [0], [1], [0, 0, 1, 1], [], []>, transpose_lhs_hint = false} : vector<5000x128xf32>, vector<128x128xf32>, vector<5000x128xf32> -> vector<5000x128xf32>
    %get3A_29 = arith.constant 0 : index
    %get3A_30 = arith.constant 0 : index
    %get3A_31 = vector.load %arg7[%get3A_29, %get3A_30] : memref<1x128xf32, #tpu.memory_space<vmem>>, vector<1x128xf32>
    %add3A_32 = vector.broadcast %get3A_31 : vector<1x128xf32> to vector<5000x128xf32>
    %add3A_33 = arith.addf %dot_general3A_28, %add3A_32 : vector<5000x128xf32>
    %swap3A = arith.constant 0 : index
    %swap3A_34 = arith.constant 0 : index
    %swap3A_35 = vector.load %arg8[%swap3A, %swap3A_34] : memref<5000x128xf32, #tpu.memory_space<vmem>>, vector<5000x128xf32>
    tpu.vector_store %arg8[%swap3A, %swap3A_34], %add3A_33 {strides = array<i32>} : memref<5000x128xf32, #tpu.memory_space<vmem>>, vector<5000x128xf32>,
    return
  }
  func.func @transform_0(%arg0: i32) -> (i32, i32) {
    %c0_i32 = arith.constant 0 : i32
    %c0_i32_0 = arith.constant 0 : i32
    return %arg0, %c0_i32 : i32, i32
  }
  func.func @transform_1(%arg0: i32) -> (i32, i32, i32) {
    %c0_i32 = arith.constant 0 : i32
    %c0_i32_0 = arith.constant 0 : i32
    %c0_i32_1 = arith.constant 0 : i32
    return %c0_i32, %arg0, %c0_i32_0 : i32, i32, i32
  }
  func.func @transform_2(%arg0: i32) -> (i32, i32, i32) {
    %c1_i32 = arith.constant 1 : i32
    %c0_i32 = arith.constant 0 : i32
    %c0_i32_0 = arith.constant 0 : i32
    return %c1_i32, %arg0, %c0_i32 : i32, i32, i32
  }
  func.func @transform_3(%arg0: i32) -> (i32, i32) {
    %c0_i32 = arith.constant 0 : i32
    %c0_i32_0 = arith.constant 0 : i32
    %c0_i32_1 = arith.constant 0 : i32
    return %c0_i32, %c0_i32_0 : i32, i32
  }
  func.func @transform_4(%arg0: i32) -> (i32, i32) {
    %c0_i32 = arith.constant 0 : i32
    %c0_i32_0 = arith.constant 0 : i32
    %c0_i32_1 = arith.constant 0 : i32
    return %c0_i32, %c0_i32_0 : i32, i32
  }
  func.func @transform_5(%arg0: i32) -> (i32, i32) {
    %c0_i32 = arith.constant 0 : i32
    %c0_i32_0 = arith.constant 0 : i32
    %c0_i32_1 = arith.constant 0 : i32
    return %c0_i32, %c0_i32_0 : i32, i32
  }
  func.func @transform_6(%arg0: i32) -> (i32, i32) {
    %c0_i32 = arith.constant 0 : i32
    %c0_i32_0 = arith.constant 0 : i32
    %c0_i32_1 = arith.constant 0 : i32
    return %c0_i32, %c0_i32_0 : i32, i32
  }
  func.func @transform_7(%arg0: i32) -> (i32, i32) {
    %c0_i32 = arith.constant 0 : i32
    %c0_i32_0 = arith.constant 0 : i32
    return %arg0, %c0_i32 : i32, i32
  }
}

module attributes {stable_mosaic.version = 14 : i64} {
  func.func @_mlp_body(%arg0: i32, %arg1: memref<5000x128xf32, #tpu.memory_space<vmem>>, %arg2: memref<1x5000x128xf32, #tpu.memory_space<vmem>>, %arg3: memref<1x5000x128xf32, #tpu.memory_space<vmem>>, %arg4: memref<128x128xf32, #tpu.memory_space<vmem>>, %arg5: memref<1x128xf32, #tpu.memory_space<vmem>>, %arg6: memref<128x128xf32, #tpu.memory_space<vmem>>, %arg7: memref<1x128xf32, #tpu.memory_space<vmem>>, %arg8: memref<5000x128xf32, #tpu.memory_space<vmem>>) attributes {dimension_semantics = [#tpu.dimension_semantics<arbitrary>], iteration_bounds = array<i64: 2>, scalar_prefetch = 0 : i64, scratch_operands = 0 : i64, tpu.core_type = #tpu.core_type<tc>, window_params = [{transform_indices = @transform_0, window_bounds = array<i64: 5000, 128>}, {transform_indices = @transform_1, window_bounds = array<i64: 1, 5000, 128>}, {transform_indices = @transform_2, window_bounds = array<i64: 1, 5000, 128>}, {pipeline_mode = #tpu.pipeline_mode<synchronous>, transform_indices = @transform_3, window_bounds = array<i64: 128, 128>}, {pipeline_mode = #tpu.pipeline_mode<synchronous>, transform_indices = @transform_4, window_bounds = array<i64: 1, 128>}, {pipeline_mode = #tpu.pipeline_mode<synchronous>, transform_indices = @transform_5, window_bounds = array<i64: 128, 128>}, {pipeline_mode = #tpu.pipeline_mode<synchronous>, transform_indices = @transform_6, window_bounds = array<i64: 1, 128>}, {transform_indices = @transform_7, window_bounds = array<i64: 5000, 128>}]} {
    %get3A = arith.constant 0 : index
    %get3A_0 = arith.constant 0 : index
    %get3A_1 = vector.load %arg1[%get3A, %get3A_0] : memref<5000x128xf32, #tpu.memory_space<vmem>>, vector<5000x128xf32>
    %get3A_2 = arith.constant 0 : index
    %get3A_3 = arith.constant 0 : index
    %get3A_4 = arith.constant 0 : index
    %get3A_5 = vector.load %arg2[%get3A_2, %get3A_3, %get3A_4] : memref<1x5000x128xf32, #tpu.memory_space<vmem>>, vector<1x5000x128xf32>
    %get3A_6 = vector.shape_cast %get3A_5 : vector<1x5000x128xf32> to vector<5000x128xf32>
    %add3A = arith.addf %get3A_1, %get3A_6 : vector<5000x128xf32>
    %get3A_7 = arith.constant 0 : index
    %get3A_8 = arith.constant 0 : index
    %get3A_9 = arith.constant 0 : index
    %get3A_10 = vector.load %arg3[%get3A_7, %get3A_8, %get3A_9] : memref<1x5000x128xf32, #tpu.memory_space<vmem>>, vector<1x5000x128xf32>
    %get3A_11 = vector.shape_cast %get3A_10 : vector<1x5000x128xf32> to vector<5000x128xf32>
    %add3A_12 = arith.addf %add3A, %get3A_11 : vector<5000x128xf32>
    %get3A_13 = arith.constant 0 : index
    %get3A_14 = arith.constant 0 : index
    %get3A_15 = vector.load %arg4[%get3A_13, %get3A_14] : memref<128x128xf32, #tpu.memory_space<vmem>>, vector<128x128xf32>
    %dot_general3A = arith.constant dense<0.000000e+00> : vector<5000x128xf32>
    %dot_general3A_16 = tpu.matmul %add3A_12, %get3A_15, %dot_general3A {dimension_numbers = #tpu.dot_dimension_numbers<[1], [0], [0], [1], [0, 0, 1, 1], [], []>, transpose_lhs_hint = false} : vector<5000x128xf32>, vector<128x128xf32>, vector<5000x128xf32> -> vector<5000x128xf32>
    %get3A_17 = arith.constant 0 : index
    %get3A_18 = arith.constant 0 : index
    %get3A_19 = vector.load %arg5[%get3A_17, %get3A_18] : memref<1x128xf32, #tpu.memory_space<vmem>>, vector<1x128xf32>
    %add3A_20 = vector.broadcast %get3A_19 : vector<1x128xf32> to vector<5000x128xf32>
    %add3A_21 = arith.addf %dot_general3A_16, %add3A_20 : vector<5000x128xf32>
    %max3A = arith.constant 0.000000e+00 : f32
    %max3A_22 = vector.broadcast %max3A : f32 to vector<5000x128xf32>
    %max3A_23 = arith.maximumf %add3A_21, %max3A_22 : vector<5000x128xf32>
    %get3A_24 = arith.constant 0 : index
    %get3A_25 = arith.constant 0 : index
    %get3A_26 = vector.load %arg6[%get3A_24, %get3A_25] : memref<128x128xf32, #tpu.memory_space<vmem>>, vector<128x128xf32>
    %dot_general3A_27 = arith.constant dense<0.000000e+00> : vector<5000x128xf32>
    %dot_general3A_28 = tpu.matmul %max3A_23, %get3A_26, %dot_general3A_27 {dimension_numbers = #tpu.dot_dimension_numbers<[1], [0], [0], [1], [0, 0, 1, 1], [], []>, transpose_lhs_hint = false} : vector<5000x128xf32>, vector<128x128xf32>, vector<5000x128xf32> -> vector<5000x128xf32>
    %get3A_29 = arith.constant 0 : index
    %get3A_30 = arith.constant 0 : index
    %get3A_31 = vector.load %arg7[%get3A_29, %get3A_30] : memref<1x128xf32, #tpu.memory_space<vmem>>, vector<1x128xf32>
    %add3A_32 = vector.broadcast %get3A_31 : vector<1x128xf32> to vector<5000x128xf32>
    %add3A_33 = arith.addf %dot_general3A_28, %add3A_32 : vector<5000x128xf32>
    %swap3A = arith.constant 0 : index
    %swap3A_34 = arith.constant 0 : index
    %swap3A_35 = vector.load %arg8[%swap3A, %swap3A_34] : memref<5000x128xf32, #tpu.memory_space<vmem>>, vector<5000x128xf32>
    tpu.vector_store %arg8[%swap3A, %swap3A_34], %add3A_33 {strides = array<i32>} : memref<5000x128xf32, #tpu.memory_space<vmem>>, vector<5000x128xf32>,
    return
  }
  func.func @transform_0(%arg0: i32) -> (i32, i32) {
    %c0_i32 = arith.constant 0 : i32
    %c0_i32_0 = arith.constant 0 : i32
    return %arg0, %c0_i32 : i32, i32
  }
  func.func @transform_1(%arg0: i32) -> (i32, i32, i32) {
    %c0_i32 = arith.constant 0 : i32
    %c0_i32_0 = arith.constant 0 : i32
    %c0_i32_1 = arith.constant 0 : i32
    return %c0_i32, %arg0, %c0_i32_0 : i32, i32, i32
  }
  func.func @transform_2(%arg0: i32) -> (i32, i32, i32) {
    %c1_i32 = arith.constant 1 : i32
    %c0_i32 = arith.constant 0 : i32
    %c0_i32_0 = arith.constant 0 : i32
    return %c1_i32, %arg0, %c0_i32 : i32, i32, i32
  }
  func.func @transform_3(%arg0: i32) -> (i32, i32) {
    %c0_i32 = arith.constant 0 : i32
    %c0_i32_0 = arith.constant 0 : i32
    %c0_i32_1 = arith.constant 0 : i32
    return %c0_i32, %c0_i32_0 : i32, i32
  }
  func.func @transform_4(%arg0: i32) -> (i32, i32) {
    %c0_i32 = arith.constant 0 : i32
    %c0_i32_0 = arith.constant 0 : i32
    %c0_i32_1 = arith.constant 0 : i32
    return %c0_i32, %c0_i32_0 : i32, i32
  }
  func.func @transform_5(%arg0: i32) -> (i32, i32) {
    %c0_i32 = arith.constant 0 : i32
    %c0_i32_0 = arith.constant 0 : i32
    %c0_i32_1 = arith.constant 0 : i32
    return %c0_i32, %c0_i32_0 : i32, i32
  }
  func.func @transform_6(%arg0: i32) -> (i32, i32) {
    %c0_i32 = arith.constant 0 : i32
    %c0_i32_0 = arith.constant 0 : i32
    %c0_i32_1 = arith.constant 0 : i32
    return %c0_i32, %c0_i32_0 : i32, i32
  }
  func.func @transform_7(%arg0: i32) -> (i32, i32) {
    %c0_i32 = arith.constant 0 : i32
    %c0_i32_0 = arith.constant 0 : i32
    return %arg0, %c0_i32 : i32, i32
  }
}

</mosaic_0001>

<sc_bundles>
// kernel: kernel.11.cloned.1.call-start
scs
__scs_entry_jumppad:
0x0: {  	(pc) =	sbr.rel $0x88, $3  }
0x1: {  	(tag) =	ssettag $0x0;
	lr =	simm.s32 $0x1  }
0x2: {  	[smem:$0x3F93] =	sst lr;
	_ =	strace $0xD0000000  }
0x3: {  	_ = 	snop  }
0x4: {  	_ = 	snop  }
0x5: {  	_ = 	snop  }
0x6: {  	_ = 	snop  }
0x7: {  	_ = 	snop  }
__scs_overlays_trampoline_lowered:
0x8: {  	[smem:$0x3FA2] =	sst s0  }
0x9: {  	[smem:$0x3FA3] =	sst s1  }
0xa: {  	[smem:$0x3FA4] =	sst s2  }
0xb: {  	[smem:$0x3FA5] =	sst s3  }
0xc: {  	[smem:$0x3FA6] =	sst s4  }
0xd: {  	[smem:$0x3FA7] =	sst s5  }
0xe: {  	[smem:$0x3FA8] =	sst s6  }
0xf: {  	[smem:$0x3FA9] =	sst s7  }
0x10: {  	[smem:$0x3FAA] =	sst s8  }
0x11: {  	[smem:$0x3FAB] =	sst s9;
	s0 =	simm.s32 @!p0 $0x0  }
0x12: {  	s1 =	sld [smem:$0x3F91];
	s0 =	simm.s32 @p0 $0x1  }
0x13: {  	[smem:$0x3FAC] =	sst s0;
	s0 =	simm.s32 @!p1 $0x0  }
0x14: {  	s2 =	sld [smem:$0x3F90];
	s0 =	simm.s32 @p1 $0x1  }
0x15: {  	[smem:$0x3FAD] =	sst s0;
	s0 =	simm.s32 @!p2 $0x0  }
0x16: {  	s3 =	sld [smem:$0x3FDB];
	s0 =	simm.s32 @p2 $0x1  }
0x17: {  	s4 =	simm.s32 $0x1BF5;
	[smem:$0x3FAF] =	sst s0  }
0x18: {  	s0 =	sld [smem:$0x3F92];
	_ =	swait.ge [sflag:s4], $0x0  }
0x19: {  	s7 =	sld [smem:$0x3F93]  }
0x1a: {  	s8 =	sadd.s32 $0xFFFFE003, lr  }
0x1b: {  	s9 =	sadd.s32 $0xFFFFFEF7, lr;
	s5 =	simm.s32 $0xFFFFFFFF;
	p2 =	slt.u32 s8, $0xFFFFF086  }
0x1c: {  	p1 =	slt.u32 s9, $0xF7A;
	s5 =	simm.s32 @!p2 $0x0  }
0x1d: {  	s5 =	simm.s32 @p1 $0x1;
	p0 =	seq.s32 s7, s2  }
0x1e: {  	s7 =	smul.u32 @!p0 $0xF7A, s2;
	p2 =	seq.s32 @!p0 s5, $0x0  }
0x1f: {  	s9 =	smul.u32 $0xF7A, s1;
	s8 =	simm.s32 @!p0 $0x1BF5;
	p2 =	por !p2, p0  }
0x20: {  	[sflag:s8] =	ssyncset.s32 @!p0 $0xFFFFF086;
	s6 =	sadd.s32 @!p0 s3, s7;
	s7 =	simm.s32 @!p0 $0x108  }
0x21: {  	s3 =	sadd.s32 s3, s9;
	s6 =	sadd.s32 @!p0 $0x88, s6;
	s7 =	simm.s32 @p2 $0x1082  }
0x22: {  	[simem:s7], [sflag:s8] =	dma.local @!p0 [hbm:s6], $0xF7A  }
0x23: {  	s9 =	sor.u32 $0xD0000000, s2;
	s6 =	simm.s32 $0x108;
	_ =	swait.ge @!p0 [sflag:s8], $0x0  }
0x24: {  	s3 =	sadd.s32 $0x88, s3;
	s6 =	simm.s32 @!p1 $0x1082;
	[sflag:s4] =	ssyncset.s32 $0xFFFFF086  }
0x25: {  	[simem:s6], [sflag:s4] =	dma.local [hbm:s3], $0xF7A  }
0x26: {  	[smem:$0x3F93] =	sst s1;
	(tag) =	ssettag s2;
	_ =	strace s9  }
0x27: {  	s1 =	sld [smem:$0x3FA3]  }
0x28: {  	s2 =	sld [smem:$0x3FA4]  }
0x29: {  	s4 =	sld [smem:$0x3FA6]  }
0x2a: {  	p0 =	seq.s32 s5, $0x0;
	s5 =	sld [smem:$0x3FA7]  }
0x2b: {  	s6 =	sld [smem:$0x3FA8]  }
0x2c: {  	s7 =	sld [smem:$0x3FA9]  }
0x2d: {  	s3 =	simm.s32 $0x108;
	s8 =	sld [smem:$0x3FAA]  }
0x2e: {  	s3 =	simm.s32 @!p0 $0x1082;
	s9 =	sld [smem:$0x3FAB]  }
0x2f: {  	lr =	sadd.s32 s0, s3;
	s0 =	sld [smem:$0x3FA2]  }
0x30: {  	s3 =	sld [smem:$0x3FA5]  }
0x31: {  	[smem:$0x3FAE] =	sst s10  }
0x32: {  	s10 =	sld [smem:$0x3FAC];
	_ =	sdelay $0x3  }
0x33: {  	p0 =	seq.s32 s10, $0x1;
	s10 =	sld [smem:$0x3FAE];
	_ =	sdelay $0x3  }
0x34: {  	[smem:$0x3FAE] =	sst s10  }
0x35: {  	s10 =	sld [smem:$0x3FAD];
	_ =	sdelay $0x3  }
0x36: {  	p1 =	seq.s32 s10, $0x1;
	s10 =	sld [smem:$0x3FAE];
	_ =	sdelay $0x3  }
0x37: {  	[smem:$0x3FAE] =	sst s10  }
0x38: {  	s10 =	sld [smem:$0x3FAF]  }
0x39: {  	_ = 	snop;
	(pc) =	sbr.ind lr, $3  }
0x3a: {  	_ = 	snop  }
0x3b: {  	_ = 	snop  }
0x3c: {  	p2 =	seq.s32 s10, $0x1;
	s10 =	sld [smem:$0x3FAE]  }
0x3d: {  	_ =	shalt  }
0x3e: {  	_ =	shalt  }
0x3f: {  	_ =	shalt  }
0x40: {  	_ =	shalt  }
0x41: {  	_ =	shalt  }
0x42: {  	_ =	shalt  }
0x43: {  	_ =	shalt  }
0x44: {  	_ =	shalt  }
0x45: {  	_ =	shalt  }
0x46: {  	_ =	shalt  }
0x47: {  	_ =	shalt  }
0x48: {  	_ =	shalt  }
0x49: {  	_ =	shalt  }
0x4a: {  	_ =	shalt  }
0x4b: {  	_ =	shalt  }
0x4c: {  	_ =	shalt  }
0x4d: {  	_ =	shalt  }
0x4e: {  	_ =	shalt  }
0x4f: {  	_ =	shalt  }
0x50: {  	_ =	shalt  }
0x51: {  	_ =	shalt  }
0x52: {  	_ =	shalt  }
0x53: {  	_ =	shalt  }
0x54: {  	_ =	shalt  }
0x55: {  	_ =	shalt  }
0x56: {  	_ =	shalt  }
0x57: {  	_ =	shalt  }
0x58: {  	_ =	shalt  }
0x59: {  	_ =	shalt  }
0x5a: {  	_ =	shalt  }
0x5b: {  	_ =	shalt  }
0x5c: {  	_ =	shalt  }
0x5d: {  	_ =	shalt  }
0x5e: {  	_ =	shalt  }
0x5f: {  	_ =	shalt  }
0x60: {  	_ =	shalt  }
0x61: {  	_ =	shalt  }
0x62: {  	_ =	shalt  }
0x63: {  	_ =	shalt  }
0x64: {  	_ =	shalt  }
0x65: {  	_ =	shalt  }
0x66: {  	_ =	shalt  }
0x67: {  	_ =	shalt  }
0x68: {  	_ =	shalt  }
0x69: {  	_ =	shalt  }
0x6a: {  	_ =	shalt  }
0x6b: {  	_ =	shalt  }
0x6c: {  	_ =	shalt  }
0x6d: {  	_ =	shalt  }
0x6e: {  	_ =	shalt  }
0x6f: {  	_ =	shalt  }
0x70: {  	_ =	shalt  }
0x71: {  	_ =	shalt  }
0x72: {  	_ =	shalt  }
0x73: {  	_ =	shalt  }
0x74: {  	_ =	shalt  }
0x75: {  	_ =	shalt  }
0x76: {  	_ =	shalt  }
0x77: {  	_ =	shalt  }
0x78: {  	_ =	shalt  }
0x79: {  	_ =	shalt  }
0x7a: {  	_ =	shalt  }
0x7b: {  	_ =	shalt  }
0x7c: {  	_ =	shalt  }
0x7d: {  	_ =	shalt  }
0x7e: {  	_ =	shalt  }
0x7f: {  	_ =	shalt  }
0x80: {  	_ =	shalt  }
0x81: {  	_ =	shalt  }
0x82: {  	_ =	shalt  }
0x83: {  	_ =	shalt  }
0x84: {  	_ =	shalt  }
0x85: {  	_ =	shalt  }
0x86: {  	_ =	shalt  }
0x87: {  	_ =	shalt  }
.Lfunc_end0:
.L_simem_size_0:
called_computation.1_lowered:
.L_overlay_start_0:
0x88: {  	s2 =	sld [smem:$0x3FD9]  }
0x89: {  	s3 =	sld [smem:$0x3FFE];
	_ =	sdelay $0x1  }
0x8a: {  	s1 =	srdreg.scid  }
0x8b: {  	s0 =	sand.u32 $0x1, s1  }
0x8c: {  	s17 =	sshll.u32 s0, $0xA;
	s2 =	sadd.s32 s3, s2  }
0x8d: {  	s2 =	sadd.s32 s2, s17  }
0x8e: {  	[smem:$0x3FBA] =	sst s2  }
0x8f: {  	_ = 	snop  }
0x90: {  	s2 =	sld [smem:$0x3FD0];
	(tm) =	ssettm $0x1  }
0x91: {  	s18 =	sld [smem:$0x3FFB];
	_ =	sdelay $0x3  }
0x92: {  	_ =	strace s18  }
0x93: {  	s3 =	sld [smem:$0x3FFC];
	_ =	sdelay $0x3  }
0x94: {  	_ =	strace s3  }
0x95: {  	s3 =	sld [smem:$0x3FFD];
	_ =	sdelay $0x3  }
0x96: {  	_ =	strace s3  }
0x97: {  	_ =	strace $0x8FFFFFFF  }
0x98: {  	s19 =	sld [smem:$0x3FDB];
	_ =	sdelay $0x1  }
0x99: {  	s4 =	simm.s32 $_scs_section_size  }
0x9a: {  	s5 =	simm.s32 $_size__tile_overlayer_lowered;
	s6 =	simm.s32 $_tile_overlayer_lowered  }
0x9b: {  	s22 =	simm.s32 $0x1BFF;
	s21 =	sshll.u32 s6, $0x1;
	s3 =	sadd.s32 s4, s19  }
0x9c: {  	s7 =	simm.s32 $0x0;
	s20 =	sshll.u32 s5, $0x1;
	s5 =	sadd.s32 s21, s3  }
0x9d: {  	[timem:s7], [sflag:s22] =	dma.local [hbm:s5], s20  }
0x9e: {  	_ =	swait.ge [sflag:s22], s20  }
0x9f: {  	s4 =	ssub.s32 $0x0, s20;
	[sflag:s22] =	ssyncset.done $0x0  }
0xa0: {  	[sflag:s22] =	ssyncadd.s32 s4;
	_ =	sdelay $0x1  }
0xa1: {  	s23 =	simm.s32 $0x1B8B  }
0xa2: {  	_ =	swait.ge [sflag:s23], $0x1  }
0xa3: {  	[sflag:s23] =	ssyncset.done $0x0  }
0xa4: {  	s25 =	simm.s32 $0x1B8E;
	s24 =	sld [smem:$0x3FFE];
	[sflag:s23] =	ssyncadd.s32 $0xFFFFFFFF  }
0xa5: {  	s26 =	simm.s32 $execute0_lowered;
	[smem:$0x3FD2] =	sst s25  }
0xa6: {  	s5 =	sshll.u32 s26, $0x1;
	_ =	strace $0x80000049;
	[dreg:$0x1] =	wrdreg $0xFFFFFFFF  }
0xa7: {  	s28 =	simm.s32 $_size_execute0_lowered;
	s3 =	sadd.s32 s3, s5;
	[dreg:$0x0] =	wrdreg $0x0  }
0xa8: {  	s5 =	sshll.u32 s28, $0x1;
	[dreg:$0x2] =	wrdreg s3  }
0xa9: {  	[dreg:$0x3] =	wrdreg s5  }
0xaa: {  	[dreg:$0x4] =	wrdreg $0xC0  }
0xab: {  	_ =	task [dreg:s7], $0x5FFFF  }
0xac: {  	[dreg:$0x1] =	wrdreg $0xFFFFFFFF  }
0xad: {  	[dreg:$0x0] =	wrdreg $0x60  }
0xae: {  	[dreg:$0x2] =	wrdreg s2  }
0xaf: {  	[dreg:$0x3] =	wrdreg s24  }
0xb0: {  	[dreg:$0x4] =	wrdreg $0xBC000  }
0xb1: {  	[dreg:$0x5] =	wrdreg $0x9  }
0xb2: {  	_ =	task.clear_ibuf [dreg:s7], $0x6FFFF;
	_ =	strace $0x90000049  }
0xb3: {  	s29 =	simm.s32 $0x9;
	_ =	strace $0x8000004B  }
0xb4: {  	_ =	swait.ge [sflag:s29], $0x1  }
0xb5: {  	[sflag:s29] =	ssyncadd.s32 $0xFFFFFFFF  }
0xb6: {  	_ =	strace $0x9000004B  }
0xb7: {  	_ =	sfence  }
0xb8: {  	s30 =	sld [smem:$0x0];
	_ =	sdelay $0x2  }
0xb9: {  	s31 =	sshll.u32 s1, $0xD;
	s1 =	sshrl.u32 s1, $0x2  }
0xba: {  	s3 =	sand.u32 $0x4000, s31;
	s1 =	sadd.s32 s1, s30  }
0xbb: {  	s0 =	sor.u32 s3, s0;
	s1 =	sshll.u32 s1, $0x11  }
0xbc: {  	s0 =	sor.u32 s1, s0  }
0xbd: {  	s0 =	sadd.s32 $0x8F2B, s0  }
0xbe: {  	[sflag:s0] =	ssyncadd.remote.s32 $0x1  }
0xbf: {  	_ =	sfence.sel $0xFFFF  }
0xc0: {  	[dreg:$0x0] =	wrdreg $0xFFFFFFFF;
	(pc) =	sbr.abs _section_cstart, $3  }
0xc1: {  	[dreg:$0x1] =	wrdreg $0xFFFFFFFF  }
0xc2: {  	_ =	task.clear_ibuf [dreg:s7], $0x2FFFF;
	_ =	strace $0x9FFFFFFF  }
0xc3: {  	(tm) =	ssettm $0x7FFFFFFF  }
tec
execute0_lowered:
.L_overlay_start_1:
0x0: {  	(tag) =	ssettag $0x1  }
0x1: {  	s1 =	rddreg [dreg:$0x0]  }
0x2: {  	s0 =	rddreg [dreg:$0x1]  }
0x3: {  	s2 =	rddreg [dreg:$0x2];
	s4 =	simm.s32 $0x0  }
0x4: {  	s3 =	srdreg.scid;
	s10 =	stileid.u32;
	s28 =	simm.s32 $0x3  }
0x5: {  	s29 =	simm.s32 $0x1400;
	s30 =	simm.s32 $0x80;
	s31 =	simm.s32 $0x2800  }
0x6: {  	[smem:$0x7FF] =	sst s4;
	s5 =	sadd.s32 $0x3400, s0;
	s3 =	sand.u32 $0x1, s3  }
0x7: {  	s6 =	smul.u32 $0x2780, s10;
	s8 =	sadd.s32 $0xD400, s0;
	_ =	strace $0x8000004A  }
0x8: {  	s7 =	smul.u32 $0x27800, s3;
	s9 =	sshll.u32 s3, $0x4;
	s3 =	ssub.s32 $0x2, s3  }
0x9: {  	s9 =	sor.u32 s10, s9;
	s10 =	smul.u32 $0x4F000, s10;
	s17 =	sshrl.u32 s3, $0x1  }
0xa: {  	s6 =	sadd.s32 s6, s7;
	s11 =	smul.u32 $0x500, s9;
	s3 =	ssub.s32 s3, s17  }
0xb: {  	s25 =	smul.u32 $0x2800, s9;
	s9 =	simm.s32 $0x2780;
	s0 =	sadd.s32 s6, s0  }
0xc: {  	s18 =	sshrl.u32 s10, $0x2;
	s10 =	simm.s32 $0x0;
	s19 =	sadd.s32 s5, s11  }
0xd: {  	s20 =	sadd.s32 s8, s11;
	s7 =	sadd.s32 s18, s2;
	[dreg:$0x4] =	wrdreg s19  }
0xe: {  	[dreg:$0x5] =	wrdreg s20;
	s6 =	sadd.s32 $0x1400, s7;
	s21 =	sadd.s32 $0x2800, s7  }
0xf: {  	s22 =	sadd.s32 $0x3C00, s7;
	s23 =	sadd.s32 $0x5000, s7;
	[dreg:$0x6] =	wrdreg s6  }
0x10: {  	s24 =	sadd.s32 $0x6400, s7;
	s26 =	sadd.s32 $0x7800, s7;
	[dreg:$0x7] =	wrdreg s21  }
0x11: {  	s14 =	sadd.s32 $0x8C00, s7;
	s15 =	sadd.s32 $0xA000, s7;
	[dreg:$0x8] =	wrdreg s22  }
0x12: {  	s16 =	sadd.s32 $0xB400, s7;
	s17 =	sadd.s32 $0xC800, s7;
	[dreg:$0x9] =	wrdreg s23  }
0x13: {  	s18 =	sadd.s32 $0xDC00, s7;
	s19 =	sadd.s32 $0xF000, s7;
	[dreg:$0xa] =	wrdreg s24  }
0x14: {  	s20 =	sadd.s32 $0x10400, s7;
	[dreg:$0xb] =	wrdreg s26;
	s6 =	sshrl.u32 s25, $0x3  }
0x15: {  	s23 =	sadd.s32 $0x11800, s7;
	s24 =	sadd.s32 $0x17400, s0;
	s25 =	smax.u32 s3, $0x1  }
0x16: {  	s26 =	sadd.s32 $0x12C00, s7;
	s0 =	simm.s32 $0x6800;
	s6 =	sadd.s32 $0x280, s6  }
0x17: {  	s3 =	simm.s32 $0xA800;
	s21 =	sadd.s32 s5, s6;
	s22 =	sadd.s32 s8, s6  }
0x18: {  	v0 =	vimm.f32 $0.0e+00;
	s5 =	simm.s32 $0x1;
	s6 =	simm.s32 $0x2;
	s8 =	simm.s32 $0x2700  }
.LBB2_1:
0x19: {  	s11 =	rddreg [dreg:$0x4]  }
0x1a: {  	[tilespmem:s4], [sflag:$0x3] =	stream.linear.gather [hbm4b:s11+s4], $0x1400, $0x38;
	[tilespmem:$0x1F800] =	vst v63  }
0x1b: {  	_ =	swait.ge [sflag:s28], $0x1400  }
0x1c: {  	[sflag:s28] =	ssyncset.done $0x0  }
0x1d: {  	s13 =	rddreg [dreg:$0x5];
	[sflag:s28] =	ssyncadd.s32 $0xFFFFEC00  }
0x1e: {  	[tilespmem:s29], [sflag:$0x3] =	stream.linear.gather [hbm4b:s13+s4], $0x1400, $0x38;
	[tilespmem:$0x1F800] =	vst v63  }
0x1f: {  	_ =	swait.ge [sflag:s28], $0x1400  }
0x20: {  	[sflag:s28] =	ssyncset.done $0x0  }
0x21: {  	[sflag:s28] =	ssyncadd.s32 $0xFFFFEC00  }
0x22: {  	[tilespmem:s31], [sflag:$0x1] =	stream.indirect.gather [hbm4b:s1+s30], $0x80, s4, s30, $0xb8;
	[tilespmem:$0x1F800] =	vst v63  }
0x23: {  	s12 =	simm.s32 $0x200;
	s11 =	simm.s32 $0x0  }
0x24: {  	[tilespmem:s0], [sflag:$0x2] =	stream.indirect.gather [hbm4b:s1+s30], $0x80, s30, s30, $0xb8;
	[tilespmem:$0x1F800] =	vst v63  }
.LBB2_2:
0x25: {  	p0 =	sne.s32 s12, $0x4E00;
	[tilespmem:s11+$0xA870] =	vst v0  }
0x26: {  	[tilespmem:s11+$0xA800] =	vst v0  }
0x27: {  	[tilespmem:s11+$0xA810] =	vst v0  }
.Ltmp0:
0x28: {  	[tilespmem:s11+$0xA820] =	vst v0;
	(pc) =	sbr.rel @p0 .LBB2_2-.Ltmp0, $4  }
0x29: {  	[tilespmem:s11+$0xA830] =	vst v0  }
0x2a: {  	[tilespmem:s11+$0xA840] =	vst v0  }
0x2b: {  	[tilespmem:s11+$0xA850] =	vst v0  }
0x2c: {  	[tilespmem:s11+$0xA860] =	vst v0;
	s11 =	sshra.s32 s12, $0x2;
	s12 =	sadd.s32 $0x200, s12  }
0x2d: {  	[tilespmem:s11+$0xA870] =	vst v0  }
0x2e: {  	[tilespmem:s11+$0xA800] =	vst v0  }
0x2f: {  	[tilespmem:s11+$0xA810] =	vst v0  }
0x30: {  	[tilespmem:s11+$0xA820] =	vst v0  }
0x31: {  	[tilespmem:s11+$0xA830] =	vst v0  }
0x32: {  	[tilespmem:s11+$0xA840] =	vst v0  }
0x33: {  	[tilespmem:s11+$0xA850] =	vst v0  }
0x34: {  	[tilespmem:s11+$0xA860] =	vst v0  }
0x35: {  	[spmem:s7] =	stream.linear.scatter [tilespmem:s3], [sflag:$0x3], $0x1400, $0x38;
	[tilespmem:$0x1F800] =	vst v63  }
0x36: {  	_ =	swait.ge [sflag:s28], $0x1400  }
0x37: {  	[sflag:s28] =	ssyncset.done $0x0  }
0x38: {  	s13 =	rddreg [dreg:$0x6];
	[sflag:s28] =	ssyncadd.s32 $0xFFFFEC00  }
0x39: {  	[spmem:s13] =	stream.linear.scatter [tilespmem:s3], [sflag:$0x3], $0x1400, $0x38;
	[tilespmem:$0x1F800] =	vst v63  }
0x3a: {  	_ =	swait.ge [sflag:s28], $0x1400  }
0x3b: {  	[sflag:s28] =	ssyncset.done $0x0  }
0x3c: {  	s12 =	rddreg [dreg:$0x7];
	[sflag:s28] =	ssyncadd.s32 $0xFFFFEC00  }
0x3d: {  	[spmem:s12] =	stream.linear.scatter [tilespmem:s3], [sflag:$0x3], $0x1400, $0x38;
	[tilespmem:$0x1F800] =	vst v63  }
0x3e: {  	_ =	swait.ge [sflag:s28], $0x1400  }
0x3f: {  	[sflag:s28] =	ssyncset.done $0x0  }
0x40: {  	s13 =	rddreg [dreg:$0x8];
	[sflag:s28] =	ssyncadd.s32 $0xFFFFEC00  }
0x41: {  	[spmem:s13] =	stream.linear.scatter [tilespmem:s3], [sflag:$0x3], $0x1400, $0x38;
	[tilespmem:$0x1F800] =	vst v63  }
0x42: {  	_ =	swait.ge [sflag:s28], $0x1400  }
0x43: {  	[sflag:s28] =	ssyncset.done $0x0  }
0x44: {  	s12 =	rddreg [dreg:$0x9];
	[sflag:s28] =	ssyncadd.s32 $0xFFFFEC00  }
0x45: {  	[spmem:s12] =	stream.linear.scatter [tilespmem:s3], [sflag:$0x3], $0x1400, $0x38;
	[tilespmem:$0x1F800] =	vst v63  }
0x46: {  	_ =	swait.ge [sflag:s28], $0x1400  }
0x47: {  	[sflag:s28] =	ssyncset.done $0x0  }
0x48: {  	s13 =	rddreg [dreg:$0xa];
	[sflag:s28] =	ssyncadd.s32 $0xFFFFEC00  }
0x49: {  	[spmem:s13] =	stream.linear.scatter [tilespmem:s3], [sflag:$0x3], $0x1400, $0x38;
	[tilespmem:$0x1F800] =	vst v63  }
0x4a: {  	_ =	swait.ge [sflag:s28], $0x1400  }
0x4b: {  	[sflag:s28] =	ssyncset.done $0x0  }
0x4c: {  	s12 =	rddreg [dreg:$0xb];
	[sflag:s28] =	ssyncadd.s32 $0xFFFFEC00  }
0x4d: {  	[spmem:s12] =	stream.linear.scatter [tilespmem:s3], [sflag:$0x3], $0x1400, $0x38;
	[tilespmem:$0x1F800] =	vst v63  }
0x4e: {  	_ =	swait.ge [sflag:s28], $0x1400  }
0x4f: {  	[sflag:s28] =	ssyncset.done $0x0  }
0x50: {  	[sflag:s28] =	ssyncadd.s32 $0xFFFFEC00  }
0x51: {  	[spmem:s14] =	stream.linear.scatter [tilespmem:s3], [sflag:$0x3], $0x1400, $0x38;
	[tilespmem:$0x1F800] =	vst v63  }
0x52: {  	_ =	swait.ge [sflag:s28], $0x1400  }
0x53: {  	[sflag:s28] =	ssyncset.done $0x0  }
0x54: {  	[sflag:s28] =	ssyncadd.s32 $0xFFFFEC00  }
0x55: {  	[spmem:s15] =	stream.linear.scatter [tilespmem:s3], [sflag:$0x3], $0x1400, $0x38;
	[tilespmem:$0x1F800] =	vst v63  }
0x56: {  	_ =	swait.ge [sflag:s28], $0x1400  }
0x57: {  	[sflag:s28] =	ssyncset.done $0x0  }
0x58: {  	[sflag:s28] =	ssyncadd.s32 $0xFFFFEC00  }
0x59: {  	[spmem:s16] =	stream.linear.scatter [tilespmem:s3], [sflag:$0x3], $0x1400, $0x38;
	[tilespmem:$0x1F800] =	vst v63  }
0x5a: {  	_ =	swait.ge [sflag:s28], $0x1400  }
0x5b: {  	[sflag:s28] =	ssyncset.done $0x0  }
0x5c: {  	[sflag:s28] =	ssyncadd.s32 $0xFFFFEC00  }
0x5d: {  	[spmem:s17] =	stream.linear.scatter [tilespmem:s3], [sflag:$0x3], $0x1400, $0x38;
	[tilespmem:$0x1F800] =	vst v63  }
0x5e: {  	_ =	swait.ge [sflag:s28], $0x1400  }
0x5f: {  	[sflag:s28] =	ssyncset.done $0x0  }
0x60: {  	[sflag:s28] =	ssyncadd.s32 $0xFFFFEC00  }
0x61: {  	[spmem:s18] =	stream.linear.scatter [tilespmem:s3], [sflag:$0x3], $0x1400, $0x38;
	[tilespmem:$0x1F800] =	vst v63  }
0x62: {  	_ =	swait.ge [sflag:s28], $0x1400  }
0x63: {  	[sflag:s28] =	ssyncset.done $0x0  }
0x64: {  	[sflag:s28] =	ssyncadd.s32 $0xFFFFEC00  }
0x65: {  	[spmem:s19] =	stream.linear.scatter [tilespmem:s3], [sflag:$0x3], $0x1400, $0x38;
	[tilespmem:$0x1F800] =	vst v63  }
0x66: {  	_ =	swait.ge [sflag:s28], $0x1400  }
0x67: {  	[sflag:s28] =	ssyncset.done $0x0  }
0x68: {  	[sflag:s28] =	ssyncadd.s32 $0xFFFFEC00  }
0x69: {  	[spmem:s20] =	stream.linear.scatter [tilespmem:s3], [sflag:$0x3], $0x1400, $0x38;
	[tilespmem:$0x1F800] =	vst v63  }
0x6a: {  	_ =	swait.ge [sflag:s28], $0x1400  }
0x6b: {  	[sflag:s28] =	ssyncset.done $0x0  }
0x6c: {  	[sflag:s28] =	ssyncadd.s32 $0xFFFFEC00  }
0x6d: {  	[spmem:s23] =	stream.linear.scatter [tilespmem:s3], [sflag:$0x3], $0x1400, $0x38;
	[tilespmem:$0x1F800] =	vst v63  }
0x6e: {  	_ =	swait.ge [sflag:s28], $0x1400  }
0x6f: {  	[sflag:s28] =	ssyncset.done $0x0  }
0x70: {  	[sflag:s28] =	ssyncadd.s32 $0xFFFFEC00  }
0x71: {  	[spmem:s26] =	stream.linear.scatter [tilespmem:s3], [sflag:$0x3], $0x1000, $0x38;
	[tilespmem:$0x1F800] =	vst v63  }
0x72: {  	_ =	swait.ge [sflag:s28], $0x1000  }
0x73: {  	[sflag:s28] =	ssyncset.done $0x0  }
0x74: {  	[sflag:s28] =	ssyncadd.s32 $0xFFFFF000  }
0x75: {  	[bflag:$0x0] =	sbarrier.arrive $0xFFFF  }
0x76: {  	_ =	swait.ge [sflag:s5], $0x4000  }
0x77: {  	[sflag:s5] =	ssyncset.done $0x0  }
0x78: {  	s13 =	simm.s32 $0x1400;
	[sflag:s5] =	ssyncadd.s32 $0xFFFFC000  }
0x79: {  	[spmem:s2] =	stream.indirect.scatter.add.f32 [tilespmem:s31], [sflag:$0x3], $0x80, s13, s30, $0xb8;
	[tilespmem:$0x1F800] =	vst v63  }
0x7a: {  	_ =	swait.ge [sflag:s28], $0x4000  }
0x7b: {  	[sflag:s28] =	ssyncset.done $0x0  }
0x7c: {  	s12 =	simm.s32 $0x100;
	[sflag:s28] =	ssyncadd.s32 $0xFFFFC000  }
0x7d: {  	[tilespmem:s31], [sflag:$0x1] =	stream.indirect.gather [hbm4b:s1+s30], $0x80, s12, s30, $0xb8;
	[tilespmem:$0x1F800] =	vst v63  }
0x7e: {  	_ =	swait.ge [sflag:s6], $0x4000  }
0x7f: {  	[sflag:s6] =	ssyncset.done $0x0  }
0x80: {  	s13 =	simm.s32 $0x1480;
	[sflag:s6] =	ssyncadd.s32 $0xFFFFC000  }
0x81: {  	[spmem:s2] =	stream.indirect.scatter.add.f32 [tilespmem:s0], [sflag:$0x3], $0x80, s13, s30, $0xb8;
	[tilespmem:$0x1F800] =	vst v63  }
0x82: {  	_ =	swait.ge [sflag:s28], $0x4000  }
0x83: {  	[sflag:s28] =	ssyncset.done $0x0  }
0x84: {  	s11 =	simm.s32 $0x400;
	s12 =	simm.s32 $0x180;
	[sflag:s28] =	ssyncadd.s32 $0xFFFFC000  }
.LBB2_4:
0x85: {  	[tilespmem:s0], [sflag:$0x2] =	stream.indirect.gather [hbm4b:s1+s30], $0x80, s12, s30, $0xb8;
	[tilespmem:$0x1F800] =	vst v63  }
0x86: {  	s12 =	smov.u32 s11  }
0x87: {  	p0 =	sne.s32 s11, $0x4800;
	s11 =	sadd.s32 $0x400, s11;
	_ =	swait.ge [sflag:s5], $0x4000  }
0x88: {  	s12 =	sshra.s32 s12, $0x2;
	[sflag:s5] =	ssyncset.done $0x0  }
0x89: {  	s13 =	sadd.s32 $0x1400, s12;
	[sflag:s5] =	ssyncadd.s32 $0xFFFFC000  }
0x8a: {  	[spmem:s2] =	stream.indirect.scatter.add.f32 [tilespmem:s31], [sflag:$0x3], $0x80, s13, s30, $0xb8;
	[tilespmem:$0x1F800] =	vst v63  }
0x8b: {  	_ =	swait.ge [sflag:s28], $0x4000  }
0x8c: {  	[sflag:s28] =	ssyncset.done $0x0  }
0x8d: {  	s13 =	sadd.s32 $0x100, s12;
	[sflag:s28] =	ssyncadd.s32 $0xFFFFC000  }
0x8e: {  	[tilespmem:s31], [sflag:$0x1] =	stream.indirect.gather [hbm4b:s1+s30], $0x80, s13, s30, $0xb8;
	[tilespmem:$0x1F800] =	vst v63  }
0x8f: {  	_ =	swait.ge [sflag:s6], $0x4000  }
0x90: {  	[sflag:s6] =	ssyncset.done $0x0  }
.Ltmp1:
0x91: {  	s13 =	sadd.s32 $0x1480, s12;
	[sflag:s6] =	ssyncadd.s32 $0xFFFFC000;
	(pc) =	sbr.rel @p0 .LBB2_4-.Ltmp1, $4  }
0x92: {  	[spmem:s2] =	stream.indirect.scatter.add.f32 [tilespmem:s0], [sflag:$0x3], $0x80, s13, s30, $0xb8;
	[tilespmem:$0x1F800] =	vst v63  }
0x93: {  	_ =	swait.ge [sflag:s28], $0x4000  }
0x94: {  	[sflag:s28] =	ssyncset.done $0x0  }
0x95: {  	s12 =	sadd.s32 $0x180, s12;
	[sflag:s28] =	ssyncadd.s32 $0xFFFFC000  }
0x96: {  	[tilespmem:s0], [sflag:$0x2] =	stream.indirect.gather [hbm4b:s1+s30], $0x80, s12, s30, $0xb8;
	[tilespmem:$0x1F800] =	vst v63  }
0x97: {  	_ =	swait.ge [sflag:s5], $0x4000  }
0x98: {  	[sflag:s5] =	ssyncset.done $0x0  }
0x99: {  	[sflag:s5] =	ssyncadd.s32 $0xFFFFC000  }
0x9a: {  	[spmem:s2] =	stream.indirect.scatter.add.f32 [tilespmem:s31], [sflag:$0x3], $0x80, s8, s30, $0xb8;
	[tilespmem:$0x1F800] =	vst v63  }
0x9b: {  	_ =	swait.ge [sflag:s28], $0x4000  }
0x9c: {  	[sflag:s28] =	ssyncset.done $0x0  }
0x9d: {  	[sflag:s28] =	ssyncadd.s32 $0xFFFFC000  }
0x9e: {  	_ =	swait.ge [sflag:s6], $0x4000  }
0x9f: {  	[sflag:s6] =	ssyncset.done $0x0  }
0xa0: {  	[sflag:s6] =	ssyncadd.s32 $0xFFFFC000  }
0xa1: {  	[spmem:s2] =	stream.indirect.scatter.add.f32 [tilespmem:s0], [sflag:$0x3], $0x80, s9, s30, $0xb8;
	[tilespmem:$0x1F800] =	vst v63  }
0xa2: {  	_ =	swait.ge [sflag:s28], $0x4000  }
0xa3: {  	[sflag:s28] =	ssyncset.done $0x0  }
0xa4: {  	s11 =	simm.s32 $0x0;
	[sflag:s28] =	ssyncadd.s32 $0xFFFFC000  }
0xa5: {  	[tilespmem:s11], [sflag:$0x3] =	stream.linear.gather [hbm4b:s21+s11], $0x1400, $0x38;
	[tilespmem:$0x1F800] =	vst v63  }
0xa6: {  	_ =	swait.ge [sflag:s28], $0x1400  }
0xa7: {  	[sflag:s28] =	ssyncset.done $0x0  }
0xa8: {  	[sflag:s28] =	ssyncadd.s32 $0xFFFFEC00  }
0xa9: {  	[tilespmem:s29], [sflag:$0x3] =	stream.linear.gather [hbm4b:s22+s11], $0x1400, $0x38;
	[tilespmem:$0x1F800] =	vst v63  }
0xaa: {  	_ =	swait.ge [sflag:s28], $0x1400  }
0xab: {  	[sflag:s28] =	ssyncset.done $0x0  }
0xac: {  	[sflag:s28] =	ssyncadd.s32 $0xFFFFEC00  }
0xad: {  	[tilespmem:s31], [sflag:$0x1] =	stream.indirect.gather [hbm4b:s1+s30], $0x80, s11, s30, $0xb8;
	[tilespmem:$0x1F800] =	vst v63  }
0xae: {  	_ = 	snop  }
0xaf: {  	[tilespmem:s0], [sflag:$0x2] =	stream.indirect.gather [hbm4b:s1+s30], $0x80, s30, s30, $0xb8;
	[tilespmem:$0x1F800] =	vst v63  }
0xb0: {  	_ =	swait.ge [sflag:s5], $0x4000  }
0xb1: {  	[sflag:s5] =	ssyncset.done $0x0  }
0xb2: {  	s13 =	simm.s32 $0x1400;
	[sflag:s5] =	ssyncadd.s32 $0xFFFFC000  }
0xb3: {  	[spmem:s2] =	stream.indirect.scatter.add.f32 [tilespmem:s31], [sflag:$0x3], $0x80, s13, s30, $0xb8;
	[tilespmem:$0x1F800] =	vst v63  }
0xb4: {  	_ =	swait.ge [sflag:s28], $0x4000  }
0xb5: {  	[sflag:s28] =	ssyncset.done $0x0  }
0xb6: {  	s12 =	simm.s32 $0x100;
	[sflag:s28] =	ssyncadd.s32 $0xFFFFC000  }
0xb7: {  	[tilespmem:s31], [sflag:$0x1] =	stream.indirect.gather [hbm4b:s1+s30], $0x80, s12, s30, $0xb8;
	[tilespmem:$0x1F800] =	vst v63  }
0xb8: {  	_ =	swait.ge [sflag:s6], $0x4000  }
0xb9: {  	[sflag:s6] =	ssyncset.done $0x0  }
0xba: {  	s13 =	simm.s32 $0x1480;
	[sflag:s6] =	ssyncadd.s32 $0xFFFFC000  }
0xbb: {  	[spmem:s2] =	stream.indirect.scatter.add.f32 [tilespmem:s0], [sflag:$0x3], $0x80, s13, s30, $0xb8;
	[tilespmem:$0x1F800] =	vst v63  }
0xbc: {  	_ =	swait.ge [sflag:s28], $0x4000  }
0xbd: {  	[sflag:s28] =	ssyncset.done $0x0  }
0xbe: {  	s11 =	simm.s32 $0x400;
	s12 =	simm.s32 $0x180;
	[sflag:s28] =	ssyncadd.s32 $0xFFFFC000  }
.LBB2_6:
0xbf: {  	[tilespmem:s0], [sflag:$0x2] =	stream.indirect.gather [hbm4b:s1+s30], $0x80, s12, s30, $0xb8;
	[tilespmem:$0x1F800] =	vst v63  }
0xc0: {  	s12 =	smov.u32 s11  }
0xc1: {  	p0 =	sne.s32 s11, $0x4800;
	s11 =	sadd.s32 $0x400, s11;
	_ =	swait.ge [sflag:s5], $0x4000  }
0xc2: {  	s12 =	sshra.s32 s12, $0x2;
	[sflag:s5] =	ssyncset.done $0x0  }
0xc3: {  	s13 =	sadd.s32 $0x1400, s12;
	[sflag:s5] =	ssyncadd.s32 $0xFFFFC000  }
0xc4: {  	[spmem:s2] =	stream.indirect.scatter.add.f32 [tilespmem:s31], [sflag:$0x3], $0x80, s13, s30, $0xb8;
	[tilespmem:$0x1F800] =	vst v63  }
0xc5: {  	_ =	swait.ge [sflag:s28], $0x4000  }
0xc6: {  	[sflag:s28] =	ssyncset.done $0x0  }
0xc7: {  	s13 =	sadd.s32 $0x100, s12;
	[sflag:s28] =	ssyncadd.s32 $0xFFFFC000  }
0xc8: {  	[tilespmem:s31], [sflag:$0x1] =	stream.indirect.gather [hbm4b:s1+s30], $0x80, s13, s30, $0xb8;
	[tilespmem:$0x1F800] =	vst v63  }
0xc9: {  	_ =	swait.ge [sflag:s6], $0x4000  }
0xca: {  	[sflag:s6] =	ssyncset.done $0x0  }
.Ltmp2:
0xcb: {  	s13 =	sadd.s32 $0x1480, s12;
	[sflag:s6] =	ssyncadd.s32 $0xFFFFC000;
	(pc) =	sbr.rel @p0 .LBB2_6-.Ltmp2, $4  }
0xcc: {  	[spmem:s2] =	stream.indirect.scatter.add.f32 [tilespmem:s0], [sflag:$0x3], $0x80, s13, s30, $0xb8;
	[tilespmem:$0x1F800] =	vst v63  }
0xcd: {  	_ =	swait.ge [sflag:s28], $0x4000  }
0xce: {  	[sflag:s28] =	ssyncset.done $0x0  }
0xcf: {  	s12 =	sadd.s32 $0x180, s12;
	[sflag:s28] =	ssyncadd.s32 $0xFFFFC000  }
0xd0: {  	[tilespmem:s0], [sflag:$0x2] =	stream.indirect.gather [hbm4b:s1+s30], $0x80, s12, s30, $0xb8;
	[tilespmem:$0x1F800] =	vst v63  }
0xd1: {  	_ =	swait.ge [sflag:s5], $0x4000  }
0xd2: {  	[sflag:s5] =	ssyncset.done $0x0  }
0xd3: {  	[sflag:s5] =	ssyncadd.s32 $0xFFFFC000  }
0xd4: {  	[spmem:s2] =	stream.indirect.scatter.add.f32 [tilespmem:s31], [sflag:$0x3], $0x80, s8, s30, $0xb8;
	[tilespmem:$0x1F800] =	vst v63  }
0xd5: {  	_ =	swait.ge [sflag:s28], $0x4000  }
0xd6: {  	[sflag:s28] =	ssyncset.done $0x0  }
0xd7: {  	[sflag:s28] =	ssyncadd.s32 $0xFFFFC000  }
0xd8: {  	_ =	swait.ge [sflag:s6], $0x4000  }
0xd9: {  	[sflag:s6] =	ssyncset.done $0x0  }
0xda: {  	[sflag:s6] =	ssyncadd.s32 $0xFFFFC000  }
0xdb: {  	[spmem:s2] =	stream.indirect.scatter.add.f32 [tilespmem:s0], [sflag:$0x3], $0x80, s9, s30, $0xb8;
	[tilespmem:$0x1F800] =	vst v63  }
0xdc: {  	s11 =	stileid.u32;
	_ =	swait.ge [sflag:s28], $0x4000  }
0xdd: {  	s13 =	sshrl.u32 s7, $0x3;
	s10 =	sadd.s32 $0x1, s10;
	[sflag:s28] =	ssyncset.done $0x0  }
0xde: {  	s11 =	sshll.u32 s11, $0x6;
	p0 =	sne.s32 s10, s25;
	[sflag:s28] =	ssyncadd.s32 $0xFFFFC000  }
.Ltmp3:
0xdf: {  	s11 =	sor.u32 $0x1C03, s11;
	[bflag:$0x0] =	sbarrier.arrive $0xFFFF;
	(pc) =	sbr.rel @p0 .LBB2_1-.Ltmp3, $4  }
0xe0: {  	[hbm:s24], [sflag:s11] =	dma.local [spmem:s13], $0x2780  }
0xe1: {  	_ =	swait.ge [sflag:s28], $0x2780  }
0xe2: {  	[sflag:s28] =	ssyncset.done $0x0  }
0xe3: {  	[sflag:s28] =	ssyncadd.s32 $0xFFFFD880  }
0xe4: {  	_ =	sfence.sel $0x180000  }
0xe5: {  	[bflag:$0x0] =	sbarrier.arrive $0xFFFF  }
0xe6: {  	_ =	strace $0x9000004A  }
0xe7: {  	s0 =	stileid.u32;
	[bflag:$0x2] =	sbarrier.arrive $0xFFFF  }
0xe8: {  	p0 =	sne.s32 s0, $0x0;
	s0 =	rddreg [dreg:$0x3]  }
0xe9: {  	s0 =	sadd.s32 @!p0 $0x100000, s0  }
0xea: {  	[sflag:s0] =	ssyncadd.tile.s32 @!p0 $0x1;
	_ =	shalt  }
.Lfunc_end2:
_tile_overlayer_lowered:
.L_overlay_start_2:
0xeb: {  	(tag) =	ssettag $0x2  }
0xec: {  	s0 =	rddreg [dreg:$0x0];
	s2 =	stileid.u32  }
0xed: {  	s1 =	rddreg [dreg:$0x1];
	p0 =	sne.s32 s2, $0x0  }
0xee: {  	s3 =	rddreg [dreg:$0x2];
	[bflag:$0x3] =	sbarrier.arrive $0xFFFF;
	s2 =	simm.s32 @!p0 $0x1C03  }
0xef: {  	[timem:s3], [sflag:s2] =	dma.local @!p0 [hbm:s0], s1  }
0xf0: {  	s0 =	simm.s32 @!p0 $0x3  }
0xf1: {  	_ =	swait.ge @!p0 [sflag:s0], s1  }
0xf2: {  	s1 =	ssub.s32 @!p0 $0x0, s1;
	[sflag:s0] =	ssyncset.done @!p0 $0x0  }
0xf3: {  	[sflag:s0] =	ssyncadd.s32 @!p0 s1  }
0xf4: {  	[bflag:$0x3] =	sbarrier.arrive $0xFFFF  }
0xf5: {  	_ =	shalt  }

// kernel: kernel.14.cloned.1.call-start
scs
__scs_entry_jumppad:
0x0: {  	(pc) =	sbr.rel $0x88, $3  }
0x1: {  	(tag) =	ssettag $0x0;
	lr =	simm.s32 $0x1  }
0x2: {  	[smem:$0x3F93] =	sst lr;
	_ =	strace $0xD0000000  }
0x3: {  	_ = 	snop  }
0x4: {  	_ = 	snop  }
0x5: {  	_ = 	snop  }
0x6: {  	_ = 	snop  }
0x7: {  	_ = 	snop  }
__scs_overlays_trampoline_lowered:
0x8: {  	[smem:$0x3FA2] =	sst s0  }
0x9: {  	[smem:$0x3FA3] =	sst s1  }
0xa: {  	[smem:$0x3FA4] =	sst s2  }
0xb: {  	[smem:$0x3FA5] =	sst s3  }
0xc: {  	[smem:$0x3FA6] =	sst s4  }
0xd: {  	[smem:$0x3FA7] =	sst s5  }
0xe: {  	[smem:$0x3FA8] =	sst s6  }
0xf: {  	[smem:$0x3FA9] =	sst s7  }
0x10: {  	[smem:$0x3FAA] =	sst s8  }
0x11: {  	[smem:$0x3FAB] =	sst s9;
	s0 =	simm.s32 @!p0 $0x0  }
0x12: {  	s1 =	sld [smem:$0x3F91];
	s0 =	simm.s32 @p0 $0x1  }
0x13: {  	[smem:$0x3FAC] =	sst s0;
	s0 =	simm.s32 @!p1 $0x0  }
0x14: {  	s2 =	sld [smem:$0x3F90];
	s0 =	simm.s32 @p1 $0x1  }
0x15: {  	[smem:$0x3FAD] =	sst s0;
	s0 =	simm.s32 @!p2 $0x0  }
0x16: {  	s3 =	sld [smem:$0x3FDB];
	s0 =	simm.s32 @p2 $0x1  }
0x17: {  	s4 =	simm.s32 $0x1BF5;
	[smem:$0x3FAF] =	sst s0  }
0x18: {  	s0 =	sld [smem:$0x3F92];
	_ =	swait.ge [sflag:s4], $0x0  }
0x19: {  	s7 =	sld [smem:$0x3F93]  }
0x1a: {  	s8 =	sadd.s32 $0xFFFFE003, lr  }
0x1b: {  	s9 =	sadd.s32 $0xFFFFFEF7, lr;
	s5 =	simm.s32 $0xFFFFFFFF;
	p2 =	slt.u32 s8, $0xFFFFF086  }
0x1c: {  	p1 =	slt.u32 s9, $0xF7A;
	s5 =	simm.s32 @!p2 $0x0  }
0x1d: {  	s5 =	simm.s32 @p1 $0x1;
	p0 =	seq.s32 s7, s2  }
0x1e: {  	s7 =	smul.u32 @!p0 $0xF7A, s2;
	p2 =	seq.s32 @!p0 s5, $0x0  }
0x1f: {  	s9 =	smul.u32 $0xF7A, s1;
	s8 =	simm.s32 @!p0 $0x1BF5;
	p2 =	por !p2, p0  }
0x20: {  	[sflag:s8] =	ssyncset.s32 @!p0 $0xFFFFF086;
	s6 =	sadd.s32 @!p0 s3, s7;
	s7 =	simm.s32 @!p0 $0x108  }
0x21: {  	s3 =	sadd.s32 s3, s9;
	s6 =	sadd.s32 @!p0 $0x88, s6;
	s7 =	simm.s32 @p2 $0x1082  }
0x22: {  	[simem:s7], [sflag:s8] =	dma.local @!p0 [hbm:s6], $0xF7A  }
0x23: {  	s9 =	sor.u32 $0xD0000000, s2;
	s6 =	simm.s32 $0x108;
	_ =	swait.ge @!p0 [sflag:s8], $0x0  }
0x24: {  	s3 =	sadd.s32 $0x88, s3;
	s6 =	simm.s32 @!p1 $0x1082;
	[sflag:s4] =	ssyncset.s32 $0xFFFFF086  }
0x25: {  	[simem:s6], [sflag:s4] =	dma.local [hbm:s3], $0xF7A  }
0x26: {  	[smem:$0x3F93] =	sst s1;
	(tag) =	ssettag s2;
	_ =	strace s9  }
0x27: {  	s1 =	sld [smem:$0x3FA3]  }
0x28: {  	s2 =	sld [smem:$0x3FA4]  }
0x29: {  	s4 =	sld [smem:$0x3FA6]  }
0x2a: {  	p0 =	seq.s32 s5, $0x0;
	s5 =	sld [smem:$0x3FA7]  }
0x2b: {  	s6 =	sld [smem:$0x3FA8]  }
0x2c: {  	s7 =	sld [smem:$0x3FA9]  }
0x2d: {  	s3 =	simm.s32 $0x108;
	s8 =	sld [smem:$0x3FAA]  }
0x2e: {  	s3 =	simm.s32 @!p0 $0x1082;
	s9 =	sld [smem:$0x3FAB]  }
0x2f: {  	lr =	sadd.s32 s0, s3;
	s0 =	sld [smem:$0x3FA2]  }
0x30: {  	s3 =	sld [smem:$0x3FA5]  }
0x31: {  	[smem:$0x3FAE] =	sst s10  }
0x32: {  	s10 =	sld [smem:$0x3FAC];
	_ =	sdelay $0x3  }
0x33: {  	p0 =	seq.s32 s10, $0x1;
	s10 =	sld [smem:$0x3FAE];
	_ =	sdelay $0x3  }
0x34: {  	[smem:$0x3FAE] =	sst s10  }
0x35: {  	s10 =	sld [smem:$0x3FAD];
	_ =	sdelay $0x3  }
0x36: {  	p1 =	seq.s32 s10, $0x1;
	s10 =	sld [smem:$0x3FAE];
	_ =	sdelay $0x3  }
0x37: {  	[smem:$0x3FAE] =	sst s10  }
0x38: {  	s10 =	sld [smem:$0x3FAF]  }
0x39: {  	_ = 	snop;
	(pc) =	sbr.ind lr, $3  }
0x3a: {  	_ = 	snop  }
0x3b: {  	_ = 	snop  }
0x3c: {  	p2 =	seq.s32 s10, $0x1;
	s10 =	sld [smem:$0x3FAE]  }
0x3d: {  	_ =	shalt  }
0x3e: {  	_ =	shalt  }
0x3f: {  	_ =	shalt  }
0x40: {  	_ =	shalt  }
0x41: {  	_ =	shalt  }
0x42: {  	_ =	shalt  }
0x43: {  	_ =	shalt  }
0x44: {  	_ =	shalt  }
0x45: {  	_ =	shalt  }
0x46: {  	_ =	shalt  }
0x47: {  	_ =	shalt  }
0x48: {  	_ =	shalt  }
0x49: {  	_ =	shalt  }
0x4a: {  	_ =	shalt  }
0x4b: {  	_ =	shalt  }
0x4c: {  	_ =	shalt  }
0x4d: {  	_ =	shalt  }
0x4e: {  	_ =	shalt  }
0x4f: {  	_ =	shalt  }
0x50: {  	_ =	shalt  }
0x51: {  	_ =	shalt  }
0x52: {  	_ =	shalt  }
0x53: {  	_ =	shalt  }
0x54: {  	_ =	shalt  }
0x55: {  	_ =	shalt  }
0x56: {  	_ =	shalt  }
0x57: {  	_ =	shalt  }
0x58: {  	_ =	shalt  }
0x59: {  	_ =	shalt  }
0x5a: {  	_ =	shalt  }
0x5b: {  	_ =	shalt  }
0x5c: {  	_ =	shalt  }
0x5d: {  	_ =	shalt  }
0x5e: {  	_ =	shalt  }
0x5f: {  	_ =	shalt  }
0x60: {  	_ =	shalt  }
0x61: {  	_ =	shalt  }
0x62: {  	_ =	shalt  }
0x63: {  	_ =	shalt  }
0x64: {  	_ =	shalt  }
0x65: {  	_ =	shalt  }
0x66: {  	_ =	shalt  }
0x67: {  	_ =	shalt  }
0x68: {  	_ =	shalt  }
0x69: {  	_ =	shalt  }
0x6a: {  	_ =	shalt  }
0x6b: {  	_ =	shalt  }
0x6c: {  	_ =	shalt  }
0x6d: {  	_ =	shalt  }
0x6e: {  	_ =	shalt  }
0x6f: {  	_ =	shalt  }
0x70: {  	_ =	shalt  }
0x71: {  	_ =	shalt  }
0x72: {  	_ =	shalt  }
0x73: {  	_ =	shalt  }
0x74: {  	_ =	shalt  }
0x75: {  	_ =	shalt  }
0x76: {  	_ =	shalt  }
0x77: {  	_ =	shalt  }
0x78: {  	_ =	shalt  }
0x79: {  	_ =	shalt  }
0x7a: {  	_ =	shalt  }
0x7b: {  	_ =	shalt  }
0x7c: {  	_ =	shalt  }
0x7d: {  	_ =	shalt  }
0x7e: {  	_ =	shalt  }
0x7f: {  	_ =	shalt  }
0x80: {  	_ =	shalt  }
0x81: {  	_ =	shalt  }
0x82: {  	_ =	shalt  }
0x83: {  	_ =	shalt  }
0x84: {  	_ =	shalt  }
0x85: {  	_ =	shalt  }
0x86: {  	_ =	shalt  }
0x87: {  	_ =	shalt  }
.Lfunc_end0:
.L_simem_size_0:
called_computation.2_lowered:
.L_overlay_start_0:
0x88: {  	s2 =	sld [smem:$0x3FD9]  }
0x89: {  	s3 =	sld [smem:$0x3FFE];
	_ =	sdelay $0x1  }
0x8a: {  	s1 =	srdreg.scid  }
0x8b: {  	s0 =	sand.u32 $0x1, s1  }
0x8c: {  	s17 =	sshll.u32 s0, $0xA;
	s2 =	sadd.s32 s3, s2  }
0x8d: {  	s2 =	sadd.s32 s2, s17  }
0x8e: {  	[smem:$0x3FBA] =	sst s2  }
0x8f: {  	_ = 	snop  }
0x90: {  	s2 =	sld [smem:$0x3FD0];
	(tm) =	ssettm $0x1  }
0x91: {  	s18 =	sld [smem:$0x3FFB];
	_ =	sdelay $0x3  }
0x92: {  	_ =	strace s18  }
0x93: {  	s3 =	sld [smem:$0x3FFC];
	_ =	sdelay $0x3  }
0x94: {  	_ =	strace s3  }
0x95: {  	s3 =	sld [smem:$0x3FFD];
	_ =	sdelay $0x3  }
0x96: {  	_ =	strace s3  }
0x97: {  	_ =	strace $0x8FFFFFFF  }
0x98: {  	s19 =	sld [smem:$0x3FDB];
	_ =	sdelay $0x1  }
0x99: {  	s4 =	simm.s32 $_scs_section_size  }
0x9a: {  	s5 =	simm.s32 $_size__tile_overlayer_lowered;
	s6 =	simm.s32 $_tile_overlayer_lowered  }
0x9b: {  	s22 =	simm.s32 $0x1BFF;
	s21 =	sshll.u32 s6, $0x1;
	s3 =	sadd.s32 s4, s19  }
0x9c: {  	s7 =	simm.s32 $0x0;
	s20 =	sshll.u32 s5, $0x1;
	s5 =	sadd.s32 s21, s3  }
0x9d: {  	[timem:s7], [sflag:s22] =	dma.local [hbm:s5], s20  }
0x9e: {  	_ =	swait.ge [sflag:s22], s20  }
0x9f: {  	s4 =	ssub.s32 $0x0, s20;
	[sflag:s22] =	ssyncset.done $0x0  }
0xa0: {  	[sflag:s22] =	ssyncadd.s32 s4;
	_ =	sdelay $0x1  }
0xa1: {  	s23 =	simm.s32 $0x1B8B  }
0xa2: {  	_ =	swait.ge [sflag:s23], $0x1  }
0xa3: {  	[sflag:s23] =	ssyncset.done $0x0  }
0xa4: {  	s25 =	simm.s32 $0x1B8E;
	s24 =	sld [smem:$0x3FFE];
	[sflag:s23] =	ssyncadd.s32 $0xFFFFFFFF  }
0xa5: {  	s26 =	simm.s32 $execute0_lowered;
	[smem:$0x3FD2] =	sst s25  }
0xa6: {  	s5 =	sshll.u32 s26, $0x1;
	_ =	strace $0x8000004C;
	[dreg:$0x1] =	wrdreg $0xFFFFFFFF  }
0xa7: {  	s28 =	simm.s32 $_size_execute0_lowered;
	s3 =	sadd.s32 s3, s5;
	[dreg:$0x0] =	wrdreg $0x0  }
0xa8: {  	s5 =	sshll.u32 s28, $0x1;
	[dreg:$0x2] =	wrdreg s3  }
0xa9: {  	[dreg:$0x3] =	wrdreg s5  }
0xaa: {  	[dreg:$0x4] =	wrdreg $0xC0  }
0xab: {  	_ =	task [dreg:s7], $0x5FFFF  }
0xac: {  	[dreg:$0x1] =	wrdreg $0xFFFFFFFF  }
0xad: {  	[dreg:$0x0] =	wrdreg $0x60  }
0xae: {  	[dreg:$0x2] =	wrdreg s2  }
0xaf: {  	[dreg:$0x3] =	wrdreg s24  }
0xb0: {  	[dreg:$0x4] =	wrdreg $0xBC000  }
0xb1: {  	[dreg:$0x5] =	wrdreg $0x9  }
0xb2: {  	_ =	task.clear_ibuf [dreg:s7], $0x6FFFF;
	_ =	strace $0x9000004C  }
0xb3: {  	s29 =	simm.s32 $0x9;
	_ =	strace $0x8000004E  }
0xb4: {  	_ =	swait.ge [sflag:s29], $0x1  }
0xb5: {  	[sflag:s29] =	ssyncadd.s32 $0xFFFFFFFF  }
0xb6: {  	_ =	strace $0x9000004E  }
0xb7: {  	_ =	sfence  }
0xb8: {  	s30 =	sld [smem:$0x0];
	_ =	sdelay $0x2  }
0xb9: {  	s31 =	sshll.u32 s1, $0xD;
	s1 =	sshrl.u32 s1, $0x2  }
0xba: {  	s3 =	sand.u32 $0x4000, s31;
	s1 =	sadd.s32 s1, s30  }
0xbb: {  	s0 =	sor.u32 s3, s0;
	s1 =	sshll.u32 s1, $0x11  }
0xbc: {  	s0 =	sor.u32 s1, s0  }
0xbd: {  	s0 =	sadd.s32 $0x8F2B, s0  }
0xbe: {  	[sflag:s0] =	ssyncadd.remote.s32 $0x1  }
0xbf: {  	_ =	sfence.sel $0xFFFF  }
0xc0: {  	[dreg:$0x0] =	wrdreg $0xFFFFFFFF;
	(pc) =	sbr.abs _section_cstart, $3  }
0xc1: {  	[dreg:$0x1] =	wrdreg $0xFFFFFFFF  }
0xc2: {  	_ =	task.clear_ibuf [dreg:s7], $0x2FFFF;
	_ =	strace $0x9FFFFFFF  }
0xc3: {  	(tm) =	ssettm $0x7FFFFFFF  }
tec
execute0_lowered:
.L_overlay_start_1:
0x0: {  	(tag) =	ssettag $0x1  }
0x1: {  	s1 =	rddreg [dreg:$0x0]  }
0x2: {  	s0 =	rddreg [dreg:$0x1]  }
0x3: {  	s2 =	rddreg [dreg:$0x2];
	s4 =	simm.s32 $0x0  }
0x4: {  	s3 =	srdreg.scid;
	s10 =	stileid.u32;
	s28 =	simm.s32 $0x3  }
0x5: {  	s29 =	simm.s32 $0x1400;
	s30 =	simm.s32 $0x80;
	s31 =	simm.s32 $0x2800  }
0x6: {  	[smem:$0x7FF] =	sst s4;
	s5 =	sadd.s32 $0x3400, s0;
	s3 =	sand.u32 $0x1, s3  }
0x7: {  	s6 =	smul.u32 $0x2780, s10;
	s8 =	sadd.s32 $0xD400, s0;
	_ =	strace $0x8000004D  }
0x8: {  	s7 =	smul.u32 $0x27800, s3;
	s9 =	sshll.u32 s3, $0x4;
	s3 =	ssub.s32 $0x2, s3  }
0x9: {  	s9 =	sor.u32 s10, s9;
	s10 =	smul.u32 $0x4F000, s10;
	s17 =	sshrl.u32 s3, $0x1  }
0xa: {  	s6 =	sadd.s32 s6, s7;
	s11 =	smul.u32 $0x500, s9;
	s3 =	ssub.s32 s3, s17  }
0xb: {  	s25 =	smul.u32 $0x2800, s9;
	s9 =	simm.s32 $0x2780;
	s0 =	sadd.s32 s6, s0  }
0xc: {  	s18 =	sshrl.u32 s10, $0x2;
	s10 =	simm.s32 $0x0;
	s19 =	sadd.s32 s5, s11  }
0xd: {  	s20 =	sadd.s32 s8, s11;
	s7 =	sadd.s32 s18, s2;
	[dreg:$0x4] =	wrdreg s19  }
0xe: {  	[dreg:$0x5] =	wrdreg s20;
	s6 =	sadd.s32 $0x1400, s7;
	s21 =	sadd.s32 $0x2800, s7  }
0xf: {  	s22 =	sadd.s32 $0x3C00, s7;
	s23 =	sadd.s32 $0x5000, s7;
	[dreg:$0x6] =	wrdreg s6  }
0x10: {  	s24 =	sadd.s32 $0x6400, s7;
	s26 =	sadd.s32 $0x7800, s7;
	[dreg:$0x7] =	wrdreg s21  }
0x11: {  	s14 =	sadd.s32 $0x8C00, s7;
	s15 =	sadd.s32 $0xA000, s7;
	[dreg:$0x8] =	wrdreg s22  }
0x12: {  	s16 =	sadd.s32 $0xB400, s7;
	s17 =	sadd.s32 $0xC800, s7;
	[dreg:$0x9] =	wrdreg s23  }
0x13: {  	s18 =	sadd.s32 $0xDC00, s7;
	s19 =	sadd.s32 $0xF000, s7;
	[dreg:$0xa] =	wrdreg s24  }
0x14: {  	s20 =	sadd.s32 $0x10400, s7;
	[dreg:$0xb] =	wrdreg s26;
	s6 =	sshrl.u32 s25, $0x3  }
0x15: {  	s23 =	sadd.s32 $0x11800, s7;
	s24 =	sadd.s32 $0x17400, s0;
	s25 =	smax.u32 s3, $0x1  }
0x16: {  	s26 =	sadd.s32 $0x12C00, s7;
	s0 =	simm.s32 $0x6800;
	s6 =	sadd.s32 $0x280, s6  }
0x17: {  	s3 =	simm.s32 $0xA800;
	s21 =	sadd.s32 s5, s6;
	s22 =	sadd.s32 s8, s6  }
0x18: {  	v0 =	vimm.f32 $0.0e+00;
	s5 =	simm.s32 $0x1;
	s6 =	simm.s32 $0x2;
	s8 =	simm.s32 $0x2700  }
.LBB2_1:
0x19: {  	s11 =	rddreg [dreg:$0x4]  }
0x1a: {  	[tilespmem:s4], [sflag:$0x3] =	stream.linear.gather [hbm4b:s11+s4], $0x1400, $0x38;
	[tilespmem:$0x1F800] =	vst v63  }
0x1b: {  	_ =	swait.ge [sflag:s28], $0x1400  }
0x1c: {  	[sflag:s28] =	ssyncset.done $0x0  }
0x1d: {  	s13 =	rddreg [dreg:$0x5];
	[sflag:s28] =	ssyncadd.s32 $0xFFFFEC00  }
0x1e: {  	[tilespmem:s29], [sflag:$0x3] =	stream.linear.gather [hbm4b:s13+s4], $0x1400, $0x38;
	[tilespmem:$0x1F800] =	vst v63  }
0x1f: {  	_ =	swait.ge [sflag:s28], $0x1400  }
0x20: {  	[sflag:s28] =	ssyncset.done $0x0  }
0x21: {  	[sflag:s28] =	ssyncadd.s32 $0xFFFFEC00  }
0x22: {  	[tilespmem:s31], [sflag:$0x1] =	stream.indirect.gather [hbm4b:s1+s30], $0x80, s4, s30, $0xb8;
	[tilespmem:$0x1F800] =	vst v63  }
0x23: {  	s12 =	simm.s32 $0x200;
	s11 =	simm.s32 $0x0  }
0x24: {  	[tilespmem:s0], [sflag:$0x2] =	stream.indirect.gather [hbm4b:s1+s30], $0x80, s30, s30, $0xb8;
	[tilespmem:$0x1F800] =	vst v63  }
.LBB2_2:
0x25: {  	p0 =	sne.s32 s12, $0x4E00;
	[tilespmem:s11+$0xA870] =	vst v0  }
0x26: {  	[tilespmem:s11+$0xA800] =	vst v0  }
0x27: {  	[tilespmem:s11+$0xA810] =	vst v0  }
.Ltmp0:
0x28: {  	[tilespmem:s11+$0xA820] =	vst v0;
	(pc) =	sbr.rel @p0 .LBB2_2-.Ltmp0, $4  }
0x29: {  	[tilespmem:s11+$0xA830] =	vst v0  }
0x2a: {  	[tilespmem:s11+$0xA840] =	vst v0  }
0x2b: {  	[tilespmem:s11+$0xA850] =	vst v0  }
0x2c: {  	[tilespmem:s11+$0xA860] =	vst v0;
	s11 =	sshra.s32 s12, $0x2;
	s12 =	sadd.s32 $0x200, s12  }
0x2d: {  	[tilespmem:s11+$0xA870] =	vst v0  }
0x2e: {  	[tilespmem:s11+$0xA800] =	vst v0  }
0x2f: {  	[tilespmem:s11+$0xA810] =	vst v0  }
0x30: {  	[tilespmem:s11+$0xA820] =	vst v0  }
0x31: {  	[tilespmem:s11+$0xA830] =	vst v0  }
0x32: {  	[tilespmem:s11+$0xA840] =	vst v0  }
0x33: {  	[tilespmem:s11+$0xA850] =	vst v0  }
0x34: {  	[tilespmem:s11+$0xA860] =	vst v0  }
0x35: {  	[spmem:s7] =	stream.linear.scatter [tilespmem:s3], [sflag:$0x3], $0x1400, $0x38;
	[tilespmem:$0x1F800] =	vst v63  }
0x36: {  	_ =	swait.ge [sflag:s28], $0x1400  }
0x37: {  	[sflag:s28] =	ssyncset.done $0x0  }
0x38: {  	s13 =	rddreg [dreg:$0x6];
	[sflag:s28] =	ssyncadd.s32 $0xFFFFEC00  }
0x39: {  	[spmem:s13] =	stream.linear.scatter [tilespmem:s3], [sflag:$0x3], $0x1400, $0x38;
	[tilespmem:$0x1F800] =	vst v63  }
0x3a: {  	_ =	swait.ge [sflag:s28], $0x1400  }
0x3b: {  	[sflag:s28] =	ssyncset.done $0x0  }
0x3c: {  	s12 =	rddreg [dreg:$0x7];
	[sflag:s28] =	ssyncadd.s32 $0xFFFFEC00  }
0x3d: {  	[spmem:s12] =	stream.linear.scatter [tilespmem:s3], [sflag:$0x3], $0x1400, $0x38;
	[tilespmem:$0x1F800] =	vst v63  }
0x3e: {  	_ =	swait.ge [sflag:s28], $0x1400  }
0x3f: {  	[sflag:s28] =	ssyncset.done $0x0  }
0x40: {  	s13 =	rddreg [dreg:$0x8];
	[sflag:s28] =	ssyncadd.s32 $0xFFFFEC00  }
0x41: {  	[spmem:s13] =	stream.linear.scatter [tilespmem:s3], [sflag:$0x3], $0x1400, $0x38;
	[tilespmem:$0x1F800] =	vst v63  }
0x42: {  	_ =	swait.ge [sflag:s28], $0x1400  }
0x43: {  	[sflag:s28] =	ssyncset.done $0x0  }
0x44: {  	s12 =	rddreg [dreg:$0x9];
	[sflag:s28] =	ssyncadd.s32 $0xFFFFEC00  }
0x45: {  	[spmem:s12] =	stream.linear.scatter [tilespmem:s3], [sflag:$0x3], $0x1400, $0x38;
	[tilespmem:$0x1F800] =	vst v63  }
0x46: {  	_ =	swait.ge [sflag:s28], $0x1400  }
0x47: {  	[sflag:s28] =	ssyncset.done $0x0  }
0x48: {  	s13 =	rddreg [dreg:$0xa];
	[sflag:s28] =	ssyncadd.s32 $0xFFFFEC00  }
0x49: {  	[spmem:s13] =	stream.linear.scatter [tilespmem:s3], [sflag:$0x3], $0x1400, $0x38;
	[tilespmem:$0x1F800] =	vst v63  }
0x4a: {  	_ =	swait.ge [sflag:s28], $0x1400  }
0x4b: {  	[sflag:s28] =	ssyncset.done $0x0  }
0x4c: {  	s12 =	rddreg [dreg:$0xb];
	[sflag:s28] =	ssyncadd.s32 $0xFFFFEC00  }
0x4d: {  	[spmem:s12] =	stream.linear.scatter [tilespmem:s3], [sflag:$0x3], $0x1400, $0x38;
	[tilespmem:$0x1F800] =	vst v63  }
0x4e: {  	_ =	swait.ge [sflag:s28], $0x1400  }
0x4f: {  	[sflag:s28] =	ssyncset.done $0x0  }
0x50: {  	[sflag:s28] =	ssyncadd.s32 $0xFFFFEC00  }
0x51: {  	[spmem:s14] =	stream.linear.scatter [tilespmem:s3], [sflag:$0x3], $0x1400, $0x38;
	[tilespmem:$0x1F800] =	vst v63  }
0x52: {  	_ =	swait.ge [sflag:s28], $0x1400  }
0x53: {  	[sflag:s28] =	ssyncset.done $0x0  }
0x54: {  	[sflag:s28] =	ssyncadd.s32 $0xFFFFEC00  }
0x55: {  	[spmem:s15] =	stream.linear.scatter [tilespmem:s3], [sflag:$0x3], $0x1400, $0x38;
	[tilespmem:$0x1F800] =	vst v63  }
0x56: {  	_ =	swait.ge [sflag:s28], $0x1400  }
0x57: {  	[sflag:s28] =	ssyncset.done $0x0  }
0x58: {  	[sflag:s28] =	ssyncadd.s32 $0xFFFFEC00  }
0x59: {  	[spmem:s16] =	stream.linear.scatter [tilespmem:s3], [sflag:$0x3], $0x1400, $0x38;
	[tilespmem:$0x1F800] =	vst v63  }
0x5a: {  	_ =	swait.ge [sflag:s28], $0x1400  }
0x5b: {  	[sflag:s28] =	ssyncset.done $0x0  }
0x5c: {  	[sflag:s28] =	ssyncadd.s32 $0xFFFFEC00  }
0x5d: {  	[spmem:s17] =	stream.linear.scatter [tilespmem:s3], [sflag:$0x3], $0x1400, $0x38;
	[tilespmem:$0x1F800] =	vst v63  }
0x5e: {  	_ =	swait.ge [sflag:s28], $0x1400  }
0x5f: {  	[sflag:s28] =	ssyncset.done $0x0  }
0x60: {  	[sflag:s28] =	ssyncadd.s32 $0xFFFFEC00  }
0x61: {  	[spmem:s18] =	stream.linear.scatter [tilespmem:s3], [sflag:$0x3], $0x1400, $0x38;
	[tilespmem:$0x1F800] =	vst v63  }
0x62: {  	_ =	swait.ge [sflag:s28], $0x1400  }
0x63: {  	[sflag:s28] =	ssyncset.done $0x0  }
0x64: {  	[sflag:s28] =	ssyncadd.s32 $0xFFFFEC00  }
0x65: {  	[spmem:s19] =	stream.linear.scatter [tilespmem:s3], [sflag:$0x3], $0x1400, $0x38;
	[tilespmem:$0x1F800] =	vst v63  }
0x66: {  	_ =	swait.ge [sflag:s28], $0x1400  }
0x67: {  	[sflag:s28] =	ssyncset.done $0x0  }
0x68: {  	[sflag:s28] =	ssyncadd.s32 $0xFFFFEC00  }
0x69: {  	[spmem:s20] =	stream.linear.scatter [tilespmem:s3], [sflag:$0x3], $0x1400, $0x38;
	[tilespmem:$0x1F800] =	vst v63  }
0x6a: {  	_ =	swait.ge [sflag:s28], $0x1400  }
0x6b: {  	[sflag:s28] =	ssyncset.done $0x0  }
0x6c: {  	[sflag:s28] =	ssyncadd.s32 $0xFFFFEC00  }
0x6d: {  	[spmem:s23] =	stream.linear.scatter [tilespmem:s3], [sflag:$0x3], $0x1400, $0x38;
	[tilespmem:$0x1F800] =	vst v63  }
0x6e: {  	_ =	swait.ge [sflag:s28], $0x1400  }
0x6f: {  	[sflag:s28] =	ssyncset.done $0x0  }
0x70: {  	[sflag:s28] =	ssyncadd.s32 $0xFFFFEC00  }
0x71: {  	[spmem:s26] =	stream.linear.scatter [tilespmem:s3], [sflag:$0x3], $0x1000, $0x38;
	[tilespmem:$0x1F800] =	vst v63  }
0x72: {  	_ =	swait.ge [sflag:s28], $0x1000  }
0x73: {  	[sflag:s28] =	ssyncset.done $0x0  }
0x74: {  	[sflag:s28] =	ssyncadd.s32 $0xFFFFF000  }
0x75: {  	[bflag:$0x0] =	sbarrier.arrive $0xFFFF  }
0x76: {  	_ =	swait.ge [sflag:s5], $0x4000  }
0x77: {  	[sflag:s5] =	ssyncset.done $0x0  }
0x78: {  	s13 =	simm.s32 $0x1400;
	[sflag:s5] =	ssyncadd.s32 $0xFFFFC000  }
0x79: {  	[spmem:s2] =	stream.indirect.scatter.add.f32 [tilespmem:s31], [sflag:$0x3], $0x80, s13, s30, $0xb8;
	[tilespmem:$0x1F800] =	vst v63  }
0x7a: {  	_ =	swait.ge [sflag:s28], $0x4000  }
0x7b: {  	[sflag:s28] =	ssyncset.done $0x0  }
0x7c: {  	s12 =	simm.s32 $0x100;
	[sflag:s28] =	ssyncadd.s32 $0xFFFFC000  }
0x7d: {  	[tilespmem:s31], [sflag:$0x1] =	stream.indirect.gather [hbm4b:s1+s30], $0x80, s12, s30, $0xb8;
	[tilespmem:$0x1F800] =	vst v63  }
0x7e: {  	_ =	swait.ge [sflag:s6], $0x4000  }
0x7f: {  	[sflag:s6] =	ssyncset.done $0x0  }
0x80: {  	s13 =	simm.s32 $0x1480;
	[sflag:s6] =	ssyncadd.s32 $0xFFFFC000  }
0x81: {  	[spmem:s2] =	stream.indirect.scatter.add.f32 [tilespmem:s0], [sflag:$0x3], $0x80, s13, s30, $0xb8;
	[tilespmem:$0x1F800] =	vst v63  }
0x82: {  	_ =	swait.ge [sflag:s28], $0x4000  }
0x83: {  	[sflag:s28] =	ssyncset.done $0x0  }
0x84: {  	s11 =	simm.s32 $0x400;
	s12 =	simm.s32 $0x180;
	[sflag:s28] =	ssyncadd.s32 $0xFFFFC000  }
.LBB2_4:
0x85: {  	[tilespmem:s0], [sflag:$0x2] =	stream.indirect.gather [hbm4b:s1+s30], $0x80, s12, s30, $0xb8;
	[tilespmem:$0x1F800] =	vst v63  }
0x86: {  	s12 =	smov.u32 s11  }
0x87: {  	p0 =	sne.s32 s11, $0x4800;
	s11 =	sadd.s32 $0x400, s11;
	_ =	swait.ge [sflag:s5], $0x4000  }
0x88: {  	s12 =	sshra.s32 s12, $0x2;
	[sflag:s5] =	ssyncset.done $0x0  }
0x89: {  	s13 =	sadd.s32 $0x1400, s12;
	[sflag:s5] =	ssyncadd.s32 $0xFFFFC000  }
0x8a: {  	[spmem:s2] =	stream.indirect.scatter.add.f32 [tilespmem:s31], [sflag:$0x3], $0x80, s13, s30, $0xb8;
	[tilespmem:$0x1F800] =	vst v63  }
0x8b: {  	_ =	swait.ge [sflag:s28], $0x4000  }
0x8c: {  	[sflag:s28] =	ssyncset.done $0x0  }
0x8d: {  	s13 =	sadd.s32 $0x100, s12;
	[sflag:s28] =	ssyncadd.s32 $0xFFFFC000  }
0x8e: {  	[tilespmem:s31], [sflag:$0x1] =	stream.indirect.gather [hbm4b:s1+s30], $0x80, s13, s30, $0xb8;
	[tilespmem:$0x1F800] =	vst v63  }
0x8f: {  	_ =	swait.ge [sflag:s6], $0x4000  }
0x90: {  	[sflag:s6] =	ssyncset.done $0x0  }
.Ltmp1:
0x91: {  	s13 =	sadd.s32 $0x1480, s12;
	[sflag:s6] =	ssyncadd.s32 $0xFFFFC000;
	(pc) =	sbr.rel @p0 .LBB2_4-.Ltmp1, $4  }
0x92: {  	[spmem:s2] =	stream.indirect.scatter.add.f32 [tilespmem:s0], [sflag:$0x3], $0x80, s13, s30, $0xb8;
	[tilespmem:$0x1F800] =	vst v63  }
0x93: {  	_ =	swait.ge [sflag:s28], $0x4000  }
0x94: {  	[sflag:s28] =	ssyncset.done $0x0  }
0x95: {  	s12 =	sadd.s32 $0x180, s12;
	[sflag:s28] =	ssyncadd.s32 $0xFFFFC000  }
0x96: {  	[tilespmem:s0], [sflag:$0x2] =	stream.indirect.gather [hbm4b:s1+s30], $0x80, s12, s30, $0xb8;
	[tilespmem:$0x1F800] =	vst v63  }
0x97: {  	_ =	swait.ge [sflag:s5], $0x4000  }
0x98: {  	[sflag:s5] =	ssyncset.done $0x0  }
0x99: {  	[sflag:s5] =	ssyncadd.s32 $0xFFFFC000  }
0x9a: {  	[spmem:s2] =	stream.indirect.scatter.add.f32 [tilespmem:s31], [sflag:$0x3], $0x80, s8, s30, $0xb8;
	[tilespmem:$0x1F800] =	vst v63  }
0x9b: {  	_ =	swait.ge [sflag:s28], $0x4000  }
0x9c: {  	[sflag:s28] =	ssyncset.done $0x0  }
0x9d: {  	[sflag:s28] =	ssyncadd.s32 $0xFFFFC000  }
0x9e: {  	_ =	swait.ge [sflag:s6], $0x4000  }
0x9f: {  	[sflag:s6] =	ssyncset.done $0x0  }
0xa0: {  	[sflag:s6] =	ssyncadd.s32 $0xFFFFC000  }
0xa1: {  	[spmem:s2] =	stream.indirect.scatter.add.f32 [tilespmem:s0], [sflag:$0x3], $0x80, s9, s30, $0xb8;
	[tilespmem:$0x1F800] =	vst v63  }
0xa2: {  	_ =	swait.ge [sflag:s28], $0x4000  }
0xa3: {  	[sflag:s28] =	ssyncset.done $0x0  }
0xa4: {  	s11 =	simm.s32 $0x0;
	[sflag:s28] =	ssyncadd.s32 $0xFFFFC000  }
0xa5: {  	[tilespmem:s11], [sflag:$0x3] =	stream.linear.gather [hbm4b:s21+s11], $0x1400, $0x38;
	[tilespmem:$0x1F800] =	vst v63  }
0xa6: {  	_ =	swait.ge [sflag:s28], $0x1400  }
0xa7: {  	[sflag:s28] =	ssyncset.done $0x0  }
0xa8: {  	[sflag:s28] =	ssyncadd.s32 $0xFFFFEC00  }
0xa9: {  	[tilespmem:s29], [sflag:$0x3] =	stream.linear.gather [hbm4b:s22+s11], $0x1400, $0x38;
	[tilespmem:$0x1F800] =	vst v63  }
0xaa: {  	_ =	swait.ge [sflag:s28], $0x1400  }
0xab: {  	[sflag:s28] =	ssyncset.done $0x0  }
0xac: {  	[sflag:s28] =	ssyncadd.s32 $0xFFFFEC00  }
0xad: {  	[tilespmem:s31], [sflag:$0x1] =	stream.indirect.gather [hbm4b:s1+s30], $0x80, s11, s30, $0xb8;
	[tilespmem:$0x1F800] =	vst v63  }
0xae: {  	_ = 	snop  }
0xaf: {  	[tilespmem:s0], [sflag:$0x2] =	stream.indirect.gather [hbm4b:s1+s30], $0x80, s30, s30, $0xb8;
	[tilespmem:$0x1F800] =	vst v63  }
0xb0: {  	_ =	swait.ge [sflag:s5], $0x4000  }
0xb1: {  	[sflag:s5] =	ssyncset.done $0x0  }
0xb2: {  	s13 =	simm.s32 $0x1400;
	[sflag:s5] =	ssyncadd.s32 $0xFFFFC000  }
0xb3: {  	[spmem:s2] =	stream.indirect.scatter.add.f32 [tilespmem:s31], [sflag:$0x3], $0x80, s13, s30, $0xb8;
	[tilespmem:$0x1F800] =	vst v63  }
0xb4: {  	_ =	swait.ge [sflag:s28], $0x4000  }
0xb5: {  	[sflag:s28] =	ssyncset.done $0x0  }
0xb6: {  	s12 =	simm.s32 $0x100;
	[sflag:s28] =	ssyncadd.s32 $0xFFFFC000  }
0xb7: {  	[tilespmem:s31], [sflag:$0x1] =	stream.indirect.gather [hbm4b:s1+s30], $0x80, s12, s30, $0xb8;
	[tilespmem:$0x1F800] =	vst v63  }
0xb8: {  	_ =	swait.ge [sflag:s6], $0x4000  }
0xb9: {  	[sflag:s6] =	ssyncset.done $0x0  }
0xba: {  	s13 =	simm.s32 $0x1480;
	[sflag:s6] =	ssyncadd.s32 $0xFFFFC000  }
0xbb: {  	[spmem:s2] =	stream.indirect.scatter.add.f32 [tilespmem:s0], [sflag:$0x3], $0x80, s13, s30, $0xb8;
	[tilespmem:$0x1F800] =	vst v63  }
0xbc: {  	_ =	swait.ge [sflag:s28], $0x4000  }
0xbd: {  	[sflag:s28] =	ssyncset.done $0x0  }
0xbe: {  	s11 =	simm.s32 $0x400;
	s12 =	simm.s32 $0x180;
	[sflag:s28] =	ssyncadd.s32 $0xFFFFC000  }
.LBB2_6:
0xbf: {  	[tilespmem:s0], [sflag:$0x2] =	stream.indirect.gather [hbm4b:s1+s30], $0x80, s12, s30, $0xb8;
	[tilespmem:$0x1F800] =	vst v63  }
0xc0: {  	s12 =	smov.u32 s11  }
0xc1: {  	p0 =	sne.s32 s11, $0x4800;
	s11 =	sadd.s32 $0x400, s11;
	_ =	swait.ge [sflag:s5], $0x4000  }
0xc2: {  	s12 =	sshra.s32 s12, $0x2;
	[sflag:s5] =	ssyncset.done $0x0  }
0xc3: {  	s13 =	sadd.s32 $0x1400, s12;
	[sflag:s5] =	ssyncadd.s32 $0xFFFFC000  }
0xc4: {  	[spmem:s2] =	stream.indirect.scatter.add.f32 [tilespmem:s31], [sflag:$0x3], $0x80, s13, s30, $0xb8;
	[tilespmem:$0x1F800] =	vst v63  }
0xc5: {  	_ =	swait.ge [sflag:s28], $0x4000  }
0xc6: {  	[sflag:s28] =	ssyncset.done $0x0  }
0xc7: {  	s13 =	sadd.s32 $0x100, s12;
	[sflag:s28] =	ssyncadd.s32 $0xFFFFC000  }
0xc8: {  	[tilespmem:s31], [sflag:$0x1] =	stream.indirect.gather [hbm4b:s1+s30], $0x80, s13, s30, $0xb8;
	[tilespmem:$0x1F800] =	vst v63  }
0xc9: {  	_ =	swait.ge [sflag:s6], $0x4000  }
0xca: {  	[sflag:s6] =	ssyncset.done $0x0  }
.Ltmp2:
0xcb: {  	s13 =	sadd.s32 $0x1480, s12;
	[sflag:s6] =	ssyncadd.s32 $0xFFFFC000;
	(pc) =	sbr.rel @p0 .LBB2_6-.Ltmp2, $4  }
0xcc: {  	[spmem:s2] =	stream.indirect.scatter.add.f32 [tilespmem:s0], [sflag:$0x3], $0x80, s13, s30, $0xb8;
	[tilespmem:$0x1F800] =	vst v63  }
0xcd: {  	_ =	swait.ge [sflag:s28], $0x4000  }
0xce: {  	[sflag:s28] =	ssyncset.done $0x0  }
0xcf: {  	s12 =	sadd.s32 $0x180, s12;
	[sflag:s28] =	ssyncadd.s32 $0xFFFFC000  }
0xd0: {  	[tilespmem:s0], [sflag:$0x2] =	stream.indirect.gather [hbm4b:s1+s30], $0x80, s12, s30, $0xb8;
	[tilespmem:$0x1F800] =	vst v63  }
0xd1: {  	_ =	swait.ge [sflag:s5], $0x4000  }
0xd2: {  	[sflag:s5] =	ssyncset.done $0x0  }
0xd3: {  	[sflag:s5] =	ssyncadd.s32 $0xFFFFC000  }
0xd4: {  	[spmem:s2] =	stream.indirect.scatter.add.f32 [tilespmem:s31], [sflag:$0x3], $0x80, s8, s30, $0xb8;
	[tilespmem:$0x1F800] =	vst v63  }
0xd5: {  	_ =	swait.ge [sflag:s28], $0x4000  }
0xd6: {  	[sflag:s28] =	ssyncset.done $0x0  }
0xd7: {  	[sflag:s28] =	ssyncadd.s32 $0xFFFFC000  }
0xd8: {  	_ =	swait.ge [sflag:s6], $0x4000  }
0xd9: {  	[sflag:s6] =	ssyncset.done $0x0  }
0xda: {  	[sflag:s6] =	ssyncadd.s32 $0xFFFFC000  }
0xdb: {  	[spmem:s2] =	stream.indirect.scatter.add.f32 [tilespmem:s0], [sflag:$0x3], $0x80, s9, s30, $0xb8;
	[tilespmem:$0x1F800] =	vst v63  }
0xdc: {  	s11 =	stileid.u32;
	_ =	swait.ge [sflag:s28], $0x4000  }
0xdd: {  	s13 =	sshrl.u32 s7, $0x3;
	s10 =	sadd.s32 $0x1, s10;
	[sflag:s28] =	ssyncset.done $0x0  }
0xde: {  	s11 =	sshll.u32 s11, $0x6;
	p0 =	sne.s32 s10, s25;
	[sflag:s28] =	ssyncadd.s32 $0xFFFFC000  }
.Ltmp3:
0xdf: {  	s11 =	sor.u32 $0x1C03, s11;
	[bflag:$0x0] =	sbarrier.arrive $0xFFFF;
	(pc) =	sbr.rel @p0 .LBB2_1-.Ltmp3, $4  }
0xe0: {  	[hbm:s24], [sflag:s11] =	dma.local [spmem:s13], $0x2780  }
0xe1: {  	_ =	swait.ge [sflag:s28], $0x2780  }
0xe2: {  	[sflag:s28] =	ssyncset.done $0x0  }
0xe3: {  	[sflag:s28] =	ssyncadd.s32 $0xFFFFD880  }
0xe4: {  	_ =	sfence.sel $0x180000  }
0xe5: {  	[bflag:$0x0] =	sbarrier.arrive $0xFFFF  }
0xe6: {  	_ =	strace $0x9000004D  }
0xe7: {  	s0 =	stileid.u32;
	[bflag:$0x2] =	sbarrier.arrive $0xFFFF  }
0xe8: {  	p0 =	sne.s32 s0, $0x0;
	s0 =	rddreg [dreg:$0x3]  }
0xe9: {  	s0 =	sadd.s32 @!p0 $0x100000, s0  }
0xea: {  	[sflag:s0] =	ssyncadd.tile.s32 @!p0 $0x1;
	_ =	shalt  }
.Lfunc_end2:
_tile_overlayer_lowered:
.L_overlay_start_2:
0xeb: {  	(tag) =	ssettag $0x2  }
0xec: {  	s0 =	rddreg [dreg:$0x0];
	s2 =	stileid.u32  }
0xed: {  	s1 =	rddreg [dreg:$0x1];
	p0 =	sne.s32 s2, $0x0  }
0xee: {  	s3 =	rddreg [dreg:$0x2];
	[bflag:$0x3] =	sbarrier.arrive $0xFFFF;
	s2 =	simm.s32 @!p0 $0x1C03  }
0xef: {  	[timem:s3], [sflag:s2] =	dma.local @!p0 [hbm:s0], s1  }
0xf0: {  	s0 =	simm.s32 @!p0 $0x3  }
0xf1: {  	_ =	swait.ge @!p0 [sflag:s0], s1  }
0xf2: {  	s1 =	ssub.s32 @!p0 $0x0, s1;
	[sflag:s0] =	ssyncset.done @!p0 $0x0  }
0xf3: {  	[sflag:s0] =	ssyncadd.s32 @!p0 s1  }
0xf4: {  	[bflag:$0x3] =	sbarrier.arrive $0xFFFF  }
0xf5: {  	_ =	shalt  }

// kernel: kernel.8.cloned.1.call-start
scs
__scs_entry_jumppad:
0x0: {  	(pc) =	sbr.rel $0x88, $3  }
0x1: {  	(tag) =	ssettag $0x0;
	lr =	simm.s32 $0x1  }
0x2: {  	[smem:$0x3F93] =	sst lr;
	_ =	strace $0xD0000000  }
0x3: {  	_ = 	snop  }
0x4: {  	_ = 	snop  }
0x5: {  	_ = 	snop  }
0x6: {  	_ = 	snop  }
0x7: {  	_ = 	snop  }
__scs_overlays_trampoline_lowered:
0x8: {  	[smem:$0x3FA2] =	sst s0  }
0x9: {  	[smem:$0x3FA3] =	sst s1  }
0xa: {  	[smem:$0x3FA4] =	sst s2  }
0xb: {  	[smem:$0x3FA5] =	sst s3  }
0xc: {  	[smem:$0x3FA6] =	sst s4  }
0xd: {  	[smem:$0x3FA7] =	sst s5  }
0xe: {  	[smem:$0x3FA8] =	sst s6  }
0xf: {  	[smem:$0x3FA9] =	sst s7  }
0x10: {  	[smem:$0x3FAA] =	sst s8  }
0x11: {  	[smem:$0x3FAB] =	sst s9;
	s0 =	simm.s32 @!p0 $0x0  }
0x12: {  	s1 =	sld [smem:$0x3F91];
	s0 =	simm.s32 @p0 $0x1  }
0x13: {  	[smem:$0x3FAC] =	sst s0;
	s0 =	simm.s32 @!p1 $0x0  }
0x14: {  	s2 =	sld [smem:$0x3F90];
	s0 =	simm.s32 @p1 $0x1  }
0x15: {  	[smem:$0x3FAD] =	sst s0;
	s0 =	simm.s32 @!p2 $0x0  }
0x16: {  	s3 =	sld [smem:$0x3FDB];
	s0 =	simm.s32 @p2 $0x1  }
0x17: {  	s4 =	simm.s32 $0x1BF5;
	[smem:$0x3FAF] =	sst s0  }
0x18: {  	s0 =	sld [smem:$0x3F92];
	_ =	swait.ge [sflag:s4], $0x0  }
0x19: {  	s7 =	sld [smem:$0x3F93]  }
0x1a: {  	s8 =	sadd.s32 $0xFFFFE003, lr  }
0x1b: {  	s9 =	sadd.s32 $0xFFFFFEF7, lr;
	s5 =	simm.s32 $0xFFFFFFFF;
	p2 =	slt.u32 s8, $0xFFFFF086  }
0x1c: {  	p1 =	slt.u32 s9, $0xF7A;
	s5 =	simm.s32 @!p2 $0x0  }
0x1d: {  	s5 =	simm.s32 @p1 $0x1;
	p0 =	seq.s32 s7, s2  }
0x1e: {  	s7 =	smul.u32 @!p0 $0xF7A, s2;
	p2 =	seq.s32 @!p0 s5, $0x0  }
0x1f: {  	s9 =	smul.u32 $0xF7A, s1;
	s8 =	simm.s32 @!p0 $0x1BF5;
	p2 =	por !p2, p0  }
0x20: {  	[sflag:s8] =	ssyncset.s32 @!p0 $0xFFFFF086;
	s6 =	sadd.s32 @!p0 s3, s7;
	s7 =	simm.s32 @!p0 $0x108  }
0x21: {  	s3 =	sadd.s32 s3, s9;
	s6 =	sadd.s32 @!p0 $0x88, s6;
	s7 =	simm.s32 @p2 $0x1082  }
0x22: {  	[simem:s7], [sflag:s8] =	dma.local @!p0 [hbm:s6], $0xF7A  }
0x23: {  	s9 =	sor.u32 $0xD0000000, s2;
	s6 =	simm.s32 $0x108;
	_ =	swait.ge @!p0 [sflag:s8], $0x0  }
0x24: {  	s3 =	sadd.s32 $0x88, s3;
	s6 =	simm.s32 @!p1 $0x1082;
	[sflag:s4] =	ssyncset.s32 $0xFFFFF086  }
0x25: {  	[simem:s6], [sflag:s4] =	dma.local [hbm:s3], $0xF7A  }
0x26: {  	[smem:$0x3F93] =	sst s1;
	(tag) =	ssettag s2;
	_ =	strace s9  }
0x27: {  	s1 =	sld [smem:$0x3FA3]  }
0x28: {  	s2 =	sld [smem:$0x3FA4]  }
0x29: {  	s4 =	sld [smem:$0x3FA6]  }
0x2a: {  	p0 =	seq.s32 s5, $0x0;
	s5 =	sld [smem:$0x3FA7]  }
0x2b: {  	s6 =	sld [smem:$0x3FA8]  }
0x2c: {  	s7 =	sld [smem:$0x3FA9]  }
0x2d: {  	s3 =	simm.s32 $0x108;
	s8 =	sld [smem:$0x3FAA]  }
0x2e: {  	s3 =	simm.s32 @!p0 $0x1082;
	s9 =	sld [smem:$0x3FAB]  }
0x2f: {  	lr =	sadd.s32 s0, s3;
	s0 =	sld [smem:$0x3FA2]  }
0x30: {  	s3 =	sld [smem:$0x3FA5]  }
0x31: {  	[smem:$0x3FAE] =	sst s10  }
0x32: {  	s10 =	sld [smem:$0x3FAC];
	_ =	sdelay $0x3  }
0x33: {  	p0 =	seq.s32 s10, $0x1;
	s10 =	sld [smem:$0x3FAE];
	_ =	sdelay $0x3  }
0x34: {  	[smem:$0x3FAE] =	sst s10  }
0x35: {  	s10 =	sld [smem:$0x3FAD];
	_ =	sdelay $0x3  }
0x36: {  	p1 =	seq.s32 s10, $0x1;
	s10 =	sld [smem:$0x3FAE];
	_ =	sdelay $0x3  }
0x37: {  	[smem:$0x3FAE] =	sst s10  }
0x38: {  	s10 =	sld [smem:$0x3FAF]  }
0x39: {  	_ = 	snop;
	(pc) =	sbr.ind lr, $3  }
0x3a: {  	_ = 	snop  }
0x3b: {  	_ = 	snop  }
0x3c: {  	p2 =	seq.s32 s10, $0x1;
	s10 =	sld [smem:$0x3FAE]  }
0x3d: {  	_ =	shalt  }
0x3e: {  	_ =	shalt  }
0x3f: {  	_ =	shalt  }
0x40: {  	_ =	shalt  }
0x41: {  	_ =	shalt  }
0x42: {  	_ =	shalt  }
0x43: {  	_ =	shalt  }
0x44: {  	_ =	shalt  }
0x45: {  	_ =	shalt  }
0x46: {  	_ =	shalt  }
0x47: {  	_ =	shalt  }
0x48: {  	_ =	shalt  }
0x49: {  	_ =	shalt  }
0x4a: {  	_ =	shalt  }
0x4b: {  	_ =	shalt  }
0x4c: {  	_ =	shalt  }
0x4d: {  	_ =	shalt  }
0x4e: {  	_ =	shalt  }
0x4f: {  	_ =	shalt  }
0x50: {  	_ =	shalt  }
0x51: {  	_ =	shalt  }
0x52: {  	_ =	shalt  }
0x53: {  	_ =	shalt  }
0x54: {  	_ =	shalt  }
0x55: {  	_ =	shalt  }
0x56: {  	_ =	shalt  }
0x57: {  	_ =	shalt  }
0x58: {  	_ =	shalt  }
0x59: {  	_ =	shalt  }
0x5a: {  	_ =	shalt  }
0x5b: {  	_ =	shalt  }
0x5c: {  	_ =	shalt  }
0x5d: {  	_ =	shalt  }
0x5e: {  	_ =	shalt  }
0x5f: {  	_ =	shalt  }
0x60: {  	_ =	shalt  }
0x61: {  	_ =	shalt  }
0x62: {  	_ =	shalt  }
0x63: {  	_ =	shalt  }
0x64: {  	_ =	shalt  }
0x65: {  	_ =	shalt  }
0x66: {  	_ =	shalt  }
0x67: {  	_ =	shalt  }
0x68: {  	_ =	shalt  }
0x69: {  	_ =	shalt  }
0x6a: {  	_ =	shalt  }
0x6b: {  	_ =	shalt  }
0x6c: {  	_ =	shalt  }
0x6d: {  	_ =	shalt  }
0x6e: {  	_ =	shalt  }
0x6f: {  	_ =	shalt  }
0x70: {  	_ =	shalt  }
0x71: {  	_ =	shalt  }
0x72: {  	_ =	shalt  }
0x73: {  	_ =	shalt  }
0x74: {  	_ =	shalt  }
0x75: {  	_ =	shalt  }
0x76: {  	_ =	shalt  }
0x77: {  	_ =	shalt  }
0x78: {  	_ =	shalt  }
0x79: {  	_ =	shalt  }
0x7a: {  	_ =	shalt  }
0x7b: {  	_ =	shalt  }
0x7c: {  	_ =	shalt  }
0x7d: {  	_ =	shalt  }
0x7e: {  	_ =	shalt  }
0x7f: {  	_ =	shalt  }
0x80: {  	_ =	shalt  }
0x81: {  	_ =	shalt  }
0x82: {  	_ =	shalt  }
0x83: {  	_ =	shalt  }
0x84: {  	_ =	shalt  }
0x85: {  	_ =	shalt  }
0x86: {  	_ =	shalt  }
0x87: {  	_ =	shalt  }
.Lfunc_end0:
.L_simem_size_0:
called_computation_lowered:
.L_overlay_start_0:
0x88: {  	s2 =	sld [smem:$0x3FD9]  }
0x89: {  	s3 =	sld [smem:$0x3FFE];
	_ =	sdelay $0x1  }
0x8a: {  	s1 =	srdreg.scid  }
0x8b: {  	s0 =	sand.u32 $0x1, s1  }
0x8c: {  	s17 =	sshll.u32 s0, $0xA;
	s2 =	sadd.s32 s3, s2  }
0x8d: {  	s2 =	sadd.s32 s2, s17  }
0x8e: {  	[smem:$0x3FBA] =	sst s2  }
0x8f: {  	_ = 	snop  }
0x90: {  	s2 =	sld [smem:$0x3FC9];
	(tm) =	ssettm $0x1  }
0x91: {  	s18 =	sld [smem:$0x3FFB];
	_ =	sdelay $0x3  }
0x92: {  	_ =	strace s18  }
0x93: {  	s3 =	sld [smem:$0x3FFC];
	_ =	sdelay $0x3  }
0x94: {  	_ =	strace s3  }
0x95: {  	s3 =	sld [smem:$0x3FFD];
	_ =	sdelay $0x3  }
0x96: {  	_ =	strace s3  }
0x97: {  	_ =	strace $0x8FFFFFFF  }
0x98: {  	s19 =	sld [smem:$0x3FDB];
	_ =	sdelay $0x1  }
0x99: {  	s4 =	simm.s32 $_scs_section_size  }
0x9a: {  	s5 =	simm.s32 $_size__tile_overlayer_lowered;
	s6 =	simm.s32 $_tile_overlayer_lowered  }
0x9b: {  	s22 =	simm.s32 $0x1BFF;
	s21 =	sshll.u32 s6, $0x1;
	s3 =	sadd.s32 s4, s19  }
0x9c: {  	s7 =	simm.s32 $0x0;
	s20 =	sshll.u32 s5, $0x1;
	s5 =	sadd.s32 s21, s3  }
0x9d: {  	[timem:s7], [sflag:s22] =	dma.local [hbm:s5], s20  }
0x9e: {  	_ =	swait.ge [sflag:s22], s20  }
0x9f: {  	s4 =	ssub.s32 $0x0, s20;
	[sflag:s22] =	ssyncset.done $0x0  }
0xa0: {  	[sflag:s22] =	ssyncadd.s32 s4;
	_ =	sdelay $0x1  }
0xa1: {  	s23 =	simm.s32 $0x1B8B  }
0xa2: {  	_ =	swait.ge [sflag:s23], $0x1  }
0xa3: {  	[sflag:s23] =	ssyncset.done $0x0  }
0xa4: {  	s25 =	simm.s32 $0x1B8E;
	s24 =	sld [smem:$0x3FFE];
	[sflag:s23] =	ssyncadd.s32 $0xFFFFFFFF  }
0xa5: {  	s26 =	simm.s32 $execute0_lowered;
	[smem:$0x3FD2] =	sst s25  }
0xa6: {  	s5 =	sshll.u32 s26, $0x1;
	_ =	strace $0x80000046;
	[dreg:$0x1] =	wrdreg $0xFFFFFFFF  }
0xa7: {  	s28 =	simm.s32 $_size_execute0_lowered;
	s3 =	sadd.s32 s3, s5;
	[dreg:$0x0] =	wrdreg $0x0  }
0xa8: {  	s5 =	sshll.u32 s28, $0x1;
	[dreg:$0x2] =	wrdreg s3  }
0xa9: {  	[dreg:$0x3] =	wrdreg s5  }
0xaa: {  	[dreg:$0x4] =	wrdreg $0xC0  }
0xab: {  	_ =	task [dreg:s7], $0x5FFFF  }
0xac: {  	[dreg:$0x1] =	wrdreg $0xFFFFFFFF  }
0xad: {  	[dreg:$0x0] =	wrdreg $0x60  }
0xae: {  	[dreg:$0x2] =	wrdreg s2  }
0xaf: {  	[dreg:$0x3] =	wrdreg s24  }
0xb0: {  	[dreg:$0x4] =	wrdreg $0xBC000  }
0xb1: {  	[dreg:$0x5] =	wrdreg $0x9  }
0xb2: {  	_ =	task.clear_ibuf [dreg:s7], $0x6FFFF;
	_ =	strace $0x90000046  }
0xb3: {  	s29 =	simm.s32 $0x9;
	_ =	strace $0x80000048  }
0xb4: {  	_ =	swait.ge [sflag:s29], $0x1  }
0xb5: {  	[sflag:s29] =	ssyncadd.s32 $0xFFFFFFFF  }
0xb6: {  	_ =	strace $0x90000048  }
0xb7: {  	_ =	sfence  }
0xb8: {  	s30 =	sld [smem:$0x0];
	_ =	sdelay $0x2  }
0xb9: {  	s31 =	sshll.u32 s1, $0xD;
	s1 =	sshrl.u32 s1, $0x2  }
0xba: {  	s3 =	sand.u32 $0x4000, s31;
	s1 =	sadd.s32 s1, s30  }
0xbb: {  	s0 =	sor.u32 s3, s0;
	s1 =	sshll.u32 s1, $0x11  }
0xbc: {  	s0 =	sor.u32 s1, s0  }
0xbd: {  	s0 =	sadd.s32 $0x8F2B, s0  }
0xbe: {  	[sflag:s0] =	ssyncadd.remote.s32 $0x1  }
0xbf: {  	_ =	sfence.sel $0xFFFF  }
0xc0: {  	[dreg:$0x0] =	wrdreg $0xFFFFFFFF;
	(pc) =	sbr.abs _section_cstart, $3  }
0xc1: {  	[dreg:$0x1] =	wrdreg $0xFFFFFFFF  }
0xc2: {  	_ =	task.clear_ibuf [dreg:s7], $0x2FFFF;
	_ =	strace $0x9FFFFFFF  }
0xc3: {  	(tm) =	ssettm $0x7FFFFFFF  }
tec
execute0_lowered:
.L_overlay_start_1:
0x0: {  	(tag) =	ssettag $0x1  }
0x1: {  	s1 =	rddreg [dreg:$0x0]  }
0x2: {  	s0 =	rddreg [dreg:$0x1]  }
0x3: {  	s2 =	rddreg [dreg:$0x2];
	s4 =	simm.s32 $0x0  }
0x4: {  	s3 =	srdreg.scid;
	s10 =	stileid.u32;
	s28 =	simm.s32 $0x3  }
0x5: {  	s29 =	simm.s32 $0x1400;
	s30 =	simm.s32 $0x80;
	s31 =	simm.s32 $0x2800  }
0x6: {  	[smem:$0x7FF] =	sst s4;
	s5 =	sadd.s32 $0x3400, s0;
	s3 =	sand.u32 $0x1, s3  }
0x7: {  	s6 =	smul.u32 $0x2780, s10;
	s8 =	sadd.s32 $0xD400, s0;
	_ =	strace $0x80000047  }
0x8: {  	s7 =	smul.u32 $0x27800, s3;
	s9 =	sshll.u32 s3, $0x4;
	s3 =	ssub.s32 $0x2, s3  }
0x9: {  	s9 =	sor.u32 s10, s9;
	s10 =	smul.u32 $0x4F000, s10;
	s17 =	sshrl.u32 s3, $0x1  }
0xa: {  	s6 =	sadd.s32 s6, s7;
	s11 =	smul.u32 $0x500, s9;
	s3 =	ssub.s32 s3, s17  }
0xb: {  	s25 =	smul.u32 $0x2800, s9;
	s9 =	simm.s32 $0x2780;
	s0 =	sadd.s32 s6, s0  }
0xc: {  	s18 =	sshrl.u32 s10, $0x2;
	s10 =	simm.s32 $0x0;
	s19 =	sadd.s32 s5, s11  }
0xd: {  	s20 =	sadd.s32 s8, s11;
	s7 =	sadd.s32 s18, s2;
	[dreg:$0x4] =	wrdreg s19  }
0xe: {  	[dreg:$0x5] =	wrdreg s20;
	s6 =	sadd.s32 $0x1400, s7;
	s21 =	sadd.s32 $0x2800, s7  }
0xf: {  	s22 =	sadd.s32 $0x3C00, s7;
	s23 =	sadd.s32 $0x5000, s7;
	[dreg:$0x6] =	wrdreg s6  }
0x10: {  	s24 =	sadd.s32 $0x6400, s7;
	s26 =	sadd.s32 $0x7800, s7;
	[dreg:$0x7] =	wrdreg s21  }
0x11: {  	s14 =	sadd.s32 $0x8C00, s7;
	s15 =	sadd.s32 $0xA000, s7;
	[dreg:$0x8] =	wrdreg s22  }
0x12: {  	s16 =	sadd.s32 $0xB400, s7;
	s17 =	sadd.s32 $0xC800, s7;
	[dreg:$0x9] =	wrdreg s23  }
0x13: {  	s18 =	sadd.s32 $0xDC00, s7;
	s19 =	sadd.s32 $0xF000, s7;
	[dreg:$0xa] =	wrdreg s24  }
0x14: {  	s20 =	sadd.s32 $0x10400, s7;
	[dreg:$0xb] =	wrdreg s26;
	s6 =	sshrl.u32 s25, $0x3  }
0x15: {  	s23 =	sadd.s32 $0x11800, s7;
	s24 =	sadd.s32 $0x17400, s0;
	s25 =	smax.u32 s3, $0x1  }
0x16: {  	s26 =	sadd.s32 $0x12C00, s7;
	s0 =	simm.s32 $0x6800;
	s6 =	sadd.s32 $0x280, s6  }
0x17: {  	s3 =	simm.s32 $0xA800;
	s21 =	sadd.s32 s5, s6;
	s22 =	sadd.s32 s8, s6  }
0x18: {  	v0 =	vimm.f32 $0.0e+00;
	s5 =	simm.s32 $0x1;
	s6 =	simm.s32 $0x2;
	s8 =	simm.s32 $0x2700  }
.LBB2_1:
0x19: {  	s11 =	rddreg [dreg:$0x4]  }
0x1a: {  	[tilespmem:s4], [sflag:$0x3] =	stream.linear.gather [hbm4b:s11+s4], $0x1400, $0x38;
	[tilespmem:$0x1F800] =	vst v63  }
0x1b: {  	_ =	swait.ge [sflag:s28], $0x1400  }
0x1c: {  	[sflag:s28] =	ssyncset.done $0x0  }
0x1d: {  	s13 =	rddreg [dreg:$0x5];
	[sflag:s28] =	ssyncadd.s32 $0xFFFFEC00  }
0x1e: {  	[tilespmem:s29], [sflag:$0x3] =	stream.linear.gather [hbm4b:s13+s4], $0x1400, $0x38;
	[tilespmem:$0x1F800] =	vst v63  }
0x1f: {  	_ =	swait.ge [sflag:s28], $0x1400  }
0x20: {  	[sflag:s28] =	ssyncset.done $0x0  }
0x21: {  	[sflag:s28] =	ssyncadd.s32 $0xFFFFEC00  }
0x22: {  	[tilespmem:s31], [sflag:$0x1] =	stream.indirect.gather [hbm4b:s1+s30], $0x80, s4, s30, $0xb8;
	[tilespmem:$0x1F800] =	vst v63  }
0x23: {  	s12 =	simm.s32 $0x200;
	s11 =	simm.s32 $0x0  }
0x24: {  	[tilespmem:s0], [sflag:$0x2] =	stream.indirect.gather [hbm4b:s1+s30], $0x80, s30, s30, $0xb8;
	[tilespmem:$0x1F800] =	vst v63  }
.LBB2_2:
0x25: {  	p0 =	sne.s32 s12, $0x4E00;
	[tilespmem:s11+$0xA870] =	vst v0  }
0x26: {  	[tilespmem:s11+$0xA800] =	vst v0  }
0x27: {  	[tilespmem:s11+$0xA810] =	vst v0  }
.Ltmp0:
0x28: {  	[tilespmem:s11+$0xA820] =	vst v0;
	(pc) =	sbr.rel @p0 .LBB2_2-.Ltmp0, $4  }
0x29: {  	[tilespmem:s11+$0xA830] =	vst v0  }
0x2a: {  	[tilespmem:s11+$0xA840] =	vst v0  }
0x2b: {  	[tilespmem:s11+$0xA850] =	vst v0  }
0x2c: {  	[tilespmem:s11+$0xA860] =	vst v0;
	s11 =	sshra.s32 s12, $0x2;
	s12 =	sadd.s32 $0x200, s12  }
0x2d: {  	[tilespmem:s11+$0xA870] =	vst v0  }
0x2e: {  	[tilespmem:s11+$0xA800] =	vst v0  }
0x2f: {  	[tilespmem:s11+$0xA810] =	vst v0  }
0x30: {  	[tilespmem:s11+$0xA820] =	vst v0  }
0x31: {  	[tilespmem:s11+$0xA830] =	vst v0  }
0x32: {  	[tilespmem:s11+$0xA840] =	vst v0  }
0x33: {  	[tilespmem:s11+$0xA850] =	vst v0  }
0x34: {  	[tilespmem:s11+$0xA860] =	vst v0  }
0x35: {  	[spmem:s7] =	stream.linear.scatter [tilespmem:s3], [sflag:$0x3], $0x1400, $0x38;
	[tilespmem:$0x1F800] =	vst v63  }
0x36: {  	_ =	swait.ge [sflag:s28], $0x1400  }
0x37: {  	[sflag:s28] =	ssyncset.done $0x0  }
0x38: {  	s13 =	rddreg [dreg:$0x6];
	[sflag:s28] =	ssyncadd.s32 $0xFFFFEC00  }
0x39: {  	[spmem:s13] =	stream.linear.scatter [tilespmem:s3], [sflag:$0x3], $0x1400, $0x38;
	[tilespmem:$0x1F800] =	vst v63  }
0x3a: {  	_ =	swait.ge [sflag:s28], $0x1400  }
0x3b: {  	[sflag:s28] =	ssyncset.done $0x0  }
0x3c: {  	s12 =	rddreg [dreg:$0x7];
	[sflag:s28] =	ssyncadd.s32 $0xFFFFEC00  }
0x3d: {  	[spmem:s12] =	stream.linear.scatter [tilespmem:s3], [sflag:$0x3], $0x1400, $0x38;
	[tilespmem:$0x1F800] =	vst v63  }
0x3e: {  	_ =	swait.ge [sflag:s28], $0x1400  }
0x3f: {  	[sflag:s28] =	ssyncset.done $0x0  }
0x40: {  	s13 =	rddreg [dreg:$0x8];
	[sflag:s28] =	ssyncadd.s32 $0xFFFFEC00  }
0x41: {  	[spmem:s13] =	stream.linear.scatter [tilespmem:s3], [sflag:$0x3], $0x1400, $0x38;
	[tilespmem:$0x1F800] =	vst v63  }
0x42: {  	_ =	swait.ge [sflag:s28], $0x1400  }
0x43: {  	[sflag:s28] =	ssyncset.done $0x0  }
0x44: {  	s12 =	rddreg [dreg:$0x9];
	[sflag:s28] =	ssyncadd.s32 $0xFFFFEC00  }
0x45: {  	[spmem:s12] =	stream.linear.scatter [tilespmem:s3], [sflag:$0x3], $0x1400, $0x38;
	[tilespmem:$0x1F800] =	vst v63  }
0x46: {  	_ =	swait.ge [sflag:s28], $0x1400  }
0x47: {  	[sflag:s28] =	ssyncset.done $0x0  }
0x48: {  	s13 =	rddreg [dreg:$0xa];
	[sflag:s28] =	ssyncadd.s32 $0xFFFFEC00  }
0x49: {  	[spmem:s13] =	stream.linear.scatter [tilespmem:s3], [sflag:$0x3], $0x1400, $0x38;
	[tilespmem:$0x1F800] =	vst v63  }
0x4a: {  	_ =	swait.ge [sflag:s28], $0x1400  }
0x4b: {  	[sflag:s28] =	ssyncset.done $0x0  }
0x4c: {  	s12 =	rddreg [dreg:$0xb];
	[sflag:s28] =	ssyncadd.s32 $0xFFFFEC00  }
0x4d: {  	[spmem:s12] =	stream.linear.scatter [tilespmem:s3], [sflag:$0x3], $0x1400, $0x38;
	[tilespmem:$0x1F800] =	vst v63  }
0x4e: {  	_ =	swait.ge [sflag:s28], $0x1400  }
0x4f: {  	[sflag:s28] =	ssyncset.done $0x0  }
0x50: {  	[sflag:s28] =	ssyncadd.s32 $0xFFFFEC00  }
0x51: {  	[spmem:s14] =	stream.linear.scatter [tilespmem:s3], [sflag:$0x3], $0x1400, $0x38;
	[tilespmem:$0x1F800] =	vst v63  }
0x52: {  	_ =	swait.ge [sflag:s28], $0x1400  }
0x53: {  	[sflag:s28] =	ssyncset.done $0x0  }
0x54: {  	[sflag:s28] =	ssyncadd.s32 $0xFFFFEC00  }
0x55: {  	[spmem:s15] =	stream.linear.scatter [tilespmem:s3], [sflag:$0x3], $0x1400, $0x38;
	[tilespmem:$0x1F800] =	vst v63  }
0x56: {  	_ =	swait.ge [sflag:s28], $0x1400  }
0x57: {  	[sflag:s28] =	ssyncset.done $0x0  }
0x58: {  	[sflag:s28] =	ssyncadd.s32 $0xFFFFEC00  }
0x59: {  	[spmem:s16] =	stream.linear.scatter [tilespmem:s3], [sflag:$0x3], $0x1400, $0x38;
	[tilespmem:$0x1F800] =	vst v63  }
0x5a: {  	_ =	swait.ge [sflag:s28], $0x1400  }
0x5b: {  	[sflag:s28] =	ssyncset.done $0x0  }
0x5c: {  	[sflag:s28] =	ssyncadd.s32 $0xFFFFEC00  }
0x5d: {  	[spmem:s17] =	stream.linear.scatter [tilespmem:s3], [sflag:$0x3], $0x1400, $0x38;
	[tilespmem:$0x1F800] =	vst v63  }
0x5e: {  	_ =	swait.ge [sflag:s28], $0x1400  }
0x5f: {  	[sflag:s28] =	ssyncset.done $0x0  }
0x60: {  	[sflag:s28] =	ssyncadd.s32 $0xFFFFEC00  }
0x61: {  	[spmem:s18] =	stream.linear.scatter [tilespmem:s3], [sflag:$0x3], $0x1400, $0x38;
	[tilespmem:$0x1F800] =	vst v63  }
0x62: {  	_ =	swait.ge [sflag:s28], $0x1400  }
0x63: {  	[sflag:s28] =	ssyncset.done $0x0  }
0x64: {  	[sflag:s28] =	ssyncadd.s32 $0xFFFFEC00  }
0x65: {  	[spmem:s19] =	stream.linear.scatter [tilespmem:s3], [sflag:$0x3], $0x1400, $0x38;
	[tilespmem:$0x1F800] =	vst v63  }
0x66: {  	_ =	swait.ge [sflag:s28], $0x1400  }
0x67: {  	[sflag:s28] =	ssyncset.done $0x0  }
0x68: {  	[sflag:s28] =	ssyncadd.s32 $0xFFFFEC00  }
0x69: {  	[spmem:s20] =	stream.linear.scatter [tilespmem:s3], [sflag:$0x3], $0x1400, $0x38;
	[tilespmem:$0x1F800] =	vst v63  }
0x6a: {  	_ =	swait.ge [sflag:s28], $0x1400  }
0x6b: {  	[sflag:s28] =	ssyncset.done $0x0  }
0x6c: {  	[sflag:s28] =	ssyncadd.s32 $0xFFFFEC00  }
0x6d: {  	[spmem:s23] =	stream.linear.scatter [tilespmem:s3], [sflag:$0x3], $0x1400, $0x38;
	[tilespmem:$0x1F800] =	vst v63  }
0x6e: {  	_ =	swait.ge [sflag:s28], $0x1400  }
0x6f: {  	[sflag:s28] =	ssyncset.done $0x0  }
0x70: {  	[sflag:s28] =	ssyncadd.s32 $0xFFFFEC00  }
0x71: {  	[spmem:s26] =	stream.linear.scatter [tilespmem:s3], [sflag:$0x3], $0x1000, $0x38;
	[tilespmem:$0x1F800] =	vst v63  }
0x72: {  	_ =	swait.ge [sflag:s28], $0x1000  }
0x73: {  	[sflag:s28] =	ssyncset.done $0x0  }
0x74: {  	[sflag:s28] =	ssyncadd.s32 $0xFFFFF000  }
0x75: {  	[bflag:$0x0] =	sbarrier.arrive $0xFFFF  }
0x76: {  	_ =	swait.ge [sflag:s5], $0x4000  }
0x77: {  	[sflag:s5] =	ssyncset.done $0x0  }
0x78: {  	s13 =	simm.s32 $0x1400;
	[sflag:s5] =	ssyncadd.s32 $0xFFFFC000  }
0x79: {  	[spmem:s2] =	stream.indirect.scatter.add.f32 [tilespmem:s31], [sflag:$0x3], $0x80, s13, s30, $0xb8;
	[tilespmem:$0x1F800] =	vst v63  }
0x7a: {  	_ =	swait.ge [sflag:s28], $0x4000  }
0x7b: {  	[sflag:s28] =	ssyncset.done $0x0  }
0x7c: {  	s12 =	simm.s32 $0x100;
	[sflag:s28] =	ssyncadd.s32 $0xFFFFC000  }
0x7d: {  	[tilespmem:s31], [sflag:$0x1] =	stream.indirect.gather [hbm4b:s1+s30], $0x80, s12, s30, $0xb8;
	[tilespmem:$0x1F800] =	vst v63  }
0x7e: {  	_ =	swait.ge [sflag:s6], $0x4000  }
0x7f: {  	[sflag:s6] =	ssyncset.done $0x0  }
0x80: {  	s13 =	simm.s32 $0x1480;
	[sflag:s6] =	ssyncadd.s32 $0xFFFFC000  }
0x81: {  	[spmem:s2] =	stream.indirect.scatter.add.f32 [tilespmem:s0], [sflag:$0x3], $0x80, s13, s30, $0xb8;
	[tilespmem:$0x1F800] =	vst v63  }
0x82: {  	_ =	swait.ge [sflag:s28], $0x4000  }
0x83: {  	[sflag:s28] =	ssyncset.done $0x0  }
0x84: {  	s11 =	simm.s32 $0x400;
	s12 =	simm.s32 $0x180;
	[sflag:s28] =	ssyncadd.s32 $0xFFFFC000  }
.LBB2_4:
0x85: {  	[tilespmem:s0], [sflag:$0x2] =	stream.indirect.gather [hbm4b:s1+s30], $0x80, s12, s30, $0xb8;
	[tilespmem:$0x1F800] =	vst v63  }
0x86: {  	s12 =	smov.u32 s11  }
0x87: {  	p0 =	sne.s32 s11, $0x4800;
	s11 =	sadd.s32 $0x400, s11;
	_ =	swait.ge [sflag:s5], $0x4000  }
0x88: {  	s12 =	sshra.s32 s12, $0x2;
	[sflag:s5] =	ssyncset.done $0x0  }
0x89: {  	s13 =	sadd.s32 $0x1400, s12;
	[sflag:s5] =	ssyncadd.s32 $0xFFFFC000  }
0x8a: {  	[spmem:s2] =	stream.indirect.scatter.add.f32 [tilespmem:s31], [sflag:$0x3], $0x80, s13, s30, $0xb8;
	[tilespmem:$0x1F800] =	vst v63  }
0x8b: {  	_ =	swait.ge [sflag:s28], $0x4000  }
0x8c: {  	[sflag:s28] =	ssyncset.done $0x0  }
0x8d: {  	s13 =	sadd.s32 $0x100, s12;
	[sflag:s28] =	ssyncadd.s32 $0xFFFFC000  }
0x8e: {  	[tilespmem:s31], [sflag:$0x1] =	stream.indirect.gather [hbm4b:s1+s30], $0x80, s13, s30, $0xb8;
	[tilespmem:$0x1F800] =	vst v63  }
0x8f: {  	_ =	swait.ge [sflag:s6], $0x4000  }
0x90: {  	[sflag:s6] =	ssyncset.done $0x0  }
.Ltmp1:
0x91: {  	s13 =	sadd.s32 $0x1480, s12;
	[sflag:s6] =	ssyncadd.s32 $0xFFFFC000;
	(pc) =	sbr.rel @p0 .LBB2_4-.Ltmp1, $4  }
0x92: {  	[spmem:s2] =	stream.indirect.scatter.add.f32 [tilespmem:s0], [sflag:$0x3], $0x80, s13, s30, $0xb8;
	[tilespmem:$0x1F800] =	vst v63  }
0x93: {  	_ =	swait.ge [sflag:s28], $0x4000  }
0x94: {  	[sflag:s28] =	ssyncset.done $0x0  }
0x95: {  	s12 =	sadd.s32 $0x180, s12;
	[sflag:s28] =	ssyncadd.s32 $0xFFFFC000  }
0x96: {  	[tilespmem:s0], [sflag:$0x2] =	stream.indirect.gather [hbm4b:s1+s30], $0x80, s12, s30, $0xb8;
	[tilespmem:$0x1F800] =	vst v63  }
0x97: {  	_ =	swait.ge [sflag:s5], $0x4000  }
0x98: {  	[sflag:s5] =	ssyncset.done $0x0  }
0x99: {  	[sflag:s5] =	ssyncadd.s32 $0xFFFFC000  }
0x9a: {  	[spmem:s2] =	stream.indirect.scatter.add.f32 [tilespmem:s31], [sflag:$0x3], $0x80, s8, s30, $0xb8;
	[tilespmem:$0x1F800] =	vst v63  }
0x9b: {  	_ =	swait.ge [sflag:s28], $0x4000  }
0x9c: {  	[sflag:s28] =	ssyncset.done $0x0  }
0x9d: {  	[sflag:s28] =	ssyncadd.s32 $0xFFFFC000  }
0x9e: {  	_ =	swait.ge [sflag:s6], $0x4000  }
0x9f: {  	[sflag:s6] =	ssyncset.done $0x0  }
0xa0: {  	[sflag:s6] =	ssyncadd.s32 $0xFFFFC000  }
0xa1: {  	[spmem:s2] =	stream.indirect.scatter.add.f32 [tilespmem:s0], [sflag:$0x3], $0x80, s9, s30, $0xb8;
	[tilespmem:$0x1F800] =	vst v63  }
0xa2: {  	_ =	swait.ge [sflag:s28], $0x4000  }
0xa3: {  	[sflag:s28] =	ssyncset.done $0x0  }
0xa4: {  	s11 =	simm.s32 $0x0;
	[sflag:s28] =	ssyncadd.s32 $0xFFFFC000  }
0xa5: {  	[tilespmem:s11], [sflag:$0x3] =	stream.linear.gather [hbm4b:s21+s11], $0x1400, $0x38;
	[tilespmem:$0x1F800] =	vst v63  }
0xa6: {  	_ =	swait.ge [sflag:s28], $0x1400  }
0xa7: {  	[sflag:s28] =	ssyncset.done $0x0  }
0xa8: {  	[sflag:s28] =	ssyncadd.s32 $0xFFFFEC00  }
0xa9: {  	[tilespmem:s29], [sflag:$0x3] =	stream.linear.gather [hbm4b:s22+s11], $0x1400, $0x38;
	[tilespmem:$0x1F800] =	vst v63  }
0xaa: {  	_ =	swait.ge [sflag:s28], $0x1400  }
0xab: {  	[sflag:s28] =	ssyncset.done $0x0  }
0xac: {  	[sflag:s28] =	ssyncadd.s32 $0xFFFFEC00  }
0xad: {  	[tilespmem:s31], [sflag:$0x1] =	stream.indirect.gather [hbm4b:s1+s30], $0x80, s11, s30, $0xb8;
	[tilespmem:$0x1F800] =	vst v63  }
0xae: {  	_ = 	snop  }
0xaf: {  	[tilespmem:s0], [sflag:$0x2] =	stream.indirect.gather [hbm4b:s1+s30], $0x80, s30, s30, $0xb8;
	[tilespmem:$0x1F800] =	vst v63  }
0xb0: {  	_ =	swait.ge [sflag:s5], $0x4000  }
0xb1: {  	[sflag:s5] =	ssyncset.done $0x0  }
0xb2: {  	s13 =	simm.s32 $0x1400;
	[sflag:s5] =	ssyncadd.s32 $0xFFFFC000  }
0xb3: {  	[spmem:s2] =	stream.indirect.scatter.add.f32 [tilespmem:s31], [sflag:$0x3], $0x80, s13, s30, $0xb8;
	[tilespmem:$0x1F800] =	vst v63  }
0xb4: {  	_ =	swait.ge [sflag:s28], $0x4000  }
0xb5: {  	[sflag:s28] =	ssyncset.done $0x0  }
0xb6: {  	s12 =	simm.s32 $0x100;
	[sflag:s28] =	ssyncadd.s32 $0xFFFFC000  }
0xb7: {  	[tilespmem:s31], [sflag:$0x1] =	stream.indirect.gather [hbm4b:s1+s30], $0x80, s12, s30, $0xb8;
	[tilespmem:$0x1F800] =	vst v63  }
0xb8: {  	_ =	swait.ge [sflag:s6], $0x4000  }
0xb9: {  	[sflag:s6] =	ssyncset.done $0x0  }
0xba: {  	s13 =	simm.s32 $0x1480;
	[sflag:s6] =	ssyncadd.s32 $0xFFFFC000  }
0xbb: {  	[spmem:s2] =	stream.indirect.scatter.add.f32 [tilespmem:s0], [sflag:$0x3], $0x80, s13, s30, $0xb8;
	[tilespmem:$0x1F800] =	vst v63  }
0xbc: {  	_ =	swait.ge [sflag:s28], $0x4000  }
0xbd: {  	[sflag:s28] =	ssyncset.done $0x0  }
0xbe: {  	s11 =	simm.s32 $0x400;
	s12 =	simm.s32 $0x180;
	[sflag:s28] =	ssyncadd.s32 $0xFFFFC000  }
.LBB2_6:
0xbf: {  	[tilespmem:s0], [sflag:$0x2] =	stream.indirect.gather [hbm4b:s1+s30], $0x80, s12, s30, $0xb8;
	[tilespmem:$0x1F800] =	vst v63  }
0xc0: {  	s12 =	smov.u32 s11  }
0xc1: {  	p0 =	sne.s32 s11, $0x4800;
	s11 =	sadd.s32 $0x400, s11;
	_ =	swait.ge [sflag:s5], $0x4000  }
0xc2: {  	s12 =	sshra.s32 s12, $0x2;
	[sflag:s5] =	ssyncset.done $0x0  }
0xc3: {  	s13 =	sadd.s32 $0x1400, s12;
	[sflag:s5] =	ssyncadd.s32 $0xFFFFC000  }
0xc4: {  	[spmem:s2] =	stream.indirect.scatter.add.f32 [tilespmem:s31], [sflag:$0x3], $0x80, s13, s30, $0xb8;
	[tilespmem:$0x1F800] =	vst v63  }
0xc5: {  	_ =	swait.ge [sflag:s28], $0x4000  }
0xc6: {  	[sflag:s28] =	ssyncset.done $0x0  }
0xc7: {  	s13 =	sadd.s32 $0x100, s12;
	[sflag:s28] =	ssyncadd.s32 $0xFFFFC000  }
0xc8: {  	[tilespmem:s31], [sflag:$0x1] =	stream.indirect.gather [hbm4b:s1+s30], $0x80, s13, s30, $0xb8;
	[tilespmem:$0x1F800] =	vst v63  }
0xc9: {  	_ =	swait.ge [sflag:s6], $0x4000  }
0xca: {  	[sflag:s6] =	ssyncset.done $0x0  }
.Ltmp2:
0xcb: {  	s13 =	sadd.s32 $0x1480, s12;
	[sflag:s6] =	ssyncadd.s32 $0xFFFFC000;
	(pc) =	sbr.rel @p0 .LBB2_6-.Ltmp2, $4  }
0xcc: {  	[spmem:s2] =	stream.indirect.scatter.add.f32 [tilespmem:s0], [sflag:$0x3], $0x80, s13, s30, $0xb8;
	[tilespmem:$0x1F800] =	vst v63  }
0xcd: {  	_ =	swait.ge [sflag:s28], $0x4000  }
0xce: {  	[sflag:s28] =	ssyncset.done $0x0  }
0xcf: {  	s12 =	sadd.s32 $0x180, s12;
	[sflag:s28] =	ssyncadd.s32 $0xFFFFC000  }
0xd0: {  	[tilespmem:s0], [sflag:$0x2] =	stream.indirect.gather [hbm4b:s1+s30], $0x80, s12, s30, $0xb8;
	[tilespmem:$0x1F800] =	vst v63  }
0xd1: {  	_ =	swait.ge [sflag:s5], $0x4000  }
0xd2: {  	[sflag:s5] =	ssyncset.done $0x0  }
0xd3: {  	[sflag:s5] =	ssyncadd.s32 $0xFFFFC000  }
0xd4: {  	[spmem:s2] =	stream.indirect.scatter.add.f32 [tilespmem:s31], [sflag:$0x3], $0x80, s8, s30, $0xb8;
	[tilespmem:$0x1F800] =	vst v63  }
0xd5: {  	_ =	swait.ge [sflag:s28], $0x4000  }
0xd6: {  	[sflag:s28] =	ssyncset.done $0x0  }
0xd7: {  	[sflag:s28] =	ssyncadd.s32 $0xFFFFC000  }
0xd8: {  	_ =	swait.ge [sflag:s6], $0x4000  }
0xd9: {  	[sflag:s6] =	ssyncset.done $0x0  }
0xda: {  	[sflag:s6] =	ssyncadd.s32 $0xFFFFC000  }
0xdb: {  	[spmem:s2] =	stream.indirect.scatter.add.f32 [tilespmem:s0], [sflag:$0x3], $0x80, s9, s30, $0xb8;
	[tilespmem:$0x1F800] =	vst v63  }
0xdc: {  	s11 =	stileid.u32;
	_ =	swait.ge [sflag:s28], $0x4000  }
0xdd: {  	s13 =	sshrl.u32 s7, $0x3;
	s10 =	sadd.s32 $0x1, s10;
	[sflag:s28] =	ssyncset.done $0x0  }
0xde: {  	s11 =	sshll.u32 s11, $0x6;
	p0 =	sne.s32 s10, s25;
	[sflag:s28] =	ssyncadd.s32 $0xFFFFC000  }
.Ltmp3:
0xdf: {  	s11 =	sor.u32 $0x1C03, s11;
	[bflag:$0x0] =	sbarrier.arrive $0xFFFF;
	(pc) =	sbr.rel @p0 .LBB2_1-.Ltmp3, $4  }
0xe0: {  	[hbm:s24], [sflag:s11] =	dma.local [spmem:s13], $0x2780  }
0xe1: {  	_ =	swait.ge [sflag:s28], $0x2780  }
0xe2: {  	[sflag:s28] =	ssyncset.done $0x0  }
0xe3: {  	[sflag:s28] =	ssyncadd.s32 $0xFFFFD880  }
0xe4: {  	_ =	sfence.sel $0x180000  }
0xe5: {  	[bflag:$0x0] =	sbarrier.arrive $0xFFFF  }
0xe6: {  	_ =	strace $0x90000047  }
0xe7: {  	s0 =	stileid.u32;
	[bflag:$0x2] =	sbarrier.arrive $0xFFFF  }
0xe8: {  	p0 =	sne.s32 s0, $0x0;
	s0 =	rddreg [dreg:$0x3]  }
0xe9: {  	s0 =	sadd.s32 @!p0 $0x100000, s0  }
0xea: {  	[sflag:s0] =	ssyncadd.tile.s32 @!p0 $0x1;
	_ =	shalt  }
.Lfunc_end2:
_tile_overlayer_lowered:
.L_overlay_start_2:
0xeb: {  	(tag) =	ssettag $0x2  }
0xec: {  	s0 =	rddreg [dreg:$0x0];
	s2 =	stileid.u32  }
0xed: {  	s1 =	rddreg [dreg:$0x1];
	p0 =	sne.s32 s2, $0x0  }
0xee: {  	s3 =	rddreg [dreg:$0x2];
	[bflag:$0x3] =	sbarrier.arrive $0xFFFF;
	s2 =	simm.s32 @!p0 $0x1C03  }
0xef: {  	[timem:s3], [sflag:s2] =	dma.local @!p0 [hbm:s0], s1  }
0xf0: {  	s0 =	simm.s32 @!p0 $0x3  }
0xf1: {  	_ =	swait.ge @!p0 [sflag:s0], s1  }
0xf2: {  	s1 =	ssub.s32 @!p0 $0x0, s1;
	[sflag:s0] =	ssyncset.done @!p0 $0x0  }
0xf3: {  	[sflag:s0] =	ssyncadd.s32 @!p0 s1  }
0xf4: {  	[bflag:$0x3] =	sbarrier.arrive $0xFFFF  }
0xf5: {  	_ =	shalt  }

</sc_bundles>
